<compile_context>
chip_gen: v7x
topology: tpu7x:2x2x1
jax: 0.10.2.dev20260603
libtpu: 0.0.44.dev20260713+nightly
codegen_flags: <defaults>
</compile_context>

<pallas_src>
import functools

import jax
import jax.numpy as jnp
from jax import lax
from jax.experimental import pallas as pl
from jax.experimental.pallas import tpu as pltpu
from jax.experimental.pallas import tpu_sc as plsc

D = 16
NC = 2
NS = 16
NW = NC * NS
BATCH = 16384
PER_W = BATCH // NW
WAVE = 16
NWAVE = PER_W // WAVE

_mesh = plsc.VectorSubcoreMesh(core_axis_name="c", subcore_axis_name="s")


@functools.partial(
    pl.kernel,
    mesh=_mesh,
    compiler_params=pltpu.CompilerParams(
        needs_layout_passes=False,
        use_tc_tiling_on_sc=True,
        disable_bounds_checks=True,
    ),
    out_type=jax.ShapeDtypeStruct((BATCH,), jnp.float32),
    scratch_types=[
        pltpu.VMEM((PER_W,), jnp.int32),
        pltpu.VMEM((PER_W,), jnp.int32),
        pltpu.VMEM((WAVE * D, 128), jnp.float32),
        pltpu.VMEM((WAVE * D, 128), jnp.float32),
        pltpu.VMEM((PER_W,), jnp.float32),
        pltpu.VMEM((24, 128), jnp.float32),
        pltpu.SemaphoreType.DMA,
    ],
)
def _gmf_sc(uidx_hbm, iidx_hbm, ut_hbm, it_hbm, wb_hbm, out_hbm,
            uiv, iiv, uslab, islab, obuf_v, wb_v, sem):
    wid = lax.axis_index("s") * NC + lax.axis_index("c")
    base = wid * PER_W

    pltpu.sync_copy(uidx_hbm.at[pl.ds(base, PER_W)], uiv)
    pltpu.sync_copy(iidx_hbm.at[pl.ds(base, PER_W)], iiv)
    pltpu.sync_copy(wb_hbm, wb_v)

    iot = lax.iota(jnp.int32, D)
    wregs = [wb_v[d, pl.ds(0, D)] for d in range(D)]
    bias = wb_v[D, pl.ds(0, D)]

    def wave_body(w, carry):
        uqv = (uiv[pl.ds(w * WAVE, WAVE)] >> 7) << 7
        iqv = (iiv[pl.ds(w * WAVE, WAVE)] >> 7) << 7
        handles = []
        for j in range(WAVE):
            uq = pl.multiple_of(uqv[j], 128)
            iq = pl.multiple_of(iqv[j], 128)
            for p in range(2):
                handles.append(pltpu.async_copy(
                    ut_hbm.at[pl.ds(p * 8, 8), pl.ds(uq, 128)],
                    uslab.at[pl.ds(j * D + p * 8, 8)], sem))
                handles.append(pltpu.async_copy(
                    it_hbm.at[pl.ds(p * 8, 8), pl.ds(iq, 128)],
                    islab.at[pl.ds(j * D + p * 8, 8)], sem))
        for h in handles:
            h.wait()

        uc = uiv[pl.ds(w * WAVE, WAVE)] & 127
        ic = iiv[pl.ds(w * WAVE, WAVE)] & 127
        acc = bias
        for d in range(D):
            rows = iot * D + d
            uv = plsc.load_gather(uslab, [rows, uc])
            iv = plsc.load_gather(islab, [rows, ic])
            acc = acc + uv * iv * wregs[d]
        obuf_v[pl.ds(w * WAVE, WAVE)] = jnp.maximum(acc, 0.0)
        return carry

    lax.fori_loop(0, NWAVE, wave_body, 0)

    pltpu.sync_copy(obuf_v, out_hbm.at[pl.ds(base, PER_W)])


def kernel(user, item, user_table, item_table, W, b):
    u = user.astype(jnp.int32)
    i = item.astype(jnp.int32)
    ut_t = user_table.T
    it_t = item_table.T
    wb = jnp.concatenate(
        [
            jnp.broadcast_to(W.reshape(D, 1), (D, 128)),
            jnp.broadcast_to(b.reshape(1, 1), (1, 128)),
            jnp.zeros((24 - D - 1, 128), jnp.float32),
        ],
        axis=0,
    )
    out = _gmf_sc(u, i, ut_t, it_t, wb)
    return out.reshape(BATCH, 1)

# --- scband reference (transcript-rebuilt; emitter-appended) ---
"""Pipeline reference for scband-gmf-31748398252658 (READ-ONLY COPY).

The authoritative reference and input builder live on the scoring server;
editing this copy changes nothing except your own understanding.
"""

import jax, jax.numpy as jnp
import numpy as np

NUM_USERS = 1000000
NUM_ITEMS = 1000000
EMBED_DIM = 16
BATCH = 16384

def setup_inputs(seed: int = 0) -> dict:
    key = jax.random.key(seed)
    k1, k2, k3, k4, k5, k6 = jax.random.split(key, 6)
    user = jax.random.randint(k1, (BATCH,), 0, NUM_USERS, dtype=jnp.int64 if jax.config.jax_enable_x64 else jnp.int32)
    item = jax.random.randint(k2, (BATCH,), 0, NUM_ITEMS, dtype=jnp.int64 if jax.config.jax_enable_x64 else jnp.int32)
    user_table = jax.random.normal(k3, (NUM_USERS, EMBED_DIM), dtype=jnp.float32)
    item_table = jax.random.normal(k4, (NUM_ITEMS, EMBED_DIM), dtype=jnp.float32)
    # nn.Linear(16, 1): weight [1, 16], bias [1]
    W = jax.random.normal(k5, (1, EMBED_DIM), dtype=jnp.float32) * (1.0 / np.sqrt(EMBED_DIM))
    b = jax.random.normal(k6, (1,), dtype=jnp.float32) * 0.01
    return {"user": user, "item": item, "user_table": user_table, "item_table": item_table, "W": W, "b": b}

def reference(user, item, user_table, item_table, W, b):
    u_emb = jnp.take(user_table, user, axis=0)      # [B, 16]
    i_emb = jnp.take(item_table, item, axis=0)      # [B, 16]
    embedding_vec = u_emb * i_emb                    # elementwise mul
    pred = embedding_vec @ W.T + b                   # [B, 1]
    outputs = jax.nn.relu(pred)
    return outputs

if __name__ == "__main__":
    import jax
    _d = setup_inputs()
    print(jax.jit(kernel)(*tuple(_d.values())))

</pallas_src>

<mosaic_0001>
#map = affine_map<(d0, d1) -> (0)>
#map1 = affine_map<(d0, d1) -> (0, 0)>
module attributes {stable_mosaic.version = 14 : i64} {
  func.func @_gmf_sc(%arg0: i32, %arg1: i32, %arg2: memref<16384xi32, #tpu.memory_space<hbm>>, %arg3: memref<16384xi32, #tpu.memory_space<hbm>>, %arg4: memref<16x1000000xf32, #tpu.memory_space<hbm>>, %arg5: memref<16x1000000xf32, #tpu.memory_space<hbm>>, %arg6: memref<24x128xf32, #tpu.memory_space<hbm>>, %arg7: memref<16384xf32, #tpu.memory_space<hbm>>, %arg8: memref<512xi32, #tpu.memory_space<vmem>>, %arg9: memref<512xi32, #tpu.memory_space<vmem>>, %arg10: memref<256x128xf32, #tpu.memory_space<vmem>>, %arg11: memref<256x128xf32, #tpu.memory_space<vmem>>, %arg12: memref<512xf32, #tpu.memory_space<vmem>>, %arg13: memref<24x128xf32, #tpu.memory_space<vmem>>, %arg14: memref<!tpu.dma_semaphore, #tpu.memory_space<semaphore_mem>>) attributes {dimension_semantics = [#tpu.dimension_semantics<core_parallel>, #tpu.dimension_semantics<subcore_parallel>], iteration_bounds = array<i64: 2, 16>, scalar_prefetch = 0 : i64, scratch_operands = 7 : i64, tpu.core_type = #tpu.core_type<sc_vector_subcore>, window_params = [{transform_indices = #map}, {transform_indices = #map}, {transform_indices = #map1}, {transform_indices = #map1}, {transform_indices = #map1}, {transform_indices = #map}]} {
    %mul3A = arith.constant 2 : i32
    %mul3A_0 = arith.muli %arg1, %mul3A : i32
    %add3A = arith.addi %mul3A_0, %arg0 : i32
    %mul3A_1 = arith.constant 512 : i32
    %mul3A_2 = arith.muli %add3A, %mul3A_1 : i32
    "tpu.region"() ({
      %run_scoped3A = tpu.sem_alloc : memref<!tpu.dma_semaphore, #tpu.memory_space<semaphore_mem>>
      %dma_start3A = tpu.memref_slice %arg2[%mul3A_2] : memref<16384xi32, #tpu.memory_space<hbm>> -> memref<512xi32, #tpu.memory_space<hbm>>
      %dma_start3A_75 = tpu.memref_slice %arg2[%mul3A_2] : memref<16384xi32, #tpu.memory_space<hbm>> -> memref<512xi32, #tpu.memory_space<hbm>>
      tpu.enqueue_dma source(%dma_start3A_75 : memref<512xi32, #tpu.memory_space<hbm>>) target(%arg8 : memref<512xi32, #tpu.memory_space<vmem>>) target_semaphore(%run_scoped3A : memref<!tpu.dma_semaphore, #tpu.memory_space<semaphore_mem>>)
      %dma_wait3A = tpu.memref_slice %arg2[%mul3A_2] : memref<16384xi32, #tpu.memory_space<hbm>> -> memref<512xi32, #tpu.memory_space<hbm>>
      %dma_wait3A_76 = tpu.memref_slice %arg2[%mul3A_2] : memref<16384xi32, #tpu.memory_space<hbm>> -> memref<512xi32, #tpu.memory_space<hbm>>
      tpu.wait_dma2 semaphore(%run_scoped3A : memref<!tpu.dma_semaphore, #tpu.memory_space<semaphore_mem>>) src(%dma_wait3A_76 : memref<512xi32, #tpu.memory_space<hbm>>) dst(%arg8 : memref<512xi32, #tpu.memory_space<vmem>>)
      tpu.yield
    }) : () -> ()
    "tpu.region"() ({
      %run_scoped3A = tpu.sem_alloc : memref<!tpu.dma_semaphore, #tpu.memory_space<semaphore_mem>>
      %dma_start3A = tpu.memref_slice %arg3[%mul3A_2] : memref<16384xi32, #tpu.memory_space<hbm>> -> memref<512xi32, #tpu.memory_space<hbm>>
      %dma_start3A_75 = tpu.memref_slice %arg3[%mul3A_2] : memref<16384xi32, #tpu.memory_space<hbm>> -> memref<512xi32, #tpu.memory_space<hbm>>
      tpu.enqueue_dma source(%dma_start3A_75 : memref<512xi32, #tpu.memory_space<hbm>>) target(%arg9 : memref<512xi32, #tpu.memory_space<vmem>>) target_semaphore(%run_scoped3A : memref<!tpu.dma_semaphore, #tpu.memory_space<semaphore_mem>>)
      %dma_wait3A = tpu.memref_slice %arg3[%mul3A_2] : memref<16384xi32, #tpu.memory_space<hbm>> -> memref<512xi32, #tpu.memory_space<hbm>>
      %dma_wait3A_76 = tpu.memref_slice %arg3[%mul3A_2] : memref<16384xi32, #tpu.memory_space<hbm>> -> memref<512xi32, #tpu.memory_space<hbm>>
      tpu.wait_dma2 semaphore(%run_scoped3A : memref<!tpu.dma_semaphore, #tpu.memory_space<semaphore_mem>>) src(%dma_wait3A_76 : memref<512xi32, #tpu.memory_space<hbm>>) dst(%arg9 : memref<512xi32, #tpu.memory_space<vmem>>)
      tpu.yield
    }) : () -> ()
    "tpu.region"() ({
      %run_scoped3A = tpu.sem_alloc : memref<!tpu.dma_semaphore, #tpu.memory_space<semaphore_mem>>
      tpu.enqueue_dma source(%arg6 : memref<24x128xf32, #tpu.memory_space<hbm>>) target(%arg13 : memref<24x128xf32, #tpu.memory_space<vmem>>) target_semaphore(%run_scoped3A : memref<!tpu.dma_semaphore, #tpu.memory_space<semaphore_mem>>)
      tpu.wait_dma2 semaphore(%run_scoped3A : memref<!tpu.dma_semaphore, #tpu.memory_space<semaphore_mem>>) src(%arg6 : memref<24x128xf32, #tpu.memory_space<hbm>>) dst(%arg13 : memref<24x128xf32, #tpu.memory_space<vmem>>)
      tpu.yield
    }) : () -> ()
    %iota3A = tpu.iota {dimensions = array<i32: 0>} : vector<16xi32>
    %get3A = arith.constant 0 : i32
    %get3A_3 = arith.index_cast %get3A : i32 to index
    %get3A_4 = arith.constant 0 : index
    %get3A_5 = tpu.vector_load %arg13[%get3A_3, %get3A_4] {strides = array<i32>} : memref<24x128xf32, #tpu.memory_space<vmem>>, vector<16xf32>,
    %get3A_6 = arith.constant 1 : i32
    %get3A_7 = arith.index_cast %get3A_6 : i32 to index
    %get3A_8 = arith.constant 0 : index
    %get3A_9 = tpu.vector_load %arg13[%get3A_7, %get3A_8] {strides = array<i32>} : memref<24x128xf32, #tpu.memory_space<vmem>>, vector<16xf32>,
    %get3A_10 = arith.constant 2 : i32
    %get3A_11 = arith.index_cast %get3A_10 : i32 to index
    %get3A_12 = arith.constant 0 : index
    %get3A_13 = tpu.vector_load %arg13[%get3A_11, %get3A_12] {strides = array<i32>} : memref<24x128xf32, #tpu.memory_space<vmem>>, vector<16xf32>,
    %get3A_14 = arith.constant 3 : i32
    %get3A_15 = arith.index_cast %get3A_14 : i32 to index
    %get3A_16 = arith.constant 0 : index
    %get3A_17 = tpu.vector_load %arg13[%get3A_15, %get3A_16] {strides = array<i32>} : memref<24x128xf32, #tpu.memory_space<vmem>>, vector<16xf32>,
    %get3A_18 = arith.constant 4 : i32
    %get3A_19 = arith.index_cast %get3A_18 : i32 to index
    %get3A_20 = arith.constant 0 : index
    %get3A_21 = tpu.vector_load %arg13[%get3A_19, %get3A_20] {strides = array<i32>} : memref<24x128xf32, #tpu.memory_space<vmem>>, vector<16xf32>,
    %get3A_22 = arith.constant 5 : i32
    %get3A_23 = arith.index_cast %get3A_22 : i32 to index
    %get3A_24 = arith.constant 0 : index
    %get3A_25 = tpu.vector_load %arg13[%get3A_23, %get3A_24] {strides = array<i32>} : memref<24x128xf32, #tpu.memory_space<vmem>>, vector<16xf32>,
    %get3A_26 = arith.constant 6 : i32
    %get3A_27 = arith.index_cast %get3A_26 : i32 to index
    %get3A_28 = arith.constant 0 : index
    %get3A_29 = tpu.vector_load %arg13[%get3A_27, %get3A_28] {strides = array<i32>} : memref<24x128xf32, #tpu.memory_space<vmem>>, vector<16xf32>,
    %get3A_30 = arith.constant 7 : i32
    %get3A_31 = arith.index_cast %get3A_30 : i32 to index
    %get3A_32 = arith.constant 0 : index
    %get3A_33 = tpu.vector_load %arg13[%get3A_31, %get3A_32] {strides = array<i32>} : memref<24x128xf32, #tpu.memory_space<vmem>>, vector<16xf32>,
    %get3A_34 = arith.constant 8 : i32
    %get3A_35 = arith.index_cast %get3A_34 : i32 to index
    %get3A_36 = arith.constant 0 : index
    %get3A_37 = tpu.vector_load %arg13[%get3A_35, %get3A_36] {strides = array<i32>} : memref<24x128xf32, #tpu.memory_space<vmem>>, vector<16xf32>,
    %get3A_38 = arith.constant 9 : i32
    %get3A_39 = arith.index_cast %get3A_38 : i32 to index
    %get3A_40 = arith.constant 0 : index
    %get3A_41 = tpu.vector_load %arg13[%get3A_39, %get3A_40] {strides = array<i32>} : memref<24x128xf32, #tpu.memory_space<vmem>>, vector<16xf32>,
    %get3A_42 = arith.constant 10 : i32
    %get3A_43 = arith.index_cast %get3A_42 : i32 to index
    %get3A_44 = arith.constant 0 : index
    %get3A_45 = tpu.vector_load %arg13[%get3A_43, %get3A_44] {strides = array<i32>} : memref<24x128xf32, #tpu.memory_space<vmem>>, vector<16xf32>,
    %get3A_46 = arith.constant 11 : i32
    %get3A_47 = arith.index_cast %get3A_46 : i32 to index
    %get3A_48 = arith.constant 0 : index
    %get3A_49 = tpu.vector_load %arg13[%get3A_47, %get3A_48] {strides = array<i32>} : memref<24x128xf32, #tpu.memory_space<vmem>>, vector<16xf32>,
    %get3A_50 = arith.constant 12 : i32
    %get3A_51 = arith.index_cast %get3A_50 : i32 to index
    %get3A_52 = arith.constant 0 : index
    %get3A_53 = tpu.vector_load %arg13[%get3A_51, %get3A_52] {strides = array<i32>} : memref<24x128xf32, #tpu.memory_space<vmem>>, vector<16xf32>,
    %get3A_54 = arith.constant 13 : i32
    %get3A_55 = arith.index_cast %get3A_54 : i32 to index
    %get3A_56 = arith.constant 0 : index
    %get3A_57 = tpu.vector_load %arg13[%get3A_55, %get3A_56] {strides = array<i32>} : memref<24x128xf32, #tpu.memory_space<vmem>>, vector<16xf32>,
    %get3A_58 = arith.constant 14 : i32
    %get3A_59 = arith.index_cast %get3A_58 : i32 to index
    %get3A_60 = arith.constant 0 : index
    %get3A_61 = tpu.vector_load %arg13[%get3A_59, %get3A_60] {strides = array<i32>} : memref<24x128xf32, #tpu.memory_space<vmem>>, vector<16xf32>,
    %get3A_62 = arith.constant 15 : i32
    %get3A_63 = arith.index_cast %get3A_62 : i32 to index
    %get3A_64 = arith.constant 0 : index
    %get3A_65 = tpu.vector_load %arg13[%get3A_63, %get3A_64] {strides = array<i32>} : memref<24x128xf32, #tpu.memory_space<vmem>>, vector<16xf32>,
    %get3A_66 = arith.constant 16 : i32
    %get3A_67 = arith.index_cast %get3A_66 : i32 to index
    %get3A_68 = arith.constant 0 : index
    %get3A_69 = tpu.vector_load %arg13[%get3A_67, %get3A_68] {strides = array<i32>} : memref<24x128xf32, #tpu.memory_space<vmem>>, vector<16xf32>,
    %scan3A = arith.constant 0 : i32
    %scan3A_70 = arith.constant 0 : i32
    %scan3A_71 = arith.constant 32 : i32
    %scan3A_72 = arith.addi %scan3A_70, %scan3A_71 : i32
    %scan3A_73 = arith.constant 1 : i32
    scf.for %scan3A_75 = %scan3A_70 to %scan3A_72 step %scan3A_73  : i32 {
      %mul3A_76 = arith.constant 16 : i32
      %mul3A_77 = arith.muli %scan3A_75, %mul3A_76 : i32
      %get3A_78 = arith.index_cast %mul3A_77 : i32 to index
      %get3A_79 = tpu.vector_load %arg8[%get3A_78] {strides = array<i32>} : memref<512xi32, #tpu.memory_space<vmem>>, vector<16xi32>,
      %shift_right_arithmetic3A = arith.constant 7 : i32
      %shift_right_arithmetic3A_80 = vector.broadcast %shift_right_arithmetic3A : i32 to vector<16xi32>
      %shift_right_arithmetic3A_81 = arith.shrsi %get3A_79, %shift_right_arithmetic3A_80 : vector<16xi32>
      %shift_left3A = arith.constant 7 : i32
      %shift_left3A_82 = vector.broadcast %shift_left3A : i32 to vector<16xi32>
      %shift_left3A_83 = arith.shli %shift_right_arithmetic3A_81, %shift_left3A_82 : vector<16xi32>
      %mul3A_84 = arith.constant 16 : i32
      %mul3A_85 = arith.muli %scan3A_75, %mul3A_84 : i32
      %get3A_86 = arith.index_cast %mul3A_85 : i32 to index
      %get3A_87 = tpu.vector_load %arg9[%get3A_86] {strides = array<i32>} : memref<512xi32, #tpu.memory_space<vmem>>, vector<16xi32>,
      %shift_right_arithmetic3A_88 = arith.constant 7 : i32
      %shift_right_arithmetic3A_89 = vector.broadcast %shift_right_arithmetic3A_88 : i32 to vector<16xi32>
      %shift_right_arithmetic3A_90 = arith.shrsi %get3A_87, %shift_right_arithmetic3A_89 : vector<16xi32>
      %shift_left3A_91 = arith.constant 7 : i32
      %shift_left3A_92 = vector.broadcast %shift_left3A_91 : i32 to vector<16xi32>
      %shift_left3A_93 = arith.shli %shift_right_arithmetic3A_90, %shift_left3A_92 : vector<16xi32>
      %slice3A = vector.extract_strided_slice %shift_left3A_83 {offsets = [0], sizes = [1], strides = [1]} : vector<16xi32> to vector<1xi32>
      %squeeze3A = vector.extract %slice3A[0] : i32 from vector<1xi32>
      %multiple_of3A = tpu.assume_multiple %squeeze3A, 128 : i32
      %slice3A_94 = vector.extract_strided_slice %shift_left3A_93 {offsets = [0], sizes = [1], strides = [1]} : vector<16xi32> to vector<1xi32>
      %squeeze3A_95 = vector.extract %slice3A_94[0] : i32 from vector<1xi32>
      %multiple_of3A_96 = tpu.assume_multiple %squeeze3A_95, 128 : i32
      %dma_start3A = arith.constant 0 : i32
      %dma_start3A_97 = arith.constant 0 : i32
      %dma_start3A_98 = tpu.memref_slice %arg10[%dma_start3A, %dma_start3A_97] : memref<256x128xf32, #tpu.memory_space<vmem>> -> memref<8x128xf32, #tpu.memory_space<vmem>>
      %dma_start3A_99 = arith.constant 0 : i32
      %dma_start3A_100 = tpu.memref_slice %arg4[%dma_start3A_99, %multiple_of3A] : memref<16x1000000xf32, #tpu.memory_space<hbm>> -> memref<8x128xf32, #tpu.memory_space<hbm>>
      %dma_start3A_101 = arith.constant 0 : i32
      %dma_start3A_102 = arith.constant 0 : i32
      %dma_start3A_103 = tpu.memref_slice %arg10[%dma_start3A_101, %dma_start3A_102] : memref<256x128xf32, #tpu.memory_space<vmem>> -> memref<8x128xf32, #tpu.memory_space<vmem>>
      %dma_start3A_104 = arith.constant 0 : i32
      %dma_start3A_105 = tpu.memref_slice %arg4[%dma_start3A_104, %multiple_of3A] : memref<16x1000000xf32, #tpu.memory_space<hbm>> -> memref<8x128xf32, #tpu.memory_space<hbm>>
      tpu.enqueue_dma source(%dma_start3A_105 : memref<8x128xf32, #tpu.memory_space<hbm>>) target(%dma_start3A_103 : memref<8x128xf32, #tpu.memory_space<vmem>>) target_semaphore(%arg14 : memref<!tpu.dma_semaphore, #tpu.memory_space<semaphore_mem>>)
      %dma_start3A_106 = arith.constant 0 : i32
      %dma_start3A_107 = arith.constant 0 : i32
      %dma_start3A_108 = tpu.memref_slice %arg11[%dma_start3A_106, %dma_start3A_107] : memref<256x128xf32, #tpu.memory_space<vmem>> -> memref<8x128xf32, #tpu.memory_space<vmem>>
      %dma_start3A_109 = arith.constant 0 : i32
      %dma_start3A_110 = tpu.memref_slice %arg5[%dma_start3A_109, %multiple_of3A_96] : memref<16x1000000xf32, #tpu.memory_space<hbm>> -> memref<8x128xf32, #tpu.memory_space<hbm>>
      %dma_start3A_111 = arith.constant 0 : i32
      %dma_start3A_112 = arith.constant 0 : i32
      %dma_start3A_113 = tpu.memref_slice %arg11[%dma_start3A_111, %dma_start3A_112] : memref<256x128xf32, #tpu.memory_space<vmem>> -> memref<8x128xf32, #tpu.memory_space<vmem>>
      %dma_start3A_114 = arith.constant 0 : i32
      %dma_start3A_115 = tpu.memref_slice %arg5[%dma_start3A_114, %multiple_of3A_96] : memref<16x1000000xf32, #tpu.memory_space<hbm>> -> memref<8x128xf32, #tpu.memory_space<hbm>>
      tpu.enqueue_dma source(%dma_start3A_115 : memref<8x128xf32, #tpu.memory_space<hbm>>) target(%dma_start3A_113 : memref<8x128xf32, #tpu.memory_space<vmem>>) target_semaphore(%arg14 : memref<!tpu.dma_semaphore, #tpu.memory_space<semaphore_mem>>)
      %dma_start3A_116 = arith.constant 8 : i32
      %dma_start3A_117 = arith.constant 0 : i32
      %dma_start3A_118 = tpu.memref_slice %arg10[%dma_start3A_116, %dma_start3A_117] : memref<256x128xf32, #tpu.memory_space<vmem>> -> memref<8x128xf32, #tpu.memory_space<vmem>>
      %dma_start3A_119 = arith.constant 8 : i32
      %dma_start3A_120 = tpu.memref_slice %arg4[%dma_start3A_119, %multiple_of3A] : memref<16x1000000xf32, #tpu.memory_space<hbm>> -> memref<8x128xf32, #tpu.memory_space<hbm>>
      %dma_start3A_121 = arith.constant 8 : i32
      %dma_start3A_122 = arith.constant 0 : i32
      %dma_start3A_123 = tpu.memref_slice %arg10[%dma_start3A_121, %dma_start3A_122] : memref<256x128xf32, #tpu.memory_space<vmem>> -> memref<8x128xf32, #tpu.memory_space<vmem>>
      %dma_start3A_124 = arith.constant 8 : i32
      %dma_start3A_125 = tpu.memref_slice %arg4[%dma_start3A_124, %multiple_of3A] : memref<16x1000000xf32, #tpu.memory_space<hbm>> -> memref<8x128xf32, #tpu.memory_space<hbm>>
      tpu.enqueue_dma source(%dma_start3A_125 : memref<8x128xf32, #tpu.memory_space<hbm>>) target(%dma_start3A_123 : memref<8x128xf32, #tpu.memory_space<vmem>>) target_semaphore(%arg14 : memref<!tpu.dma_semaphore, #tpu.memory_space<semaphore_mem>>)
      %dma_start3A_126 = arith.constant 8 : i32
      %dma_start3A_127 = arith.constant 0 : i32
      %dma_start3A_128 = tpu.memref_slice %arg11[%dma_start3A_126, %dma_start3A_127] : memref<256x128xf32, #tpu.memory_space<vmem>> -> memref<8x128xf32, #tpu.memory_space<vmem>>
      %dma_start3A_129 = arith.constant 8 : i32
      %dma_start3A_130 = tpu.memref_slice %arg5[%dma_start3A_129, %multiple_of3A_96] : memref<16x1000000xf32, #tpu.memory_space<hbm>> -> memref<8x128xf32, #tpu.memory_space<hbm>>
      %dma_start3A_131 = arith.constant 8 : i32
      %dma_start3A_132 = arith.constant 0 : i32
      %dma_start3A_133 = tpu.memref_slice %arg11[%dma_start3A_131, %dma_start3A_132] : memref<256x128xf32, #tpu.memory_space<vmem>> -> memref<8x128xf32, #tpu.memory_space<vmem>>
      %dma_start3A_134 = arith.constant 8 : i32
      %dma_start3A_135 = tpu.memref_slice %arg5[%dma_start3A_134, %multiple_of3A_96] : memref<16x1000000xf32, #tpu.memory_space<hbm>> -> memref<8x128xf32, #tpu.memory_space<hbm>>
      tpu.enqueue_dma source(%dma_start3A_135 : memref<8x128xf32, #tpu.memory_space<hbm>>) target(%dma_start3A_133 : memref<8x128xf32, #tpu.memory_space<vmem>>) target_semaphore(%arg14 : memref<!tpu.dma_semaphore, #tpu.memory_space<semaphore_mem>>)
      %slice3A_136 = vector.extract_strided_slice %shift_left3A_83 {offsets = [1], sizes = [1], strides = [1]} : vector<16xi32> to vector<1xi32>
      %squeeze3A_137 = vector.extract %slice3A_136[0] : i32 from vector<1xi32>
      %multiple_of3A_138 = tpu.assume_multiple %squeeze3A_137, 128 : i32
      %slice3A_139 = vector.extract_strided_slice %shift_left3A_93 {offsets = [1], sizes = [1], strides = [1]} : vector<16xi32> to vector<1xi32>
      %squeeze3A_140 = vector.extract %slice3A_139[0] : i32 from vector<1xi32>
      %multiple_of3A_141 = tpu.assume_multiple %squeeze3A_140, 128 : i32
      %dma_start3A_142 = arith.constant 16 : i32
      %dma_start3A_143 = arith.constant 0 : i32
      %dma_start3A_144 = tpu.memref_slice %arg10[%dma_start3A_142, %dma_start3A_143] : memref<256x128xf32, #tpu.memory_space<vmem>> -> memref<8x128xf32, #tpu.memory_space<vmem>>
      %dma_start3A_145 = arith.constant 0 : i32
      %dma_start3A_146 = tpu.memref_slice %arg4[%dma_start3A_145, %multiple_of3A_138] : memref<16x1000000xf32, #tpu.memory_space<hbm>> -> memref<8x128xf32, #tpu.memory_space<hbm>>
      %dma_start3A_147 = arith.constant 16 : i32
      %dma_start3A_148 = arith.constant 0 : i32
      %dma_start3A_149 = tpu.memref_slice %arg10[%dma_start3A_147, %dma_start3A_148] : memref<256x128xf32, #tpu.memory_space<vmem>> -> memref<8x128xf32, #tpu.memory_space<vmem>>
      %dma_start3A_150 = arith.constant 0 : i32
      %dma_start3A_151 = tpu.memref_slice %arg4[%dma_start3A_150, %multiple_of3A_138] : memref<16x1000000xf32, #tpu.memory_space<hbm>> -> memref<8x128xf32, #tpu.memory_space<hbm>>
      tpu.enqueue_dma source(%dma_start3A_151 : memref<8x128xf32, #tpu.memory_space<hbm>>) target(%dma_start3A_149 : memref<8x128xf32, #tpu.memory_space<vmem>>) target_semaphore(%arg14 : memref<!tpu.dma_semaphore, #tpu.memory_space<semaphore_mem>>)
      %dma_start3A_152 = arith.constant 16 : i32
      %dma_start3A_153 = arith.constant 0 : i32
      %dma_start3A_154 = tpu.memref_slice %arg11[%dma_start3A_152, %dma_start3A_153] : memref<256x128xf32, #tpu.memory_space<vmem>> -> memref<8x128xf32, #tpu.memory_space<vmem>>
      %dma_start3A_155 = arith.constant 0 : i32
      %dma_start3A_156 = tpu.memref_slice %arg5[%dma_start3A_155, %multiple_of3A_141] : memref<16x1000000xf32, #tpu.memory_space<hbm>> -> memref<8x128xf32, #tpu.memory_space<hbm>>
      %dma_start3A_157 = arith.constant 16 : i32
      %dma_start3A_158 = arith.constant 0 : i32
      %dma_start3A_159 = tpu.memref_slice %arg11[%dma_start3A_157, %dma_start3A_158] : memref<256x128xf32, #tpu.memory_space<vmem>> -> memref<8x128xf32, #tpu.memory_space<vmem>>
      %dma_start3A_160 = arith.constant 0 : i32
      %dma_start3A_161 = tpu.memref_slice %arg5[%dma_start3A_160, %multiple_of3A_141] : memref<16x1000000xf32, #tpu.memory_space<hbm>> -> memref<8x128xf32, #tpu.memory_space<hbm>>
      tpu.enqueue_dma source(%dma_start3A_161 : memref<8x128xf32, #tpu.memory_space<hbm>>) target(%dma_start3A_159 : memref<8x128xf32, #tpu.memory_space<vmem>>) target_semaphore(%arg14 : memref<!tpu.dma_semaphore, #tpu.memory_space<semaphore_mem>>)
      %dma_start3A_162 = arith.constant 24 : i32
      %dma_start3A_163 = arith.constant 0 : i32
      %dma_start3A_164 = tpu.memref_slice %arg10[%dma_start3A_162, %dma_start3A_163] : memref<256x128xf32, #tpu.memory_space<vmem>> -> memref<8x128xf32, #tpu.memory_space<vmem>>
      %dma_start3A_165 = arith.constant 8 : i32
      %dma_start3A_166 = tpu.memref_slice %arg4[%dma_start3A_165, %multiple_of3A_138] : memref<16x1000000xf32, #tpu.memory_space<hbm>> -> memref<8x128xf32, #tpu.memory_space<hbm>>
      %dma_start3A_167 = arith.constant 24 : i32
      %dma_start3A_168 = arith.constant 0 : i32
      %dma_start3A_169 = tpu.memref_slice %arg10[%dma_start3A_167, %dma_start3A_168] : memref<256x128xf32, #tpu.memory_space<vmem>> -> memref<8x128xf32, #tpu.memory_space<vmem>>
      %dma_start3A_170 = arith.constant 8 : i32
      %dma_start3A_171 = tpu.memref_slice %arg4[%dma_start3A_170, %multiple_of3A_138] : memref<16x1000000xf32, #tpu.memory_space<hbm>> -> memref<8x128xf32, #tpu.memory_space<hbm>>
      tpu.enqueue_dma source(%dma_start3A_171 : memref<8x128xf32, #tpu.memory_space<hbm>>) target(%dma_start3A_169 : memref<8x128xf32, #tpu.memory_space<vmem>>) target_semaphore(%arg14 : memref<!tpu.dma_semaphore, #tpu.memory_space<semaphore_mem>>)
      %dma_start3A_172 = arith.constant 24 : i32
      %dma_start3A_173 = arith.constant 0 : i32
      %dma_start3A_174 = tpu.memref_slice %arg11[%dma_start3A_172, %dma_start3A_173] : memref<256x128xf32, #tpu.memory_space<vmem>> -> memref<8x128xf32, #tpu.memory_space<vmem>>
      %dma_start3A_175 = arith.constant 8 : i32
      %dma_start3A_176 = tpu.memref_slice %arg5[%dma_start3A_175, %multiple_of3A_141] : memref<16x1000000xf32, #tpu.memory_space<hbm>> -> memref<8x128xf32, #tpu.memory_space<hbm>>
      %dma_start3A_177 = arith.constant 24 : i32
      %dma_start3A_178 = arith.constant 0 : i32
      %dma_start3A_179 = tpu.memref_slice %arg11[%dma_start3A_177, %dma_start3A_178] : memref<256x128xf32, #tpu.memory_space<vmem>> -> memref<8x128xf32, #tpu.memory_space<vmem>>
      %dma_start3A_180 = arith.constant 8 : i32
      %dma_start3A_181 = tpu.memref_slice %arg5[%dma_start3A_180, %multiple_of3A_141] : memref<16x1000000xf32, #tpu.memory_space<hbm>> -> memref<8x128xf32, #tpu.memory_space<hbm>>
      tpu.enqueue_dma source(%dma_start3A_181 : memref<8x128xf32, #tpu.memory_space<hbm>>) target(%dma_start3A_179 : memref<8x128xf32, #tpu.memory_space<vmem>>) target_semaphore(%arg14 : memref<!tpu.dma_semaphore, #tpu.memory_space<semaphore_mem>>)
      %slice3A_182 = vector.extract_strided_slice %shift_left3A_83 {offsets = [2], sizes = [1], strides = [1]} : vector<16xi32> to vector<1xi32>
      %squeeze3A_183 = vector.extract %slice3A_182[0] : i32 from vector<1xi32>
      %multiple_of3A_184 = tpu.assume_multiple %squeeze3A_183, 128 : i32
      %slice3A_185 = vector.extract_strided_slice %shift_left3A_93 {offsets = [2], sizes = [1], strides = [1]} : vector<16xi32> to vector<1xi32>
      %squeeze3A_186 = vector.extract %slice3A_185[0] : i32 from vector<1xi32>
      %multiple_of3A_187 = tpu.assume_multiple %squeeze3A_186, 128 : i32
      %dma_start3A_188 = arith.constant 32 : i32
      %dma_start3A_189 = arith.constant 0 : i32
      %dma_start3A_190 = tpu.memref_slice %arg10[%dma_start3A_188, %dma_start3A_189] : memref<256x128xf32, #tpu.memory_space<vmem>> -> memref<8x128xf32, #tpu.memory_space<vmem>>
      %dma_start3A_191 = arith.constant 0 : i32
      %dma_start3A_192 = tpu.memref_slice %arg4[%dma_start3A_191, %multiple_of3A_184] : memref<16x1000000xf32, #tpu.memory_space<hbm>> -> memref<8x128xf32, #tpu.memory_space<hbm>>
      %dma_start3A_193 = arith.constant 32 : i32
      %dma_start3A_194 = arith.constant 0 : i32
      %dma_start3A_195 = tpu.memref_slice %arg10[%dma_start3A_193, %dma_start3A_194] : memref<256x128xf32, #tpu.memory_space<vmem>> -> memref<8x128xf32, #tpu.memory_space<vmem>>
      %dma_start3A_196 = arith.constant 0 : i32
      %dma_start3A_197 = tpu.memref_slice %arg4[%dma_start3A_196, %multiple_of3A_184] : memref<16x1000000xf32, #tpu.memory_space<hbm>> -> memref<8x128xf32, #tpu.memory_space<hbm>>
      tpu.enqueue_dma source(%dma_start3A_197 : memref<8x128xf32, #tpu.memory_space<hbm>>) target(%dma_start3A_195 : memref<8x128xf32, #tpu.memory_space<vmem>>) target_semaphore(%arg14 : memref<!tpu.dma_semaphore, #tpu.memory_space<semaphore_mem>>)
      %dma_start3A_198 = arith.constant 32 : i32
      %dma_start3A_199 = arith.constant 0 : i32
      %dma_start3A_200 = tpu.memref_slice %arg11[%dma_start3A_198, %dma_start3A_199] : memref<256x128xf32, #tpu.memory_space<vmem>> -> memref<8x128xf32, #tpu.memory_space<vmem>>
      %dma_start3A_201 = arith.constant 0 : i32
      %dma_start3A_202 = tpu.memref_slice %arg5[%dma_start3A_201, %multiple_of3A_187] : memref<16x1000000xf32, #tpu.memory_space<hbm>> -> memref<8x128xf32, #tpu.memory_space<hbm>>
      %dma_start3A_203 = arith.constant 32 : i32
      %dma_start3A_204 = arith.constant 0 : i32
      %dma_start3A_205 = tpu.memref_slice %arg11[%dma_start3A_203, %dma_start3A_204] : memref<256x128xf32, #tpu.memory_space<vmem>> -> memref<8x128xf32, #tpu.memory_space<vmem>>
      %dma_start3A_206 = arith.constant 0 : i32
      %dma_start3A_207 = tpu.memref_slice %arg5[%dma_start3A_206, %multiple_of3A_187] : memref<16x1000000xf32, #tpu.memory_space<hbm>> -> memref<8x128xf32, #tpu.memory_space<hbm>>
      tpu.enqueue_dma source(%dma_start3A_207 : memref<8x128xf32, #tpu.memory_space<hbm>>) target(%dma_start3A_205 : memref<8x128xf32, #tpu.memory_space<vmem>>) target_semaphore(%arg14 : memref<!tpu.dma_semaphore, #tpu.memory_space<semaphore_mem>>)
      %dma_start3A_208 = arith.constant 40 : i32
      %dma_start3A_209 = arith.constant 0 : i32
      %dma_start3A_210 = tpu.memref_slice %arg10[%dma_start3A_208, %dma_start3A_209] : memref<256x128xf32, #tpu.memory_space<vmem>> -> memref<8x128xf32, #tpu.memory_space<vmem>>
      %dma_start3A_211 = arith.constant 8 : i32
      %dma_start3A_212 = tpu.memref_slice %arg4[%dma_start3A_211, %multiple_of3A_184] : memref<16x1000000xf32, #tpu.memory_space<hbm>> -> memref<8x128xf32, #tpu.memory_space<hbm>>
      %dma_start3A_213 = arith.constant 40 : i32
      %dma_start3A_214 = arith.constant 0 : i32
      %dma_start3A_215 = tpu.memref_slice %arg10[%dma_start3A_213, %dma_start3A_214] : memref<256x128xf32, #tpu.memory_space<vmem>> -> memref<8x128xf32, #tpu.memory_space<vmem>>
      %dma_start3A_216 = arith.constant 8 : i32
      %dma_start3A_217 = tpu.memref_slice %arg4[%dma_start3A_216, %multiple_of3A_184] : memref<16x1000000xf32, #tpu.memory_space<hbm>> -> memref<8x128xf32, #tpu.memory_space<hbm>>
      tpu.enqueue_dma source(%dma_start3A_217 : memref<8x128xf32, #tpu.memory_space<hbm>>) target(%dma_start3A_215 : memref<8x128xf32, #tpu.memory_space<vmem>>) target_semaphore(%arg14 : memref<!tpu.dma_semaphore, #tpu.memory_space<semaphore_mem>>)
      %dma_start3A_218 = arith.constant 40 : i32
      %dma_start3A_219 = arith.constant 0 : i32
      %dma_start3A_220 = tpu.memref_slice %arg11[%dma_start3A_218, %dma_start3A_219] : memref<256x128xf32, #tpu.memory_space<vmem>> -> memref<8x128xf32, #tpu.memory_space<vmem>>
      %dma_start3A_221 = arith.constant 8 : i32
      %dma_start3A_222 = tpu.memref_slice %arg5[%dma_start3A_221, %multiple_of3A_187] : memref<16x1000000xf32, #tpu.memory_space<hbm>> -> memref<8x128xf32, #tpu.memory_space<hbm>>
      %dma_start3A_223 = arith.constant 40 : i32
      %dma_start3A_224 = arith.constant 0 : i32
      %dma_start3A_225 = tpu.memref_slice %arg11[%dma_start3A_223, %dma_start3A_224] : memref<256x128xf32, #tpu.memory_space<vmem>> -> memref<8x128xf32, #tpu.memory_space<vmem>>
      %dma_start3A_226 = arith.constant 8 : i32
      %dma_start3A_227 = tpu.memref_slice %arg5[%dma_start3A_226, %multiple_of3A_187] : memref<16x1000000xf32, #tpu.memory_space<hbm>> -> memref<8x128xf32, #tpu.memory_space<hbm>>
      tpu.enqueue_dma source(%dma_start3A_227 : memref<8x128xf32, #tpu.memory_space<hbm>>) target(%dma_start3A_225 : memref<8x128xf32, #tpu.memory_space<vmem>>) target_semaphore(%arg14 : memref<!tpu.dma_semaphore, #tpu.memory_space<semaphore_mem>>)
      %slice3A_228 = vector.extract_strided_slice %shift_left3A_83 {offsets = [3], sizes = [1], strides = [1]} : vector<16xi32> to vector<1xi32>
      %squeeze3A_229 = vector.extract %slice3A_228[0] : i32 from vector<1xi32>
      %multiple_of3A_230 = tpu.assume_multiple %squeeze3A_229, 128 : i32
      %slice3A_231 = vector.extract_strided_slice %shift_left3A_93 {offsets = [3], sizes = [1], strides = [1]} : vector<16xi32> to vector<1xi32>
      %squeeze3A_232 = vector.extract %slice3A_231[0] : i32 from vector<1xi32>
      %multiple_of3A_233 = tpu.assume_multiple %squeeze3A_232, 128 : i32
      %dma_start3A_234 = arith.constant 48 : i32
      %dma_start3A_235 = arith.constant 0 : i32
      %dma_start3A_236 = tpu.memref_slice %arg10[%dma_start3A_234, %dma_start3A_235] : memref<256x128xf32, #tpu.memory_space<vmem>> -> memref<8x128xf32, #tpu.memory_space<vmem>>
      %dma_start3A_237 = arith.constant 0 : i32
      %dma_start3A_238 = tpu.memref_slice %arg4[%dma_start3A_237, %multiple_of3A_230] : memref<16x1000000xf32, #tpu.memory_space<hbm>> -> memref<8x128xf32, #tpu.memory_space<hbm>>
      %dma_start3A_239 = arith.constant 48 : i32
      %dma_start3A_240 = arith.constant 0 : i32
      %dma_start3A_241 = tpu.memref_slice %arg10[%dma_start3A_239, %dma_start3A_240] : memref<256x128xf32, #tpu.memory_space<vmem>> -> memref<8x128xf32, #tpu.memory_space<vmem>>
      %dma_start3A_242 = arith.constant 0 : i32
      %dma_start3A_243 = tpu.memref_slice %arg4[%dma_start3A_242, %multiple_of3A_230] : memref<16x1000000xf32, #tpu.memory_space<hbm>> -> memref<8x128xf32, #tpu.memory_space<hbm>>
      tpu.enqueue_dma source(%dma_start3A_243 : memref<8x128xf32, #tpu.memory_space<hbm>>) target(%dma_start3A_241 : memref<8x128xf32, #tpu.memory_space<vmem>>) target_semaphore(%arg14 : memref<!tpu.dma_semaphore, #tpu.memory_space<semaphore_mem>>)
      %dma_start3A_244 = arith.constant 48 : i32
      %dma_start3A_245 = arith.constant 0 : i32
      %dma_start3A_246 = tpu.memref_slice %arg11[%dma_start3A_244, %dma_start3A_245] : memref<256x128xf32, #tpu.memory_space<vmem>> -> memref<8x128xf32, #tpu.memory_space<vmem>>
      %dma_start3A_247 = arith.constant 0 : i32
      %dma_start3A_248 = tpu.memref_slice %arg5[%dma_start3A_247, %multiple_of3A_233] : memref<16x1000000xf32, #tpu.memory_space<hbm>> -> memref<8x128xf32, #tpu.memory_space<hbm>>
      %dma_start3A_249 = arith.constant 48 : i32
      %dma_start3A_250 = arith.constant 0 : i32
      %dma_start3A_251 = tpu.memref_slice %arg11[%dma_start3A_249, %dma_start3A_250] : memref<256x128xf32, #tpu.memory_space<vmem>> -> memref<8x128xf32, #tpu.memory_space<vmem>>
      %dma_start3A_252 = arith.constant 0 : i32
      %dma_start3A_253 = tpu.memref_slice %arg5[%dma_start3A_252, %multiple_of3A_233] : memref<16x1000000xf32, #tpu.memory_space<hbm>> -> memref<8x128xf32, #tpu.memory_space<hbm>>
      tpu.enqueue_dma source(%dma_start3A_253 : memref<8x128xf32, #tpu.memory_space<hbm>>) target(%dma_start3A_251 : memref<8x128xf32, #tpu.memory_space<vmem>>) target_semaphore(%arg14 : memref<!tpu.dma_semaphore, #tpu.memory_space<semaphore_mem>>)
      %dma_start3A_254 = arith.constant 56 : i32
      %dma_start3A_255 = arith.constant 0 : i32
      %dma_start3A_256 = tpu.memref_slice %arg10[%dma_start3A_254, %dma_start3A_255] : memref<256x128xf32, #tpu.memory_space<vmem>> -> memref<8x128xf32, #tpu.memory_space<vmem>>
      %dma_start3A_257 = arith.constant 8 : i32
      %dma_start3A_258 = tpu.memref_slice %arg4[%dma_start3A_257, %multiple_of3A_230] : memref<16x1000000xf32, #tpu.memory_space<hbm>> -> memref<8x128xf32, #tpu.memory_space<hbm>>
      %dma_start3A_259 = arith.constant 56 : i32
      %dma_start3A_260 = arith.constant 0 : i32
      %dma_start3A_261 = tpu.memref_slice %arg10[%dma_start3A_259, %dma_start3A_260] : memref<256x128xf32, #tpu.memory_space<vmem>> -> memref<8x128xf32, #tpu.memory_space<vmem>>
      %dma_start3A_262 = arith.constant 8 : i32
      %dma_start3A_263 = tpu.memref_slice %arg4[%dma_start3A_262, %multiple_of3A_230] : memref<16x1000000xf32, #tpu.memory_space<hbm>> -> memref<8x128xf32, #tpu.memory_space<hbm>>
      tpu.enqueue_dma source(%dma_start3A_263 : memref<8x128xf32, #tpu.memory_space<hbm>>) target(%dma_start3A_261 : memref<8x128xf32, #tpu.memory_space<vmem>>) target_semaphore(%arg14 : memref<!tpu.dma_semaphore, #tpu.memory_space<semaphore_mem>>)
      %dma_start3A_264 = arith.constant 56 : i32
      %dma_start3A_265 = arith.constant 0 : i32
      %dma_start3A_266 = tpu.memref_slice %arg11[%dma_start3A_264, %dma_start3A_265] : memref<256x128xf32, #tpu.memory_space<vmem>> -> memref<8x128xf32, #tpu.memory_space<vmem>>
      %dma_start3A_267 = arith.constant 8 : i32
      %dma_start3A_268 = tpu.memref_slice %arg5[%dma_start3A_267, %multiple_of3A_233] : memref<16x1000000xf32, #tpu.memory_space<hbm>> -> memref<8x128xf32, #tpu.memory_space<hbm>>
      %dma_start3A_269 = arith.constant 56 : i32
      %dma_start3A_270 = arith.constant 0 : i32
      %dma_start3A_271 = tpu.memref_slice %arg11[%dma_start3A_269, %dma_start3A_270] : memref<256x128xf32, #tpu.memory_space<vmem>> -> memref<8x128xf32, #tpu.memory_space<vmem>>
      %dma_start3A_272 = arith.constant 8 : i32
      %dma_start3A_273 = tpu.memref_slice %arg5[%dma_start3A_272, %multiple_of3A_233] : memref<16x1000000xf32, #tpu.memory_space<hbm>> -> memref<8x128xf32, #tpu.memory_space<hbm>>
      tpu.enqueue_dma source(%dma_start3A_273 : memref<8x128xf32, #tpu.memory_space<hbm>>) target(%dma_start3A_271 : memref<8x128xf32, #tpu.memory_space<vmem>>) target_semaphore(%arg14 : memref<!tpu.dma_semaphore, #tpu.memory_space<semaphore_mem>>)
      %slice3A_274 = vector.extract_strided_slice %shift_left3A_83 {offsets = [4], sizes = [1], strides = [1]} : vector<16xi32> to vector<1xi32>
      %squeeze3A_275 = vector.extract %slice3A_274[0] : i32 from vector<1xi32>
      %multiple_of3A_276 = tpu.assume_multiple %squeeze3A_275, 128 : i32
      %slice3A_277 = vector.extract_strided_slice %shift_left3A_93 {offsets = [4], sizes = [1], strides = [1]} : vector<16xi32> to vector<1xi32>
      %squeeze3A_278 = vector.extract %slice3A_277[0] : i32 from vector<1xi32>
      %multiple_of3A_279 = tpu.assume_multiple %squeeze3A_278, 128 : i32
      %dma_start3A_280 = arith.constant 64 : i32
      %dma_start3A_281 = arith.constant 0 : i32
      %dma_start3A_282 = tpu.memref_slice %arg10[%dma_start3A_280, %dma_start3A_281] : memref<256x128xf32, #tpu.memory_space<vmem>> -> memref<8x128xf32, #tpu.memory_space<vmem>>
      %dma_start3A_283 = arith.constant 0 : i32
      %dma_start3A_284 = tpu.memref_slice %arg4[%dma_start3A_283, %multiple_of3A_276] : memref<16x1000000xf32, #tpu.memory_space<hbm>> -> memref<8x128xf32, #tpu.memory_space<hbm>>
      %dma_start3A_285 = arith.constant 64 : i32
      %dma_start3A_286 = arith.constant 0 : i32
      %dma_start3A_287 = tpu.memref_slice %arg10[%dma_start3A_285, %dma_start3A_286] : memref<256x128xf32, #tpu.memory_space<vmem>> -> memref<8x128xf32, #tpu.memory_space<vmem>>
      %dma_start3A_288 = arith.constant 0 : i32
      %dma_start3A_289 = tpu.memref_slice %arg4[%dma_start3A_288, %multiple_of3A_276] : memref<16x1000000xf32, #tpu.memory_space<hbm>> -> memref<8x128xf32, #tpu.memory_space<hbm>>
      tpu.enqueue_dma source(%dma_start3A_289 : memref<8x128xf32, #tpu.memory_space<hbm>>) target(%dma_start3A_287 : memref<8x128xf32, #tpu.memory_space<vmem>>) target_semaphore(%arg14 : memref<!tpu.dma_semaphore, #tpu.memory_space<semaphore_mem>>)
      %dma_start3A_290 = arith.constant 64 : i32
      %dma_start3A_291 = arith.constant 0 : i32
      %dma_start3A_292 = tpu.memref_slice %arg11[%dma_start3A_290, %dma_start3A_291] : memref<256x128xf32, #tpu.memory_space<vmem>> -> memref<8x128xf32, #tpu.memory_space<vmem>>
      %dma_start3A_293 = arith.constant 0 : i32
      %dma_start3A_294 = tpu.memref_slice %arg5[%dma_start3A_293, %multiple_of3A_279] : memref<16x1000000xf32, #tpu.memory_space<hbm>> -> memref<8x128xf32, #tpu.memory_space<hbm>>
      %dma_start3A_295 = arith.constant 64 : i32
      %dma_start3A_296 = arith.constant 0 : i32
      %dma_start3A_297 = tpu.memref_slice %arg11[%dma_start3A_295, %dma_start3A_296] : memref<256x128xf32, #tpu.memory_space<vmem>> -> memref<8x128xf32, #tpu.memory_space<vmem>>
      %dma_start3A_298 = arith.constant 0 : i32
      %dma_start3A_299 = tpu.memref_slice %arg5[%dma_start3A_298, %multiple_of3A_279] : memref<16x1000000xf32, #tpu.memory_space<hbm>> -> memref<8x128xf32, #tpu.memory_space<hbm>>
      tpu.enqueue_dma source(%dma_start3A_299 : memref<8x128xf32, #tpu.memory_space<hbm>>) target(%dma_start3A_297 : memref<8x128xf32, #tpu.memory_space<vmem>>) target_semaphore(%arg14 : memref<!tpu.dma_semaphore, #tpu.memory_space<semaphore_mem>>)
      %dma_start3A_300 = arith.constant 72 : i32
      %dma_start3A_301 = arith.constant 0 : i32
      %dma_start3A_302 = tpu.memref_slice %arg10[%dma_start3A_300, %dma_start3A_301] : memref<256x128xf32, #tpu.memory_space<vmem>> -> memref<8x128xf32, #tpu.memory_space<vmem>>
      %dma_start3A_303 = arith.constant 8 : i32
      %dma_start3A_304 = tpu.memref_slice %arg4[%dma_start3A_303, %multiple_of3A_276] : memref<16x1000000xf32, #tpu.memory_space<hbm>> -> memref<8x128xf32, #tpu.memory_space<hbm>>
      %dma_start3A_305 = arith.constant 72 : i32
      %dma_start3A_306 = arith.constant 0 : i32
      %dma_start3A_307 = tpu.memref_slice %arg10[%dma_start3A_305, %dma_start3A_306] : memref<256x128xf32, #tpu.memory_space<vmem>> -> memref<8x128xf32, #tpu.memory_space<vmem>>
      %dma_start3A_308 = arith.constant 8 : i32
      %dma_start3A_309 = tpu.memref_slice %arg4[%dma_start3A_308, %multiple_of3A_276] : memref<16x1000000xf32, #tpu.memory_space<hbm>> -> memref<8x128xf32, #tpu.memory_space<hbm>>
      tpu.enqueue_dma source(%dma_start3A_309 : memref<8x128xf32, #tpu.memory_space<hbm>>) target(%dma_start3A_307 : memref<8x128xf32, #tpu.memory_space<vmem>>) target_semaphore(%arg14 : memref<!tpu.dma_semaphore, #tpu.memory_space<semaphore_mem>>)
      %dma_start3A_310 = arith.constant 72 : i32
      %dma_start3A_311 = arith.constant 0 : i32
      %dma_start3A_312 = tpu.memref_slice %arg11[%dma_start3A_310, %dma_start3A_311] : memref<256x128xf32, #tpu.memory_space<vmem>> -> memref<8x128xf32, #tpu.memory_space<vmem>>
      %dma_start3A_313 = arith.constant 8 : i32
      %dma_start3A_314 = tpu.memref_slice %arg5[%dma_start3A_313, %multiple_of3A_279] : memref<16x1000000xf32, #tpu.memory_space<hbm>> -> memref<8x128xf32, #tpu.memory_space<hbm>>
      %dma_start3A_315 = arith.constant 72 : i32
      %dma_start3A_316 = arith.constant 0 : i32
      %dma_start3A_317 = tpu.memref_slice %arg11[%dma_start3A_315, %dma_start3A_316] : memref<256x128xf32, #tpu.memory_space<vmem>> -> memref<8x128xf32, #tpu.memory_space<vmem>>
      %dma_start3A_318 = arith.constant 8 : i32
      %dma_start3A_319 = tpu.memref_slice %arg5[%dma_start3A_318, %multiple_of3A_279] : memref<16x1000000xf32, #tpu.memory_space<hbm>> -> memref<8x128xf32, #tpu.memory_space<hbm>>
      tpu.enqueue_dma source(%dma_start3A_319 : memref<8x128xf32, #tpu.memory_space<hbm>>) target(%dma_start3A_317 : memref<8x128xf32, #tpu.memory_space<vmem>>) target_semaphore(%arg14 : memref<!tpu.dma_semaphore, #tpu.memory_space<semaphore_mem>>)
      %slice3A_320 = vector.extract_strided_slice %shift_left3A_83 {offsets = [5], sizes = [1], strides = [1]} : vector<16xi32> to vector<1xi32>
      %squeeze3A_321 = vector.extract %slice3A_320[0] : i32 from vector<1xi32>
      %multiple_of3A_322 = tpu.assume_multiple %squeeze3A_321, 128 : i32
      %slice3A_323 = vector.extract_strided_slice %shift_left3A_93 {offsets = [5], sizes = [1], strides = [1]} : vector<16xi32> to vector<1xi32>
      %squeeze3A_324 = vector.extract %slice3A_323[0] : i32 from vector<1xi32>
      %multiple_of3A_325 = tpu.assume_multiple %squeeze3A_324, 128 : i32
      %dma_start3A_326 = arith.constant 80 : i32
      %dma_start3A_327 = arith.constant 0 : i32
      %dma_start3A_328 = tpu.memref_slice %arg10[%dma_start3A_326, %dma_start3A_327] : memref<256x128xf32, #tpu.memory_space<vmem>> -> memref<8x128xf32, #tpu.memory_space<vmem>>
      %dma_start3A_329 = arith.constant 0 : i32
      %dma_start3A_330 = tpu.memref_slice %arg4[%dma_start3A_329, %multiple_of3A_322] : memref<16x1000000xf32, #tpu.memory_space<hbm>> -> memref<8x128xf32, #tpu.memory_space<hbm>>
      %dma_start3A_331 = arith.constant 80 : i32
      %dma_start3A_332 = arith.constant 0 : i32
      %dma_start3A_333 = tpu.memref_slice %arg10[%dma_start3A_331, %dma_start3A_332] : memref<256x128xf32, #tpu.memory_space<vmem>> -> memref<8x128xf32, #tpu.memory_space<vmem>>
      %dma_start3A_334 = arith.constant 0 : i32
      %dma_start3A_335 = tpu.memref_slice %arg4[%dma_start3A_334, %multiple_of3A_322] : memref<16x1000000xf32, #tpu.memory_space<hbm>> -> memref<8x128xf32, #tpu.memory_space<hbm>>
      tpu.enqueue_dma source(%dma_start3A_335 : memref<8x128xf32, #tpu.memory_space<hbm>>) target(%dma_start3A_333 : memref<8x128xf32, #tpu.memory_space<vmem>>) target_semaphore(%arg14 : memref<!tpu.dma_semaphore, #tpu.memory_space<semaphore_mem>>)
      %dma_start3A_336 = arith.constant 80 : i32
      %dma_start3A_337 = arith.constant 0 : i32
      %dma_start3A_338 = tpu.memref_slice %arg11[%dma_start3A_336, %dma_start3A_337] : memref<256x128xf32, #tpu.memory_space<vmem>> -> memref<8x128xf32, #tpu.memory_space<vmem>>
      %dma_start3A_339 = arith.constant 0 : i32
      %dma_start3A_340 = tpu.memref_slice %arg5[%dma_start3A_339, %multiple_of3A_325] : memref<16x1000000xf32, #tpu.memory_space<hbm>> -> memref<8x128xf32, #tpu.memory_space<hbm>>
      %dma_start3A_341 = arith.constant 80 : i32
      %dma_start3A_342 = arith.constant 0 : i32
      %dma_start3A_343 = tpu.memref_slice %arg11[%dma_start3A_341, %dma_start3A_342] : memref<256x128xf32, #tpu.memory_space<vmem>> -> memref<8x128xf32, #tpu.memory_space<vmem>>
      %dma_start3A_344 = arith.constant 0 : i32
      %dma_start3A_345 = tpu.memref_slice %arg5[%dma_start3A_344, %multiple_of3A_325] : memref<16x1000000xf32, #tpu.memory_space<hbm>> -> memref<8x128xf32, #tpu.memory_space<hbm>>
      tpu.enqueue_dma source(%dma_start3A_345 : memref<8x128xf32, #tpu.memory_space<hbm>>) target(%dma_start3A_343 : memref<8x128xf32, #tpu.memory_space<vmem>>) target_semaphore(%arg14 : memref<!tpu.dma_semaphore, #tpu.memory_space<semaphore_mem>>)
      %dma_start3A_346 = arith.constant 88 : i32
      %dma_start3A_347 = arith.constant 0 : i32
      %dma_start3A_348 = tpu.memref_slice %arg10[%dma_start3A_346, %dma_start3A_347] : memref<256x128xf32, #tpu.memory_space<vmem>> -> memref<8x128xf32, #tpu.memory_space<vmem>>
      %dma_start3A_349 = arith.constant 8 : i32
      %dma_start3A_350 = tpu.memref_slice %arg4[%dma_start3A_349, %multiple_of3A_322] : memref<16x1000000xf32, #tpu.memory_space<hbm>> -> memref<8x128xf32, #tpu.memory_space<hbm>>
      %dma_start3A_351 = arith.constant 88 : i32
      %dma_start3A_352 = arith.constant 0 : i32
      %dma_start3A_353 = tpu.memref_slice %arg10[%dma_start3A_351, %dma_start3A_352] : memref<256x128xf32, #tpu.memory_space<vmem>> -> memref<8x128xf32, #tpu.memory_space<vmem>>
      %dma_start3A_354 = arith.constant 8 : i32
      %dma_start3A_355 = tpu.memref_slice %arg4[%dma_start3A_354, %multiple_of3A_322] : memref<16x1000000xf32, #tpu.memory_space<hbm>> -> memref<8x128xf32, #tpu.memory_space<hbm>>
      tpu.enqueue_dma source(%dma_start3A_355 : memref<8x128xf32, #tpu.memory_space<hbm>>) target(%dma_start3A_353 : memref<8x128xf32, #tpu.memory_space<vmem>>) target_semaphore(%arg14 : memref<!tpu.dma_semaphore, #tpu.memory_space<semaphore_mem>>)
      %dma_start3A_356 = arith.constant 88 : i32
      %dma_start3A_357 = arith.constant 0 : i32
      %dma_start3A_358 = tpu.memref_slice %arg11[%dma_start3A_356, %dma_start3A_357] : memref<256x128xf32, #tpu.memory_space<vmem>> -> memref<8x128xf32, #tpu.memory_space<vmem>>
      %dma_start3A_359 = arith.constant 8 : i32
      %dma_start3A_360 = tpu.memref_slice %arg5[%dma_start3A_359, %multiple_of3A_325] : memref<16x1000000xf32, #tpu.memory_space<hbm>> -> memref<8x128xf32, #tpu.memory_space<hbm>>
      %dma_start3A_361 = arith.constant 88 : i32
      %dma_start3A_362 = arith.constant 0 : i32
      %dma_start3A_363 = tpu.memref_slice %arg11[%dma_start3A_361, %dma_start3A_362] : memref<256x128xf32, #tpu.memory_space<vmem>> -> memref<8x128xf32, #tpu.memory_space<vmem>>
      %dma_start3A_364 = arith.constant 8 : i32
      %dma_start3A_365 = tpu.memref_slice %arg5[%dma_start3A_364, %multiple_of3A_325] : memref<16x1000000xf32, #tpu.memory_space<hbm>> -> memref<8x128xf32, #tpu.memory_space<hbm>>
      tpu.enqueue_dma source(%dma_start3A_365 : memref<8x128xf32, #tpu.memory_space<hbm>>) target(%dma_start3A_363 : memref<8x128xf32, #tpu.memory_space<vmem>>) target_semaphore(%arg14 : memref<!tpu.dma_semaphore, #tpu.memory_space<semaphore_mem>>)
      %slice3A_366 = vector.extract_strided_slice %shift_left3A_83 {offsets = [6], sizes = [1], strides = [1]} : vector<16xi32> to vector<1xi32>
      %squeeze3A_367 = vector.extract %slice3A_366[0] : i32 from vector<1xi32>
      %multiple_of3A_368 = tpu.assume_multiple %squeeze3A_367, 128 : i32
      %slice3A_369 = vector.extract_strided_slice %shift_left3A_93 {offsets = [6], sizes = [1], strides = [1]} : vector<16xi32> to vector<1xi32>
      %squeeze3A_370 = vector.extract %slice3A_369[0] : i32 from vector<1xi32>
      %multiple_of3A_371 = tpu.assume_multiple %squeeze3A_370, 128 : i32
      %dma_start3A_372 = arith.constant 96 : i32
      %dma_start3A_373 = arith.constant 0 : i32
      %dma_start3A_374 = tpu.memref_slice %arg10[%dma_start3A_372, %dma_start3A_373] : memref<256x128xf32, #tpu.memory_space<vmem>> -> memref<8x128xf32, #tpu.memory_space<vmem>>
      %dma_start3A_375 = arith.constant 0 : i32
      %dma_start3A_376 = tpu.memref_slice %arg4[%dma_start3A_375, %multiple_of3A_368] : memref<16x1000000xf32, #tpu.memory_space<hbm>> -> memref<8x128xf32, #tpu.memory_space<hbm>>
      %dma_start3A_377 = arith.constant 96 : i32
      %dma_start3A_378 = arith.constant 0 : i32
      %dma_start3A_379 = tpu.memref_slice %arg10[%dma_start3A_377, %dma_start3A_378] : memref<256x128xf32, #tpu.memory_space<vmem>> -> memref<8x128xf32, #tpu.memory_space<vmem>>
      %dma_start3A_380 = arith.constant 0 : i32
      %dma_start3A_381 = tpu.memref_slice %arg4[%dma_start3A_380, %multiple_of3A_368] : memref<16x1000000xf32, #tpu.memory_space<hbm>> -> memref<8x128xf32, #tpu.memory_space<hbm>>
      tpu.enqueue_dma source(%dma_start3A_381 : memref<8x128xf32, #tpu.memory_space<hbm>>) target(%dma_start3A_379 : memref<8x128xf32, #tpu.memory_space<vmem>>) target_semaphore(%arg14 : memref<!tpu.dma_semaphore, #tpu.memory_space<semaphore_mem>>)
      %dma_start3A_382 = arith.constant 96 : i32
      %dma_start3A_383 = arith.constant 0 : i32
      %dma_start3A_384 = tpu.memref_slice %arg11[%dma_start3A_382, %dma_start3A_383] : memref<256x128xf32, #tpu.memory_space<vmem>> -> memref<8x128xf32, #tpu.memory_space<vmem>>
      %dma_start3A_385 = arith.constant 0 : i32
      %dma_start3A_386 = tpu.memref_slice %arg5[%dma_start3A_385, %multiple_of3A_371] : memref<16x1000000xf32, #tpu.memory_space<hbm>> -> memref<8x128xf32, #tpu.memory_space<hbm>>
      %dma_start3A_387 = arith.constant 96 : i32
      %dma_start3A_388 = arith.constant 0 : i32
      %dma_start3A_389 = tpu.memref_slice %arg11[%dma_start3A_387, %dma_start3A_388] : memref<256x128xf32, #tpu.memory_space<vmem>> -> memref<8x128xf32, #tpu.memory_space<vmem>>
      %dma_start3A_390 = arith.constant 0 : i32
      %dma_start3A_391 = tpu.memref_slice %arg5[%dma_start3A_390, %multiple_of3A_371] : memref<16x1000000xf32, #tpu.memory_space<hbm>> -> memref<8x128xf32, #tpu.memory_space<hbm>>
      tpu.enqueue_dma source(%dma_start3A_391 : memref<8x128xf32, #tpu.memory_space<hbm>>) target(%dma_start3A_389 : memref<8x128xf32, #tpu.memory_space<vmem>>) target_semaphore(%arg14 : memref<!tpu.dma_semaphore, #tpu.memory_space<semaphore_mem>>)
      %dma_start3A_392 = arith.constant 104 : i32
      %dma_start3A_393 = arith.constant 0 : i32
      %dma_start3A_394 = tpu.memref_slice %arg10[%dma_start3A_392, %dma_start3A_393] : memref<256x128xf32, #tpu.memory_space<vmem>> -> memref<8x128xf32, #tpu.memory_space<vmem>>
      %dma_start3A_395 = arith.constant 8 : i32
      %dma_start3A_396 = tpu.memref_slice %arg4[%dma_start3A_395, %multiple_of3A_368] : memref<16x1000000xf32, #tpu.memory_space<hbm>> -> memref<8x128xf32, #tpu.memory_space<hbm>>
      %dma_start3A_397 = arith.constant 104 : i32
      %dma_start3A_398 = arith.constant 0 : i32
      %dma_start3A_399 = tpu.memref_slice %arg10[%dma_start3A_397, %dma_start3A_398] : memref<256x128xf32, #tpu.memory_space<vmem>> -> memref<8x128xf32, #tpu.memory_space<vmem>>
      %dma_start3A_400 = arith.constant 8 : i32
      %dma_start3A_401 = tpu.memref_slice %arg4[%dma_start3A_400, %multiple_of3A_368] : memref<16x1000000xf32, #tpu.memory_space<hbm>> -> memref<8x128xf32, #tpu.memory_space<hbm>>
      tpu.enqueue_dma source(%dma_start3A_401 : memref<8x128xf32, #tpu.memory_space<hbm>>) target(%dma_start3A_399 : memref<8x128xf32, #tpu.memory_space<vmem>>) target_semaphore(%arg14 : memref<!tpu.dma_semaphore, #tpu.memory_space<semaphore_mem>>)
      %dma_start3A_402 = arith.constant 104 : i32
      %dma_start3A_403 = arith.constant 0 : i32
      %dma_start3A_404 = tpu.memref_slice %arg11[%dma_start3A_402, %dma_start3A_403] : memref<256x128xf32, #tpu.memory_space<vmem>> -> memref<8x128xf32, #tpu.memory_space<vmem>>
      %dma_start3A_405 = arith.constant 8 : i32
      %dma_start3A_406 = tpu.memref_slice %arg5[%dma_start3A_405, %multiple_of3A_371] : memref<16x1000000xf32, #tpu.memory_space<hbm>> -> memref<8x128xf32, #tpu.memory_space<hbm>>
      %dma_start3A_407 = arith.constant 104 : i32
      %dma_start3A_408 = arith.constant 0 : i32
      %dma_start3A_409 = tpu.memref_slice %arg11[%dma_start3A_407, %dma_start3A_408] : memref<256x128xf32, #tpu.memory_space<vmem>> -> memref<8x128xf32, #tpu.memory_space<vmem>>
      %dma_start3A_410 = arith.constant 8 : i32
      %dma_start3A_411 = tpu.memref_slice %arg5[%dma_start3A_410, %multiple_of3A_371] : memref<16x1000000xf32, #tpu.memory_space<hbm>> -> memref<8x128xf32, #tpu.memory_space<hbm>>
      tpu.enqueue_dma source(%dma_start3A_411 : memref<8x128xf32, #tpu.memory_space<hbm>>) target(%dma_start3A_409 : memref<8x128xf32, #tpu.memory_space<vmem>>) target_semaphore(%arg14 : memref<!tpu.dma_semaphore, #tpu.memory_space<semaphore_mem>>)
      %slice3A_412 = vector.extract_strided_slice %shift_left3A_83 {offsets = [7], sizes = [1], strides = [1]} : vector<16xi32> to vector<1xi32>
      %squeeze3A_413 = vector.extract %slice3A_412[0] : i32 from vector<1xi32>
      %multiple_of3A_414 = tpu.assume_multiple %squeeze3A_413, 128 : i32
      %slice3A_415 = vector.extract_strided_slice %shift_left3A_93 {offsets = [7], sizes = [1], strides = [1]} : vector<16xi32> to vector<1xi32>
      %squeeze3A_416 = vector.extract %slice3A_415[0] : i32 from vector<1xi32>
      %multiple_of3A_417 = tpu.assume_multiple %squeeze3A_416, 128 : i32
      %dma_start3A_418 = arith.constant 112 : i32
      %dma_start3A_419 = arith.constant 0 : i32
      %dma_start3A_420 = tpu.memref_slice %arg10[%dma_start3A_418, %dma_start3A_419] : memref<256x128xf32, #tpu.memory_space<vmem>> -> memref<8x128xf32, #tpu.memory_space<vmem>>
      %dma_start3A_421 = arith.constant 0 : i32
      %dma_start3A_422 = tpu.memref_slice %arg4[%dma_start3A_421, %multiple_of3A_414] : memref<16x1000000xf32, #tpu.memory_space<hbm>> -> memref<8x128xf32, #tpu.memory_space<hbm>>
      %dma_start3A_423 = arith.constant 112 : i32
      %dma_start3A_424 = arith.constant 0 : i32
      %dma_start3A_425 = tpu.memref_slice %arg10[%dma_start3A_423, %dma_start3A_424] : memref<256x128xf32, #tpu.memory_space<vmem>> -> memref<8x128xf32, #tpu.memory_space<vmem>>
      %dma_start3A_426 = arith.constant 0 : i32
      %dma_start3A_427 = tpu.memref_slice %arg4[%dma_start3A_426, %multiple_of3A_414] : memref<16x1000000xf32, #tpu.memory_space<hbm>> -> memref<8x128xf32, #tpu.memory_space<hbm>>
      tpu.enqueue_dma source(%dma_start3A_427 : memref<8x128xf32, #tpu.memory_space<hbm>>) target(%dma_start3A_425 : memref<8x128xf32, #tpu.memory_space<vmem>>) target_semaphore(%arg14 : memref<!tpu.dma_semaphore, #tpu.memory_space<semaphore_mem>>)
      %dma_start3A_428 = arith.constant 112 : i32
      %dma_start3A_429 = arith.constant 0 : i32
      %dma_start3A_430 = tpu.memref_slice %arg11[%dma_start3A_428, %dma_start3A_429] : memref<256x128xf32, #tpu.memory_space<vmem>> -> memref<8x128xf32, #tpu.memory_space<vmem>>
      %dma_start3A_431 = arith.constant 0 : i32
      %dma_start3A_432 = tpu.memref_slice %arg5[%dma_start3A_431, %multiple_of3A_417] : memref<16x1000000xf32, #tpu.memory_space<hbm>> -> memref<8x128xf32, #tpu.memory_space<hbm>>
      %dma_start3A_433 = arith.constant 112 : i32
      %dma_start3A_434 = arith.constant 0 : i32
      %dma_start3A_435 = tpu.memref_slice %arg11[%dma_start3A_433, %dma_start3A_434] : memref<256x128xf32, #tpu.memory_space<vmem>> -> memref<8x128xf32, #tpu.memory_space<vmem>>
      %dma_start3A_436 = arith.constant 0 : i32
      %dma_start3A_437 = tpu.memref_slice %arg5[%dma_start3A_436, %multiple_of3A_417] : memref<16x1000000xf32, #tpu.memory_space<hbm>> -> memref<8x128xf32, #tpu.memory_space<hbm>>
      tpu.enqueue_dma source(%dma_start3A_437 : memref<8x128xf32, #tpu.memory_space<hbm>>) target(%dma_start3A_435 : memref<8x128xf32, #tpu.memory_space<vmem>>) target_semaphore(%arg14 : memref<!tpu.dma_semaphore, #tpu.memory_space<semaphore_mem>>)
      %dma_start3A_438 = arith.constant 120 : i32
      %dma_start3A_439 = arith.constant 0 : i32
      %dma_start3A_440 = tpu.memref_slice %arg10[%dma_start3A_438, %dma_start3A_439] : memref<256x128xf32, #tpu.memory_space<vmem>> -> memref<8x128xf32, #tpu.memory_space<vmem>>
      %dma_start3A_441 = arith.constant 8 : i32
      %dma_start3A_442 = tpu.memref_slice %arg4[%dma_start3A_441, %multiple_of3A_414] : memref<16x1000000xf32, #tpu.memory_space<hbm>> -> memref<8x128xf32, #tpu.memory_space<hbm>>
      %dma_start3A_443 = arith.constant 120 : i32
      %dma_start3A_444 = arith.constant 0 : i32
      %dma_start3A_445 = tpu.memref_slice %arg10[%dma_start3A_443, %dma_start3A_444] : memref<256x128xf32, #tpu.memory_space<vmem>> -> memref<8x128xf32, #tpu.memory_space<vmem>>
      %dma_start3A_446 = arith.constant 8 : i32
      %dma_start3A_447 = tpu.memref_slice %arg4[%dma_start3A_446, %multiple_of3A_414] : memref<16x1000000xf32, #tpu.memory_space<hbm>> -> memref<8x128xf32, #tpu.memory_space<hbm>>
      tpu.enqueue_dma source(%dma_start3A_447 : memref<8x128xf32, #tpu.memory_space<hbm>>) target(%dma_start3A_445 : memref<8x128xf32, #tpu.memory_space<vmem>>) target_semaphore(%arg14 : memref<!tpu.dma_semaphore, #tpu.memory_space<semaphore_mem>>)
      %dma_start3A_448 = arith.constant 120 : i32
      %dma_start3A_449 = arith.constant 0 : i32
      %dma_start3A_450 = tpu.memref_slice %arg11[%dma_start3A_448, %dma_start3A_449] : memref<256x128xf32, #tpu.memory_space<vmem>> -> memref<8x128xf32, #tpu.memory_space<vmem>>
      %dma_start3A_451 = arith.constant 8 : i32
      %dma_start3A_452 = tpu.memref_slice %arg5[%dma_start3A_451, %multiple_of3A_417] : memref<16x1000000xf32, #tpu.memory_space<hbm>> -> memref<8x128xf32, #tpu.memory_space<hbm>>
      %dma_start3A_453 = arith.constant 120 : i32
      %dma_start3A_454 = arith.constant 0 : i32
      %dma_start3A_455 = tpu.memref_slice %arg11[%dma_start3A_453, %dma_start3A_454] : memref<256x128xf32, #tpu.memory_space<vmem>> -> memref<8x128xf32, #tpu.memory_space<vmem>>
      %dma_start3A_456 = arith.constant 8 : i32
      %dma_start3A_457 = tpu.memref_slice %arg5[%dma_start3A_456, %multiple_of3A_417] : memref<16x1000000xf32, #tpu.memory_space<hbm>> -> memref<8x128xf32, #tpu.memory_space<hbm>>
      tpu.enqueue_dma source(%dma_start3A_457 : memref<8x128xf32, #tpu.memory_space<hbm>>) target(%dma_start3A_455 : memref<8x128xf32, #tpu.memory_space<vmem>>) target_semaphore(%arg14 : memref<!tpu.dma_semaphore, #tpu.memory_space<semaphore_mem>>)
      %slice3A_458 = vector.extract_strided_slice %shift_left3A_83 {offsets = [8], sizes = [1], strides = [1]} : vector<16xi32> to vector<1xi32>
      %squeeze3A_459 = vector.extract %slice3A_458[0] : i32 from vector<1xi32>
      %multiple_of3A_460 = tpu.assume_multiple %squeeze3A_459, 128 : i32
      %slice3A_461 = vector.extract_strided_slice %shift_left3A_93 {offsets = [8], sizes = [1], strides = [1]} : vector<16xi32> to vector<1xi32>
      %squeeze3A_462 = vector.extract %slice3A_461[0] : i32 from vector<1xi32>
      %multiple_of3A_463 = tpu.assume_multiple %squeeze3A_462, 128 : i32
      %dma_start3A_464 = arith.constant 128 : i32
      %dma_start3A_465 = arith.constant 0 : i32
      %dma_start3A_466 = tpu.memref_slice %arg10[%dma_start3A_464, %dma_start3A_465] : memref<256x128xf32, #tpu.memory_space<vmem>> -> memref<8x128xf32, #tpu.memory_space<vmem>>
      %dma_start3A_467 = arith.constant 0 : i32
      %dma_start3A_468 = tpu.memref_slice %arg4[%dma_start3A_467, %multiple_of3A_460] : memref<16x1000000xf32, #tpu.memory_space<hbm>> -> memref<8x128xf32, #tpu.memory_space<hbm>>
      %dma_start3A_469 = arith.constant 128 : i32
      %dma_start3A_470 = arith.constant 0 : i32
      %dma_start3A_471 = tpu.memref_slice %arg10[%dma_start3A_469, %dma_start3A_470] : memref<256x128xf32, #tpu.memory_space<vmem>> -> memref<8x128xf32, #tpu.memory_space<vmem>>
      %dma_start3A_472 = arith.constant 0 : i32
      %dma_start3A_473 = tpu.memref_slice %arg4[%dma_start3A_472, %multiple_of3A_460] : memref<16x1000000xf32, #tpu.memory_space<hbm>> -> memref<8x128xf32, #tpu.memory_space<hbm>>
      tpu.enqueue_dma source(%dma_start3A_473 : memref<8x128xf32, #tpu.memory_space<hbm>>) target(%dma_start3A_471 : memref<8x128xf32, #tpu.memory_space<vmem>>) target_semaphore(%arg14 : memref<!tpu.dma_semaphore, #tpu.memory_space<semaphore_mem>>)
      %dma_start3A_474 = arith.constant 128 : i32
      %dma_start3A_475 = arith.constant 0 : i32
      %dma_start3A_476 = tpu.memref_slice %arg11[%dma_start3A_474, %dma_start3A_475] : memref<256x128xf32, #tpu.memory_space<vmem>> -> memref<8x128xf32, #tpu.memory_space<vmem>>
      %dma_start3A_477 = arith.constant 0 : i32
      %dma_start3A_478 = tpu.memref_slice %arg5[%dma_start3A_477, %multiple_of3A_463] : memref<16x1000000xf32, #tpu.memory_space<hbm>> -> memref<8x128xf32, #tpu.memory_space<hbm>>
      %dma_start3A_479 = arith.constant 128 : i32
      %dma_start3A_480 = arith.constant 0 : i32
      %dma_start3A_481 = tpu.memref_slice %arg11[%dma_start3A_479, %dma_start3A_480] : memref<256x128xf32, #tpu.memory_space<vmem>> -> memref<8x128xf32, #tpu.memory_space<vmem>>
      %dma_start3A_482 = arith.constant 0 : i32
      %dma_start3A_483 = tpu.memref_slice %arg5[%dma_start3A_482, %multiple_of3A_463] : memref<16x1000000xf32, #tpu.memory_space<hbm>> -> memref<8x128xf32, #tpu.memory_space<hbm>>
      tpu.enqueue_dma source(%dma_start3A_483 : memref<8x128xf32, #tpu.memory_space<hbm>>) target(%dma_start3A_481 : memref<8x128xf32, #tpu.memory_space<vmem>>) target_semaphore(%arg14 : memref<!tpu.dma_semaphore, #tpu.memory_space<semaphore_mem>>)
      %dma_start3A_484 = arith.constant 136 : i32
      %dma_start3A_485 = arith.constant 0 : i32
      %dma_start3A_486 = tpu.memref_slice %arg10[%dma_start3A_484, %dma_start3A_485] : memref<256x128xf32, #tpu.memory_space<vmem>> -> memref<8x128xf32, #tpu.memory_space<vmem>>
      %dma_start3A_487 = arith.constant 8 : i32
      %dma_start3A_488 = tpu.memref_slice %arg4[%dma_start3A_487, %multiple_of3A_460] : memref<16x1000000xf32, #tpu.memory_space<hbm>> -> memref<8x128xf32, #tpu.memory_space<hbm>>
      %dma_start3A_489 = arith.constant 136 : i32
      %dma_start3A_490 = arith.constant 0 : i32
      %dma_start3A_491 = tpu.memref_slice %arg10[%dma_start3A_489, %dma_start3A_490] : memref<256x128xf32, #tpu.memory_space<vmem>> -> memref<8x128xf32, #tpu.memory_space<vmem>>
      %dma_start3A_492 = arith.constant 8 : i32
      %dma_start3A_493 = tpu.memref_slice %arg4[%dma_start3A_492, %multiple_of3A_460] : memref<16x1000000xf32, #tpu.memory_space<hbm>> -> memref<8x128xf32, #tpu.memory_space<hbm>>
      tpu.enqueue_dma source(%dma_start3A_493 : memref<8x128xf32, #tpu.memory_space<hbm>>) target(%dma_start3A_491 : memref<8x128xf32, #tpu.memory_space<vmem>>) target_semaphore(%arg14 : memref<!tpu.dma_semaphore, #tpu.memory_space<semaphore_mem>>)
      %dma_start3A_494 = arith.constant 136 : i32
      %dma_start3A_495 = arith.constant 0 : i32
      %dma_start3A_496 = tpu.memref_slice %arg11[%dma_start3A_494, %dma_start3A_495] : memref<256x128xf32, #tpu.memory_space<vmem>> -> memref<8x128xf32, #tpu.memory_space<vmem>>
      %dma_start3A_497 = arith.constant 8 : i32
      %dma_start3A_498 = tpu.memref_slice %arg5[%dma_start3A_497, %multiple_of3A_463] : memref<16x1000000xf32, #tpu.memory_space<hbm>> -> memref<8x128xf32, #tpu.memory_space<hbm>>
      %dma_start3A_499 = arith.constant 136 : i32
      %dma_start3A_500 = arith.constant 0 : i32
      %dma_start3A_501 = tpu.memref_slice %arg11[%dma_start3A_499, %dma_start3A_500] : memref<256x128xf32, #tpu.memory_space<vmem>> -> memref<8x128xf32, #tpu.memory_space<vmem>>
      %dma_start3A_502 = arith.constant 8 : i32
      %dma_start3A_503 = tpu.memref_slice %arg5[%dma_start3A_502, %multiple_of3A_463] : memref<16x1000000xf32, #tpu.memory_space<hbm>> -> memref<8x128xf32, #tpu.memory_space<hbm>>
      tpu.enqueue_dma source(%dma_start3A_503 : memref<8x128xf32, #tpu.memory_space<hbm>>) target(%dma_start3A_501 : memref<8x128xf32, #tpu.memory_space<vmem>>) target_semaphore(%arg14 : memref<!tpu.dma_semaphore, #tpu.memory_space<semaphore_mem>>)
      %slice3A_504 = vector.extract_strided_slice %shift_left3A_83 {offsets = [9], sizes = [1], strides = [1]} : vector<16xi32> to vector<1xi32>
      %squeeze3A_505 = vector.extract %slice3A_504[0] : i32 from vector<1xi32>
      %multiple_of3A_506 = tpu.assume_multiple %squeeze3A_505, 128 : i32
      %slice3A_507 = vector.extract_strided_slice %shift_left3A_93 {offsets = [9], sizes = [1], strides = [1]} : vector<16xi32> to vector<1xi32>
      %squeeze3A_508 = vector.extract %slice3A_507[0] : i32 from vector<1xi32>
      %multiple_of3A_509 = tpu.assume_multiple %squeeze3A_508, 128 : i32
      %dma_start3A_510 = arith.constant 144 : i32
      %dma_start3A_511 = arith.constant 0 : i32
      %dma_start3A_512 = tpu.memref_slice %arg10[%dma_start3A_510, %dma_start3A_511] : memref<256x128xf32, #tpu.memory_space<vmem>> -> memref<8x128xf32, #tpu.memory_space<vmem>>
      %dma_start3A_513 = arith.constant 0 : i32
      %dma_start3A_514 = tpu.memref_slice %arg4[%dma_start3A_513, %multiple_of3A_506] : memref<16x1000000xf32, #tpu.memory_space<hbm>> -> memref<8x128xf32, #tpu.memory_space<hbm>>
      %dma_start3A_515 = arith.constant 144 : i32
      %dma_start3A_516 = arith.constant 0 : i32
      %dma_start3A_517 = tpu.memref_slice %arg10[%dma_start3A_515, %dma_start3A_516] : memref<256x128xf32, #tpu.memory_space<vmem>> -> memref<8x128xf32, #tpu.memory_space<vmem>>
      %dma_start3A_518 = arith.constant 0 : i32
      %dma_start3A_519 = tpu.memref_slice %arg4[%dma_start3A_518, %multiple_of3A_506] : memref<16x1000000xf32, #tpu.memory_space<hbm>> -> memref<8x128xf32, #tpu.memory_space<hbm>>
      tpu.enqueue_dma source(%dma_start3A_519 : memref<8x128xf32, #tpu.memory_space<hbm>>) target(%dma_start3A_517 : memref<8x128xf32, #tpu.memory_space<vmem>>) target_semaphore(%arg14 : memref<!tpu.dma_semaphore, #tpu.memory_space<semaphore_mem>>)
      %dma_start3A_520 = arith.constant 144 : i32
      %dma_start3A_521 = arith.constant 0 : i32
      %dma_start3A_522 = tpu.memref_slice %arg11[%dma_start3A_520, %dma_start3A_521] : memref<256x128xf32, #tpu.memory_space<vmem>> -> memref<8x128xf32, #tpu.memory_space<vmem>>
      %dma_start3A_523 = arith.constant 0 : i32
      %dma_start3A_524 = tpu.memref_slice %arg5[%dma_start3A_523, %multiple_of3A_509] : memref<16x1000000xf32, #tpu.memory_space<hbm>> -> memref<8x128xf32, #tpu.memory_space<hbm>>
      %dma_start3A_525 = arith.constant 144 : i32
      %dma_start3A_526 = arith.constant 0 : i32
      %dma_start3A_527 = tpu.memref_slice %arg11[%dma_start3A_525, %dma_start3A_526] : memref<256x128xf32, #tpu.memory_space<vmem>> -> memref<8x128xf32, #tpu.memory_space<vmem>>
      %dma_start3A_528 = arith.constant 0 : i32
      %dma_start3A_529 = tpu.memref_slice %arg5[%dma_start3A_528, %multiple_of3A_509] : memref<16x1000000xf32, #tpu.memory_space<hbm>> -> memref<8x128xf32, #tpu.memory_space<hbm>>
      tpu.enqueue_dma source(%dma_start3A_529 : memref<8x128xf32, #tpu.memory_space<hbm>>) target(%dma_start3A_527 : memref<8x128xf32, #tpu.memory_space<vmem>>) target_semaphore(%arg14 : memref<!tpu.dma_semaphore, #tpu.memory_space<semaphore_mem>>)
      %dma_start3A_530 = arith.constant 152 : i32
      %dma_start3A_531 = arith.constant 0 : i32
      %dma_start3A_532 = tpu.memref_slice %arg10[%dma_start3A_530, %dma_start3A_531] : memref<256x128xf32, #tpu.memory_space<vmem>> -> memref<8x128xf32, #tpu.memory_space<vmem>>
      %dma_start3A_533 = arith.constant 8 : i32
      %dma_start3A_534 = tpu.memref_slice %arg4[%dma_start3A_533, %multiple_of3A_506] : memref<16x1000000xf32, #tpu.memory_space<hbm>> -> memref<8x128xf32, #tpu.memory_space<hbm>>
      %dma_start3A_535 = arith.constant 152 : i32
      %dma_start3A_536 = arith.constant 0 : i32
      %dma_start3A_537 = tpu.memref_slice %arg10[%dma_start3A_535, %dma_start3A_536] : memref<256x128xf32, #tpu.memory_space<vmem>> -> memref<8x128xf32, #tpu.memory_space<vmem>>
      %dma_start3A_538 = arith.constant 8 : i32
      %dma_start3A_539 = tpu.memref_slice %arg4[%dma_start3A_538, %multiple_of3A_506] : memref<16x1000000xf32, #tpu.memory_space<hbm>> -> memref<8x128xf32, #tpu.memory_space<hbm>>
      tpu.enqueue_dma source(%dma_start3A_539 : memref<8x128xf32, #tpu.memory_space<hbm>>) target(%dma_start3A_537 : memref<8x128xf32, #tpu.memory_space<vmem>>) target_semaphore(%arg14 : memref<!tpu.dma_semaphore, #tpu.memory_space<semaphore_mem>>)
      %dma_start3A_540 = arith.constant 152 : i32
      %dma_start3A_541 = arith.constant 0 : i32
      %dma_start3A_542 = tpu.memref_slice %arg11[%dma_start3A_540, %dma_start3A_541] : memref<256x128xf32, #tpu.memory_space<vmem>> -> memref<8x128xf32, #tpu.memory_space<vmem>>
      %dma_start3A_543 = arith.constant 8 : i32
      %dma_start3A_544 = tpu.memref_slice %arg5[%dma_start3A_543, %multiple_of3A_509] : memref<16x1000000xf32, #tpu.memory_space<hbm>> -> memref<8x128xf32, #tpu.memory_space<hbm>>
      %dma_start3A_545 = arith.constant 152 : i32
      %dma_start3A_546 = arith.constant 0 : i32
      %dma_start3A_547 = tpu.memref_slice %arg11[%dma_start3A_545, %dma_start3A_546] : memref<256x128xf32, #tpu.memory_space<vmem>> -> memref<8x128xf32, #tpu.memory_space<vmem>>
      %dma_start3A_548 = arith.constant 8 : i32
      %dma_start3A_549 = tpu.memref_slice %arg5[%dma_start3A_548, %multiple_of3A_509] : memref<16x1000000xf32, #tpu.memory_space<hbm>> -> memref<8x128xf32, #tpu.memory_space<hbm>>
      tpu.enqueue_dma source(%dma_start3A_549 : memref<8x128xf32, #tpu.memory_space<hbm>>) target(%dma_start3A_547 : memref<8x128xf32, #tpu.memory_space<vmem>>) target_semaphore(%arg14 : memref<!tpu.dma_semaphore, #tpu.memory_space<semaphore_mem>>)
      %slice3A_550 = vector.extract_strided_slice %shift_left3A_83 {offsets = [10], sizes = [1], strides = [1]} : vector<16xi32> to vector<1xi32>
      %squeeze3A_551 = vector.extract %slice3A_550[0] : i32 from vector<1xi32>
      %multiple_of3A_552 = tpu.assume_multiple %squeeze3A_551, 128 : i32
      %slice3A_553 = vector.extract_strided_slice %shift_left3A_93 {offsets = [10], sizes = [1], strides = [1]} : vector<16xi32> to vector<1xi32>
      %squeeze3A_554 = vector.extract %slice3A_553[0] : i32 from vector<1xi32>
      %multiple_of3A_555 = tpu.assume_multiple %squeeze3A_554, 128 : i32
      %dma_start3A_556 = arith.constant 160 : i32
      %dma_start3A_557 = arith.constant 0 : i32
      %dma_start3A_558 = tpu.memref_slice %arg10[%dma_start3A_556, %dma_start3A_557] : memref<256x128xf32, #tpu.memory_space<vmem>> -> memref<8x128xf32, #tpu.memory_space<vmem>>
      %dma_start3A_559 = arith.constant 0 : i32
      %dma_start3A_560 = tpu.memref_slice %arg4[%dma_start3A_559, %multiple_of3A_552] : memref<16x1000000xf32, #tpu.memory_space<hbm>> -> memref<8x128xf32, #tpu.memory_space<hbm>>
      %dma_start3A_561 = arith.constant 160 : i32
      %dma_start3A_562 = arith.constant 0 : i32
      %dma_start3A_563 = tpu.memref_slice %arg10[%dma_start3A_561, %dma_start3A_562] : memref<256x128xf32, #tpu.memory_space<vmem>> -> memref<8x128xf32, #tpu.memory_space<vmem>>
      %dma_start3A_564 = arith.constant 0 : i32
      %dma_start3A_565 = tpu.memref_slice %arg4[%dma_start3A_564, %multiple_of3A_552] : memref<16x1000000xf32, #tpu.memory_space<hbm>> -> memref<8x128xf32, #tpu.memory_space<hbm>>
      tpu.enqueue_dma source(%dma_start3A_565 : memref<8x128xf32, #tpu.memory_space<hbm>>) target(%dma_start3A_563 : memref<8x128xf32, #tpu.memory_space<vmem>>) target_semaphore(%arg14 : memref<!tpu.dma_semaphore, #tpu.memory_space<semaphore_mem>>)
      %dma_start3A_566 = arith.constant 160 : i32
      %dma_start3A_567 = arith.constant 0 : i32
      %dma_start3A_568 = tpu.memref_slice %arg11[%dma_start3A_566, %dma_start3A_567] : memref<256x128xf32, #tpu.memory_space<vmem>> -> memref<8x128xf32, #tpu.memory_space<vmem>>
      %dma_start3A_569 = arith.constant 0 : i32
      %dma_start3A_570 = tpu.memref_slice %arg5[%dma_start3A_569, %multiple_of3A_555] : memref<16x1000000xf32, #tpu.memory_space<hbm>> -> memref<8x128xf32, #tpu.memory_space<hbm>>
      %dma_start3A_571 = arith.constant 160 : i32
      %dma_start3A_572 = arith.constant 0 : i32
      %dma_start3A_573 = tpu.memref_slice %arg11[%dma_start3A_571, %dma_start3A_572] : memref<256x128xf32, #tpu.memory_space<vmem>> -> memref<8x128xf32, #tpu.memory_space<vmem>>
      %dma_start3A_574 = arith.constant 0 : i32
      %dma_start3A_575 = tpu.memref_slice %arg5[%dma_start3A_574, %multiple_of3A_555] : memref<16x1000000xf32, #tpu.memory_space<hbm>> -> memref<8x128xf32, #tpu.memory_space<hbm>>
      tpu.enqueue_dma source(%dma_start3A_575 : memref<8x128xf32, #tpu.memory_space<hbm>>) target(%dma_start3A_573 : memref<8x128xf32, #tpu.memory_space<vmem>>) target_semaphore(%arg14 : memref<!tpu.dma_semaphore, #tpu.memory_space<semaphore_mem>>)
      %dma_start3A_576 = arith.constant 168 : i32
      %dma_start3A_577 = arith.constant 0 : i32
      %dma_start3A_578 = tpu.memref_slice %arg10[%dma_start3A_576, %dma_start3A_577] : memref<256x128xf32, #tpu.memory_space<vmem>> -> memref<8x128xf32, #tpu.memory_space<vmem>>
      %dma_start3A_579 = arith.constant 8 : i32
      %dma_start3A_580 = tpu.memref_slice %arg4[%dma_start3A_579, %multiple_of3A_552] : memref<16x1000000xf32, #tpu.memory_space<hbm>> -> memref<8x128xf32, #tpu.memory_space<hbm>>
      %dma_start3A_581 = arith.constant 168 : i32
      %dma_start3A_582 = arith.constant 0 : i32
      %dma_start3A_583 = tpu.memref_slice %arg10[%dma_start3A_581, %dma_start3A_582] : memref<256x128xf32, #tpu.memory_space<vmem>> -> memref<8x128xf32, #tpu.memory_space<vmem>>
      %dma_start3A_584 = arith.constant 8 : i32
      %dma_start3A_585 = tpu.memref_slice %arg4[%dma_start3A_584, %multiple_of3A_552] : memref<16x1000000xf32, #tpu.memory_space<hbm>> -> memref<8x128xf32, #tpu.memory_space<hbm>>
      tpu.enqueue_dma source(%dma_start3A_585 : memref<8x128xf32, #tpu.memory_space<hbm>>) target(%dma_start3A_583 : memref<8x128xf32, #tpu.memory_space<vmem>>) target_semaphore(%arg14 : memref<!tpu.dma_semaphore, #tpu.memory_space<semaphore_mem>>)
      %dma_start3A_586 = arith.constant 168 : i32
      %dma_start3A_587 = arith.constant 0 : i32
      %dma_start3A_588 = tpu.memref_slice %arg11[%dma_start3A_586, %dma_start3A_587] : memref<256x128xf32, #tpu.memory_space<vmem>> -> memref<8x128xf32, #tpu.memory_space<vmem>>
      %dma_start3A_589 = arith.constant 8 : i32
      %dma_start3A_590 = tpu.memref_slice %arg5[%dma_start3A_589, %multiple_of3A_555] : memref<16x1000000xf32, #tpu.memory_space<hbm>> -> memref<8x128xf32, #tpu.memory_space<hbm>>
      %dma_start3A_591 = arith.constant 168 : i32
      %dma_start3A_592 = arith.constant 0 : i32
      %dma_start3A_593 = tpu.memref_slice %arg11[%dma_start3A_591, %dma_start3A_592] : memref<256x128xf32, #tpu.memory_space<vmem>> -> memref<8x128xf32, #tpu.memory_space<vmem>>
      %dma_start3A_594 = arith.constant 8 : i32
      %dma_start3A_595 = tpu.memref_slice %arg5[%dma_start3A_594, %multiple_of3A_555] : memref<16x1000000xf32, #tpu.memory_space<hbm>> -> memref<8x128xf32, #tpu.memory_space<hbm>>
      tpu.enqueue_dma source(%dma_start3A_595 : memref<8x128xf32, #tpu.memory_space<hbm>>) target(%dma_start3A_593 : memref<8x128xf32, #tpu.memory_space<vmem>>) target_semaphore(%arg14 : memref<!tpu.dma_semaphore, #tpu.memory_space<semaphore_mem>>)
      %slice3A_596 = vector.extract_strided_slice %shift_left3A_83 {offsets = [11], sizes = [1], strides = [1]} : vector<16xi32> to vector<1xi32>
      %squeeze3A_597 = vector.extract %slice3A_596[0] : i32 from vector<1xi32>
      %multiple_of3A_598 = tpu.assume_multiple %squeeze3A_597, 128 : i32
      %slice3A_599 = vector.extract_strided_slice %shift_left3A_93 {offsets = [11], sizes = [1], strides = [1]} : vector<16xi32> to vector<1xi32>
      %squeeze3A_600 = vector.extract %slice3A_599[0] : i32 from vector<1xi32>
      %multiple_of3A_601 = tpu.assume_multiple %squeeze3A_600, 128 : i32
      %dma_start3A_602 = arith.constant 176 : i32
      %dma_start3A_603 = arith.constant 0 : i32
      %dma_start3A_604 = tpu.memref_slice %arg10[%dma_start3A_602, %dma_start3A_603] : memref<256x128xf32, #tpu.memory_space<vmem>> -> memref<8x128xf32, #tpu.memory_space<vmem>>
      %dma_start3A_605 = arith.constant 0 : i32
      %dma_start3A_606 = tpu.memref_slice %arg4[%dma_start3A_605, %multiple_of3A_598] : memref<16x1000000xf32, #tpu.memory_space<hbm>> -> memref<8x128xf32, #tpu.memory_space<hbm>>
      %dma_start3A_607 = arith.constant 176 : i32
      %dma_start3A_608 = arith.constant 0 : i32
      %dma_start3A_609 = tpu.memref_slice %arg10[%dma_start3A_607, %dma_start3A_608] : memref<256x128xf32, #tpu.memory_space<vmem>> -> memref<8x128xf32, #tpu.memory_space<vmem>>
      %dma_start3A_610 = arith.constant 0 : i32
      %dma_start3A_611 = tpu.memref_slice %arg4[%dma_start3A_610, %multiple_of3A_598] : memref<16x1000000xf32, #tpu.memory_space<hbm>> -> memref<8x128xf32, #tpu.memory_space<hbm>>
      tpu.enqueue_dma source(%dma_start3A_611 : memref<8x128xf32, #tpu.memory_space<hbm>>) target(%dma_start3A_609 : memref<8x128xf32, #tpu.memory_space<vmem>>) target_semaphore(%arg14 : memref<!tpu.dma_semaphore, #tpu.memory_space<semaphore_mem>>)
      %dma_start3A_612 = arith.constant 176 : i32
      %dma_start3A_613 = arith.constant 0 : i32
      %dma_start3A_614 = tpu.memref_slice %arg11[%dma_start3A_612, %dma_start3A_613] : memref<256x128xf32, #tpu.memory_space<vmem>> -> memref<8x128xf32, #tpu.memory_space<vmem>>
      %dma_start3A_615 = arith.constant 0 : i32
      %dma_start3A_616 = tpu.memref_slice %arg5[%dma_start3A_615, %multiple_of3A_601] : memref<16x1000000xf32, #tpu.memory_space<hbm>> -> memref<8x128xf32, #tpu.memory_space<hbm>>
      %dma_start3A_617 = arith.constant 176 : i32
      %dma_start3A_618 = arith.constant 0 : i32
      %dma_start3A_619 = tpu.memref_slice %arg11[%dma_start3A_617, %dma_start3A_618] : memref<256x128xf32, #tpu.memory_space<vmem>> -> memref<8x128xf32, #tpu.memory_space<vmem>>
      %dma_start3A_620 = arith.constant 0 : i32
      %dma_start3A_621 = tpu.memref_slice %arg5[%dma_start3A_620, %multiple_of3A_601] : memref<16x1000000xf32, #tpu.memory_space<hbm>> -> memref<8x128xf32, #tpu.memory_space<hbm>>
      tpu.enqueue_dma source(%dma_start3A_621 : memref<8x128xf32, #tpu.memory_space<hbm>>) target(%dma_start3A_619 : memref<8x128xf32, #tpu.memory_space<vmem>>) target_semaphore(%arg14 : memref<!tpu.dma_semaphore, #tpu.memory_space<semaphore_mem>>)
      %dma_start3A_622 = arith.constant 184 : i32
      %dma_start3A_623 = arith.constant 0 : i32
      %dma_start3A_624 = tpu.memref_slice %arg10[%dma_start3A_622, %dma_start3A_623] : memref<256x128xf32, #tpu.memory_space<vmem>> -> memref<8x128xf32, #tpu.memory_space<vmem>>
      %dma_start3A_625 = arith.constant 8 : i32
      %dma_start3A_626 = tpu.memref_slice %arg4[%dma_start3A_625, %multiple_of3A_598] : memref<16x1000000xf32, #tpu.memory_space<hbm>> -> memref<8x128xf32, #tpu.memory_space<hbm>>
      %dma_start3A_627 = arith.constant 184 : i32
      %dma_start3A_628 = arith.constant 0 : i32
      %dma_start3A_629 = tpu.memref_slice %arg10[%dma_start3A_627, %dma_start3A_628] : memref<256x128xf32, #tpu.memory_space<vmem>> -> memref<8x128xf32, #tpu.memory_space<vmem>>
      %dma_start3A_630 = arith.constant 8 : i32
      %dma_start3A_631 = tpu.memref_slice %arg4[%dma_start3A_630, %multiple_of3A_598] : memref<16x1000000xf32, #tpu.memory_space<hbm>> -> memref<8x128xf32, #tpu.memory_space<hbm>>
      tpu.enqueue_dma source(%dma_start3A_631 : memref<8x128xf32, #tpu.memory_space<hbm>>) target(%dma_start3A_629 : memref<8x128xf32, #tpu.memory_space<vmem>>) target_semaphore(%arg14 : memref<!tpu.dma_semaphore, #tpu.memory_space<semaphore_mem>>)
      %dma_start3A_632 = arith.constant 184 : i32
      %dma_start3A_633 = arith.constant 0 : i32
      %dma_start3A_634 = tpu.memref_slice %arg11[%dma_start3A_632, %dma_start3A_633] : memref<256x128xf32, #tpu.memory_space<vmem>> -> memref<8x128xf32, #tpu.memory_space<vmem>>
      %dma_start3A_635 = arith.constant 8 : i32
      %dma_start3A_636 = tpu.memref_slice %arg5[%dma_start3A_635, %multiple_of3A_601] : memref<16x1000000xf32, #tpu.memory_space<hbm>> -> memref<8x128xf32, #tpu.memory_space<hbm>>
      %dma_start3A_637 = arith.constant 184 : i32
      %dma_start3A_638 = arith.constant 0 : i32
      %dma_start3A_639 = tpu.memref_slice %arg11[%dma_start3A_637, %dma_start3A_638] : memref<256x128xf32, #tpu.memory_space<vmem>> -> memref<8x128xf32, #tpu.memory_space<vmem>>
      %dma_start3A_640 = arith.constant 8 : i32
      %dma_start3A_641 = tpu.memref_slice %arg5[%dma_start3A_640, %multiple_of3A_601] : memref<16x1000000xf32, #tpu.memory_space<hbm>> -> memref<8x128xf32, #tpu.memory_space<hbm>>
      tpu.enqueue_dma source(%dma_start3A_641 : memref<8x128xf32, #tpu.memory_space<hbm>>) target(%dma_start3A_639 : memref<8x128xf32, #tpu.memory_space<vmem>>) target_semaphore(%arg14 : memref<!tpu.dma_semaphore, #tpu.memory_space<semaphore_mem>>)
      %slice3A_642 = vector.extract_strided_slice %shift_left3A_83 {offsets = [12], sizes = [1], strides = [1]} : vector<16xi32> to vector<1xi32>
      %squeeze3A_643 = vector.extract %slice3A_642[0] : i32 from vector<1xi32>
      %multiple_of3A_644 = tpu.assume_multiple %squeeze3A_643, 128 : i32
      %slice3A_645 = vector.extract_strided_slice %shift_left3A_93 {offsets = [12], sizes = [1], strides = [1]} : vector<16xi32> to vector<1xi32>
      %squeeze3A_646 = vector.extract %slice3A_645[0] : i32 from vector<1xi32>
      %multiple_of3A_647 = tpu.assume_multiple %squeeze3A_646, 128 : i32
      %dma_start3A_648 = arith.constant 192 : i32
      %dma_start3A_649 = arith.constant 0 : i32
      %dma_start3A_650 = tpu.memref_slice %arg10[%dma_start3A_648, %dma_start3A_649] : memref<256x128xf32, #tpu.memory_space<vmem>> -> memref<8x128xf32, #tpu.memory_space<vmem>>
      %dma_start3A_651 = arith.constant 0 : i32
      %dma_start3A_652 = tpu.memref_slice %arg4[%dma_start3A_651, %multiple_of3A_644] : memref<16x1000000xf32, #tpu.memory_space<hbm>> -> memref<8x128xf32, #tpu.memory_space<hbm>>
      %dma_start3A_653 = arith.constant 192 : i32
      %dma_start3A_654 = arith.constant 0 : i32
      %dma_start3A_655 = tpu.memref_slice %arg10[%dma_start3A_653, %dma_start3A_654] : memref<256x128xf32, #tpu.memory_space<vmem>> -> memref<8x128xf32, #tpu.memory_space<vmem>>
      %dma_start3A_656 = arith.constant 0 : i32
      %dma_start3A_657 = tpu.memref_slice %arg4[%dma_start3A_656, %multiple_of3A_644] : memref<16x1000000xf32, #tpu.memory_space<hbm>> -> memref<8x128xf32, #tpu.memory_space<hbm>>
      tpu.enqueue_dma source(%dma_start3A_657 : memref<8x128xf32, #tpu.memory_space<hbm>>) target(%dma_start3A_655 : memref<8x128xf32, #tpu.memory_space<vmem>>) target_semaphore(%arg14 : memref<!tpu.dma_semaphore, #tpu.memory_space<semaphore_mem>>)
      %dma_start3A_658 = arith.constant 192 : i32
      %dma_start3A_659 = arith.constant 0 : i32
      %dma_start3A_660 = tpu.memref_slice %arg11[%dma_start3A_658, %dma_start3A_659] : memref<256x128xf32, #tpu.memory_space<vmem>> -> memref<8x128xf32, #tpu.memory_space<vmem>>
      %dma_start3A_661 = arith.constant 0 : i32
      %dma_start3A_662 = tpu.memref_slice %arg5[%dma_start3A_661, %multiple_of3A_647] : memref<16x1000000xf32, #tpu.memory_space<hbm>> -> memref<8x128xf32, #tpu.memory_space<hbm>>
      %dma_start3A_663 = arith.constant 192 : i32
      %dma_start3A_664 = arith.constant 0 : i32
      %dma_start3A_665 = tpu.memref_slice %arg11[%dma_start3A_663, %dma_start3A_664] : memref<256x128xf32, #tpu.memory_space<vmem>> -> memref<8x128xf32, #tpu.memory_space<vmem>>
      %dma_start3A_666 = arith.constant 0 : i32
      %dma_start3A_667 = tpu.memref_slice %arg5[%dma_start3A_666, %multiple_of3A_647] : memref<16x1000000xf32, #tpu.memory_space<hbm>> -> memref<8x128xf32, #tpu.memory_space<hbm>>
      tpu.enqueue_dma source(%dma_start3A_667 : memref<8x128xf32, #tpu.memory_space<hbm>>) target(%dma_start3A_665 : memref<8x128xf32, #tpu.memory_space<vmem>>) target_semaphore(%arg14 : memref<!tpu.dma_semaphore, #tpu.memory_space<semaphore_mem>>)
      %dma_start3A_668 = arith.constant 200 : i32
      %dma_start3A_669 = arith.constant 0 : i32
      %dma_start3A_670 = tpu.memref_slice %arg10[%dma_start3A_668, %dma_start3A_669] : memref<256x128xf32, #tpu.memory_space<vmem>> -> memref<8x128xf32, #tpu.memory_space<vmem>>
      %dma_start3A_671 = arith.constant 8 : i32
      %dma_start3A_672 = tpu.memref_slice %arg4[%dma_start3A_671, %multiple_of3A_644] : memref<16x1000000xf32, #tpu.memory_space<hbm>> -> memref<8x128xf32, #tpu.memory_space<hbm>>
      %dma_start3A_673 = arith.constant 200 : i32
      %dma_start3A_674 = arith.constant 0 : i32
      %dma_start3A_675 = tpu.memref_slice %arg10[%dma_start3A_673, %dma_start3A_674] : memref<256x128xf32, #tpu.memory_space<vmem>> -> memref<8x128xf32, #tpu.memory_space<vmem>>
      %dma_start3A_676 = arith.constant 8 : i32
      %dma_start3A_677 = tpu.memref_slice %arg4[%dma_start3A_676, %multiple_of3A_644] : memref<16x1000000xf32, #tpu.memory_space<hbm>> -> memref<8x128xf32, #tpu.memory_space<hbm>>
      tpu.enqueue_dma source(%dma_start3A_677 : memref<8x128xf32, #tpu.memory_space<hbm>>) target(%dma_start3A_675 : memref<8x128xf32, #tpu.memory_space<vmem>>) target_semaphore(%arg14 : memref<!tpu.dma_semaphore, #tpu.memory_space<semaphore_mem>>)
      %dma_start3A_678 = arith.constant 200 : i32
      %dma_start3A_679 = arith.constant 0 : i32
      %dma_start3A_680 = tpu.memref_slice %arg11[%dma_start3A_678, %dma_start3A_679] : memref<256x128xf32, #tpu.memory_space<vmem>> -> memref<8x128xf32, #tpu.memory_space<vmem>>
      %dma_start3A_681 = arith.constant 8 : i32
      %dma_start3A_682 = tpu.memref_slice %arg5[%dma_start3A_681, %multiple_of3A_647] : memref<16x1000000xf32, #tpu.memory_space<hbm>> -> memref<8x128xf32, #tpu.memory_space<hbm>>
      %dma_start3A_683 = arith.constant 200 : i32
      %dma_start3A_684 = arith.constant 0 : i32
      %dma_start3A_685 = tpu.memref_slice %arg11[%dma_start3A_683, %dma_start3A_684] : memref<256x128xf32, #tpu.memory_space<vmem>> -> memref<8x128xf32, #tpu.memory_space<vmem>>
      %dma_start3A_686 = arith.constant 8 : i32
      %dma_start3A_687 = tpu.memref_slice %arg5[%dma_start3A_686, %multiple_of3A_647] : memref<16x1000000xf32, #tpu.memory_space<hbm>> -> memref<8x128xf32, #tpu.memory_space<hbm>>
      tpu.enqueue_dma source(%dma_start3A_687 : memref<8x128xf32, #tpu.memory_space<hbm>>) target(%dma_start3A_685 : memref<8x128xf32, #tpu.memory_space<vmem>>) target_semaphore(%arg14 : memref<!tpu.dma_semaphore, #tpu.memory_space<semaphore_mem>>)
      %slice3A_688 = vector.extract_strided_slice %shift_left3A_83 {offsets = [13], sizes = [1], strides = [1]} : vector<16xi32> to vector<1xi32>
      %squeeze3A_689 = vector.extract %slice3A_688[0] : i32 from vector<1xi32>
      %multiple_of3A_690 = tpu.assume_multiple %squeeze3A_689, 128 : i32
      %slice3A_691 = vector.extract_strided_slice %shift_left3A_93 {offsets = [13], sizes = [1], strides = [1]} : vector<16xi32> to vector<1xi32>
      %squeeze3A_692 = vector.extract %slice3A_691[0] : i32 from vector<1xi32>
      %multiple_of3A_693 = tpu.assume_multiple %squeeze3A_692, 128 : i32
      %dma_start3A_694 = arith.constant 208 : i32
      %dma_start3A_695 = arith.constant 0 : i32
      %dma_start3A_696 = tpu.memref_slice %arg10[%dma_start3A_694, %dma_start3A_695] : memref<256x128xf32, #tpu.memory_space<vmem>> -> memref<8x128xf32, #tpu.memory_space<vmem>>
      %dma_start3A_697 = arith.constant 0 : i32
      %dma_start3A_698 = tpu.memref_slice %arg4[%dma_start3A_697, %multiple_of3A_690] : memref<16x1000000xf32, #tpu.memory_space<hbm>> -> memref<8x128xf32, #tpu.memory_space<hbm>>
      %dma_start3A_699 = arith.constant 208 : i32
      %dma_start3A_700 = arith.constant 0 : i32
      %dma_start3A_701 = tpu.memref_slice %arg10[%dma_start3A_699, %dma_start3A_700] : memref<256x128xf32, #tpu.memory_space<vmem>> -> memref<8x128xf32, #tpu.memory_space<vmem>>
      %dma_start3A_702 = arith.constant 0 : i32
      %dma_start3A_703 = tpu.memref_slice %arg4[%dma_start3A_702, %multiple_of3A_690] : memref<16x1000000xf32, #tpu.memory_space<hbm>> -> memref<8x128xf32, #tpu.memory_space<hbm>>
      tpu.enqueue_dma source(%dma_start3A_703 : memref<8x128xf32, #tpu.memory_space<hbm>>) target(%dma_start3A_701 : memref<8x128xf32, #tpu.memory_space<vmem>>) target_semaphore(%arg14 : memref<!tpu.dma_semaphore, #tpu.memory_space<semaphore_mem>>)
      %dma_start3A_704 = arith.constant 208 : i32
      %dma_start3A_705 = arith.constant 0 : i32
      %dma_start3A_706 = tpu.memref_slice %arg11[%dma_start3A_704, %dma_start3A_705] : memref<256x128xf32, #tpu.memory_space<vmem>> -> memref<8x128xf32, #tpu.memory_space<vmem>>
      %dma_start3A_707 = arith.constant 0 : i32
      %dma_start3A_708 = tpu.memref_slice %arg5[%dma_start3A_707, %multiple_of3A_693] : memref<16x1000000xf32, #tpu.memory_space<hbm>> -> memref<8x128xf32, #tpu.memory_space<hbm>>
      %dma_start3A_709 = arith.constant 208 : i32
      %dma_start3A_710 = arith.constant 0 : i32
      %dma_start3A_711 = tpu.memref_slice %arg11[%dma_start3A_709, %dma_start3A_710] : memref<256x128xf32, #tpu.memory_space<vmem>> -> memref<8x128xf32, #tpu.memory_space<vmem>>
      %dma_start3A_712 = arith.constant 0 : i32
      %dma_start3A_713 = tpu.memref_slice %arg5[%dma_start3A_712, %multiple_of3A_693] : memref<16x1000000xf32, #tpu.memory_space<hbm>> -> memref<8x128xf32, #tpu.memory_space<hbm>>
      tpu.enqueue_dma source(%dma_start3A_713 : memref<8x128xf32, #tpu.memory_space<hbm>>) target(%dma_start3A_711 : memref<8x128xf32, #tpu.memory_space<vmem>>) target_semaphore(%arg14 : memref<!tpu.dma_semaphore, #tpu.memory_space<semaphore_mem>>)
      %dma_start3A_714 = arith.constant 216 : i32
      %dma_start3A_715 = arith.constant 0 : i32
      %dma_start3A_716 = tpu.memref_slice %arg10[%dma_start3A_714, %dma_start3A_715] : memref<256x128xf32, #tpu.memory_space<vmem>> -> memref<8x128xf32, #tpu.memory_space<vmem>>
      %dma_start3A_717 = arith.constant 8 : i32
      %dma_start3A_718 = tpu.memref_slice %arg4[%dma_start3A_717, %multiple_of3A_690] : memref<16x1000000xf32, #tpu.memory_space<hbm>> -> memref<8x128xf32, #tpu.memory_space<hbm>>
      %dma_start3A_719 = arith.constant 216 : i32
      %dma_start3A_720 = arith.constant 0 : i32
      %dma_start3A_721 = tpu.memref_slice %arg10[%dma_start3A_719, %dma_start3A_720] : memref<256x128xf32, #tpu.memory_space<vmem>> -> memref<8x128xf32, #tpu.memory_space<vmem>>
      %dma_start3A_722 = arith.constant 8 : i32
      %dma_start3A_723 = tpu.memref_slice %arg4[%dma_start3A_722, %multiple_of3A_690] : memref<16x1000000xf32, #tpu.memory_space<hbm>> -> memref<8x128xf32, #tpu.memory_space<hbm>>
      tpu.enqueue_dma source(%dma_start3A_723 : memref<8x128xf32, #tpu.memory_space<hbm>>) target(%dma_start3A_721 : memref<8x128xf32, #tpu.memory_space<vmem>>) target_semaphore(%arg14 : memref<!tpu.dma_semaphore, #tpu.memory_space<semaphore_mem>>)
      %dma_start3A_724 = arith.constant 216 : i32
      %dma_start3A_725 = arith.constant 0 : i32
      %dma_start3A_726 = tpu.memref_slice %arg11[%dma_start3A_724, %dma_start3A_725] : memref<256x128xf32, #tpu.memory_space<vmem>> -> memref<8x128xf32, #tpu.memory_space<vmem>>
      %dma_start3A_727 = arith.constant 8 : i32
      %dma_start3A_728 = tpu.memref_slice %arg5[%dma_start3A_727, %multiple_of3A_693] : memref<16x1000000xf32, #tpu.memory_space<hbm>> -> memref<8x128xf32, #tpu.memory_space<hbm>>
      %dma_start3A_729 = arith.constant 216 : i32
      %dma_start3A_730 = arith.constant 0 : i32
      %dma_start3A_731 = tpu.memref_slice %arg11[%dma_start3A_729, %dma_start3A_730] : memref<256x128xf32, #tpu.memory_space<vmem>> -> memref<8x128xf32, #tpu.memory_space<vmem>>
      %dma_start3A_732 = arith.constant 8 : i32
      %dma_start3A_733 = tpu.memref_slice %arg5[%dma_start3A_732, %multiple_of3A_693] : memref<16x1000000xf32, #tpu.memory_space<hbm>> -> memref<8x128xf32, #tpu.memory_space<hbm>>
      tpu.enqueue_dma source(%dma_start3A_733 : memref<8x128xf32, #tpu.memory_space<hbm>>) target(%dma_start3A_731 : memref<8x128xf32, #tpu.memory_space<vmem>>) target_semaphore(%arg14 : memref<!tpu.dma_semaphore, #tpu.memory_space<semaphore_mem>>)
      %slice3A_734 = vector.extract_strided_slice %shift_left3A_83 {offsets = [14], sizes = [1], strides = [1]} : vector<16xi32> to vector<1xi32>
      %squeeze3A_735 = vector.extract %slice3A_734[0] : i32 from vector<1xi32>
      %multiple_of3A_736 = tpu.assume_multiple %squeeze3A_735, 128 : i32
      %slice3A_737 = vector.extract_strided_slice %shift_left3A_93 {offsets = [14], sizes = [1], strides = [1]} : vector<16xi32> to vector<1xi32>
      %squeeze3A_738 = vector.extract %slice3A_737[0] : i32 from vector<1xi32>
      %multiple_of3A_739 = tpu.assume_multiple %squeeze3A_738, 128 : i32
      %dma_start3A_740 = arith.constant 224 : i32
      %dma_start3A_741 = arith.constant 0 : i32
      %dma_start3A_742 = tpu.memref_slice %arg10[%dma_start3A_740, %dma_start3A_741] : memref<256x128xf32, #tpu.memory_space<vmem>> -> memref<8x128xf32, #tpu.memory_space<vmem>>
      %dma_start3A_743 = arith.constant 0 : i32
      %dma_start3A_744 = tpu.memref_slice %arg4[%dma_start3A_743, %multiple_of3A_736] : memref<16x1000000xf32, #tpu.memory_space<hbm>> -> memref<8x128xf32, #tpu.memory_space<hbm>>
      %dma_start3A_745 = arith.constant 224 : i32
      %dma_start3A_746 = arith.constant 0 : i32
      %dma_start3A_747 = tpu.memref_slice %arg10[%dma_start3A_745, %dma_start3A_746] : memref<256x128xf32, #tpu.memory_space<vmem>> -> memref<8x128xf32, #tpu.memory_space<vmem>>
      %dma_start3A_748 = arith.constant 0 : i32
      %dma_start3A_749 = tpu.memref_slice %arg4[%dma_start3A_748, %multiple_of3A_736] : memref<16x1000000xf32, #tpu.memory_space<hbm>> -> memref<8x128xf32, #tpu.memory_space<hbm>>
      tpu.enqueue_dma source(%dma_start3A_749 : memref<8x128xf32, #tpu.memory_space<hbm>>) target(%dma_start3A_747 : memref<8x128xf32, #tpu.memory_space<vmem>>) target_semaphore(%arg14 : memref<!tpu.dma_semaphore, #tpu.memory_space<semaphore_mem>>)
      %dma_start3A_750 = arith.constant 224 : i32
      %dma_start3A_751 = arith.constant 0 : i32
      %dma_start3A_752 = tpu.memref_slice %arg11[%dma_start3A_750, %dma_start3A_751] : memref<256x128xf32, #tpu.memory_space<vmem>> -> memref<8x128xf32, #tpu.memory_space<vmem>>
      %dma_start3A_753 = arith.constant 0 : i32
      %dma_start3A_754 = tpu.memref_slice %arg5[%dma_start3A_753, %multiple_of3A_739] : memref<16x1000000xf32, #tpu.memory_space<hbm>> -> memref<8x128xf32, #tpu.memory_space<hbm>>
      %dma_start3A_755 = arith.constant 224 : i32
      %dma_start3A_756 = arith.constant 0 : i32
      %dma_start3A_757 = tpu.memref_slice %arg11[%dma_start3A_755, %dma_start3A_756] : memref<256x128xf32, #tpu.memory_space<vmem>> -> memref<8x128xf32, #tpu.memory_space<vmem>>
      %dma_start3A_758 = arith.constant 0 : i32
      %dma_start3A_759 = tpu.memref_slice %arg5[%dma_start3A_758, %multiple_of3A_739] : memref<16x1000000xf32, #tpu.memory_space<hbm>> -> memref<8x128xf32, #tpu.memory_space<hbm>>
      tpu.enqueue_dma source(%dma_start3A_759 : memref<8x128xf32, #tpu.memory_space<hbm>>) target(%dma_start3A_757 : memref<8x128xf32, #tpu.memory_space<vmem>>) target_semaphore(%arg14 : memref<!tpu.dma_semaphore, #tpu.memory_space<semaphore_mem>>)
      %dma_start3A_760 = arith.constant 232 : i32
      %dma_start3A_761 = arith.constant 0 : i32
      %dma_start3A_762 = tpu.memref_slice %arg10[%dma_start3A_760, %dma_start3A_761] : memref<256x128xf32, #tpu.memory_space<vmem>> -> memref<8x128xf32, #tpu.memory_space<vmem>>
      %dma_start3A_763 = arith.constant 8 : i32
      %dma_start3A_764 = tpu.memref_slice %arg4[%dma_start3A_763, %multiple_of3A_736] : memref<16x1000000xf32, #tpu.memory_space<hbm>> -> memref<8x128xf32, #tpu.memory_space<hbm>>
      %dma_start3A_765 = arith.constant 232 : i32
      %dma_start3A_766 = arith.constant 0 : i32
      %dma_start3A_767 = tpu.memref_slice %arg10[%dma_start3A_765, %dma_start3A_766] : memref<256x128xf32, #tpu.memory_space<vmem>> -> memref<8x128xf32, #tpu.memory_space<vmem>>
      %dma_start3A_768 = arith.constant 8 : i32
      %dma_start3A_769 = tpu.memref_slice %arg4[%dma_start3A_768, %multiple_of3A_736] : memref<16x1000000xf32, #tpu.memory_space<hbm>> -> memref<8x128xf32, #tpu.memory_space<hbm>>
      tpu.enqueue_dma source(%dma_start3A_769 : memref<8x128xf32, #tpu.memory_space<hbm>>) target(%dma_start3A_767 : memref<8x128xf32, #tpu.memory_space<vmem>>) target_semaphore(%arg14 : memref<!tpu.dma_semaphore, #tpu.memory_space<semaphore_mem>>)
      %dma_start3A_770 = arith.constant 232 : i32
      %dma_start3A_771 = arith.constant 0 : i32
      %dma_start3A_772 = tpu.memref_slice %arg11[%dma_start3A_770, %dma_start3A_771] : memref<256x128xf32, #tpu.memory_space<vmem>> -> memref<8x128xf32, #tpu.memory_space<vmem>>
      %dma_start3A_773 = arith.constant 8 : i32
      %dma_start3A_774 = tpu.memref_slice %arg5[%dma_start3A_773, %multiple_of3A_739] : memref<16x1000000xf32, #tpu.memory_space<hbm>> -> memref<8x128xf32, #tpu.memory_space<hbm>>
      %dma_start3A_775 = arith.constant 232 : i32
      %dma_start3A_776 = arith.constant 0 : i32
      %dma_start3A_777 = tpu.memref_slice %arg11[%dma_start3A_775, %dma_start3A_776] : memref<256x128xf32, #tpu.memory_space<vmem>> -> memref<8x128xf32, #tpu.memory_space<vmem>>
      %dma_start3A_778 = arith.constant 8 : i32
      %dma_start3A_779 = tpu.memref_slice %arg5[%dma_start3A_778, %multiple_of3A_739] : memref<16x1000000xf32, #tpu.memory_space<hbm>> -> memref<8x128xf32, #tpu.memory_space<hbm>>
      tpu.enqueue_dma source(%dma_start3A_779 : memref<8x128xf32, #tpu.memory_space<hbm>>) target(%dma_start3A_777 : memref<8x128xf32, #tpu.memory_space<vmem>>) target_semaphore(%arg14 : memref<!tpu.dma_semaphore, #tpu.memory_space<semaphore_mem>>)
      %slice3A_780 = vector.extract_strided_slice %shift_left3A_83 {offsets = [15], sizes = [1], strides = [1]} : vector<16xi32> to vector<1xi32>
      %squeeze3A_781 = vector.extract %slice3A_780[0] : i32 from vector<1xi32>
      %multiple_of3A_782 = tpu.assume_multiple %squeeze3A_781, 128 : i32
      %slice3A_783 = vector.extract_strided_slice %shift_left3A_93 {offsets = [15], sizes = [1], strides = [1]} : vector<16xi32> to vector<1xi32>
      %squeeze3A_784 = vector.extract %slice3A_783[0] : i32 from vector<1xi32>
      %multiple_of3A_785 = tpu.assume_multiple %squeeze3A_784, 128 : i32
      %dma_start3A_786 = arith.constant 240 : i32
      %dma_start3A_787 = arith.constant 0 : i32
      %dma_start3A_788 = tpu.memref_slice %arg10[%dma_start3A_786, %dma_start3A_787] : memref<256x128xf32, #tpu.memory_space<vmem>> -> memref<8x128xf32, #tpu.memory_space<vmem>>
      %dma_start3A_789 = arith.constant 0 : i32
      %dma_start3A_790 = tpu.memref_slice %arg4[%dma_start3A_789, %multiple_of3A_782] : memref<16x1000000xf32, #tpu.memory_space<hbm>> -> memref<8x128xf32, #tpu.memory_space<hbm>>
      %dma_start3A_791 = arith.constant 240 : i32
      %dma_start3A_792 = arith.constant 0 : i32
      %dma_start3A_793 = tpu.memref_slice %arg10[%dma_start3A_791, %dma_start3A_792] : memref<256x128xf32, #tpu.memory_space<vmem>> -> memref<8x128xf32, #tpu.memory_space<vmem>>
      %dma_start3A_794 = arith.constant 0 : i32
      %dma_start3A_795 = tpu.memref_slice %arg4[%dma_start3A_794, %multiple_of3A_782] : memref<16x1000000xf32, #tpu.memory_space<hbm>> -> memref<8x128xf32, #tpu.memory_space<hbm>>
      tpu.enqueue_dma source(%dma_start3A_795 : memref<8x128xf32, #tpu.memory_space<hbm>>) target(%dma_start3A_793 : memref<8x128xf32, #tpu.memory_space<vmem>>) target_semaphore(%arg14 : memref<!tpu.dma_semaphore, #tpu.memory_space<semaphore_mem>>)
      %dma_start3A_796 = arith.constant 240 : i32
      %dma_start3A_797 = arith.constant 0 : i32
      %dma_start3A_798 = tpu.memref_slice %arg11[%dma_start3A_796, %dma_start3A_797] : memref<256x128xf32, #tpu.memory_space<vmem>> -> memref<8x128xf32, #tpu.memory_space<vmem>>
      %dma_start3A_799 = arith.constant 0 : i32
      %dma_start3A_800 = tpu.memref_slice %arg5[%dma_start3A_799, %multiple_of3A_785] : memref<16x1000000xf32, #tpu.memory_space<hbm>> -> memref<8x128xf32, #tpu.memory_space<hbm>>
      %dma_start3A_801 = arith.constant 240 : i32
      %dma_start3A_802 = arith.constant 0 : i32
      %dma_start3A_803 = tpu.memref_slice %arg11[%dma_start3A_801, %dma_start3A_802] : memref<256x128xf32, #tpu.memory_space<vmem>> -> memref<8x128xf32, #tpu.memory_space<vmem>>
      %dma_start3A_804 = arith.constant 0 : i32
      %dma_start3A_805 = tpu.memref_slice %arg5[%dma_start3A_804, %multiple_of3A_785] : memref<16x1000000xf32, #tpu.memory_space<hbm>> -> memref<8x128xf32, #tpu.memory_space<hbm>>
      tpu.enqueue_dma source(%dma_start3A_805 : memref<8x128xf32, #tpu.memory_space<hbm>>) target(%dma_start3A_803 : memref<8x128xf32, #tpu.memory_space<vmem>>) target_semaphore(%arg14 : memref<!tpu.dma_semaphore, #tpu.memory_space<semaphore_mem>>)
      %dma_start3A_806 = arith.constant 248 : i32
      %dma_start3A_807 = arith.constant 0 : i32
      %dma_start3A_808 = tpu.memref_slice %arg10[%dma_start3A_806, %dma_start3A_807] : memref<256x128xf32, #tpu.memory_space<vmem>> -> memref<8x128xf32, #tpu.memory_space<vmem>>
      %dma_start3A_809 = arith.constant 8 : i32
      %dma_start3A_810 = tpu.memref_slice %arg4[%dma_start3A_809, %multiple_of3A_782] : memref<16x1000000xf32, #tpu.memory_space<hbm>> -> memref<8x128xf32, #tpu.memory_space<hbm>>
      %dma_start3A_811 = arith.constant 248 : i32
      %dma_start3A_812 = arith.constant 0 : i32
      %dma_start3A_813 = tpu.memref_slice %arg10[%dma_start3A_811, %dma_start3A_812] : memref<256x128xf32, #tpu.memory_space<vmem>> -> memref<8x128xf32, #tpu.memory_space<vmem>>
      %dma_start3A_814 = arith.constant 8 : i32
      %dma_start3A_815 = tpu.memref_slice %arg4[%dma_start3A_814, %multiple_of3A_782] : memref<16x1000000xf32, #tpu.memory_space<hbm>> -> memref<8x128xf32, #tpu.memory_space<hbm>>
      tpu.enqueue_dma source(%dma_start3A_815 : memref<8x128xf32, #tpu.memory_space<hbm>>) target(%dma_start3A_813 : memref<8x128xf32, #tpu.memory_space<vmem>>) target_semaphore(%arg14 : memref<!tpu.dma_semaphore, #tpu.memory_space<semaphore_mem>>)
      %dma_start3A_816 = arith.constant 248 : i32
      %dma_start3A_817 = arith.constant 0 : i32
      %dma_start3A_818 = tpu.memref_slice %arg11[%dma_start3A_816, %dma_start3A_817] : memref<256x128xf32, #tpu.memory_space<vmem>> -> memref<8x128xf32, #tpu.memory_space<vmem>>
      %dma_start3A_819 = arith.constant 8 : i32
      %dma_start3A_820 = tpu.memref_slice %arg5[%dma_start3A_819, %multiple_of3A_785] : memref<16x1000000xf32, #tpu.memory_space<hbm>> -> memref<8x128xf32, #tpu.memory_space<hbm>>
      %dma_start3A_821 = arith.constant 248 : i32
      %dma_start3A_822 = arith.constant 0 : i32
      %dma_start3A_823 = tpu.memref_slice %arg11[%dma_start3A_821, %dma_start3A_822] : memref<256x128xf32, #tpu.memory_space<vmem>> -> memref<8x128xf32, #tpu.memory_space<vmem>>
      %dma_start3A_824 = arith.constant 8 : i32
      %dma_start3A_825 = tpu.memref_slice %arg5[%dma_start3A_824, %multiple_of3A_785] : memref<16x1000000xf32, #tpu.memory_space<hbm>> -> memref<8x128xf32, #tpu.memory_space<hbm>>
      tpu.enqueue_dma source(%dma_start3A_825 : memref<8x128xf32, #tpu.memory_space<hbm>>) target(%dma_start3A_823 : memref<8x128xf32, #tpu.memory_space<vmem>>) target_semaphore(%arg14 : memref<!tpu.dma_semaphore, #tpu.memory_space<semaphore_mem>>)
      %dma_wait3A = arith.constant 0 : i32
      %dma_wait3A_826 = arith.constant 0 : i32
      %dma_wait3A_827 = tpu.memref_slice %arg10[%dma_wait3A, %dma_wait3A_826] : memref<256x128xf32, #tpu.memory_space<vmem>> -> memref<8x128xf32, #tpu.memory_space<vmem>>
      %dma_wait3A_828 = arith.constant 0 : i32
      %dma_wait3A_829 = tpu.memref_slice %arg4[%dma_wait3A_828, %multiple_of3A] : memref<16x1000000xf32, #tpu.memory_space<hbm>> -> memref<8x128xf32, #tpu.memory_space<hbm>>
      %dma_wait3A_830 = arith.constant 0 : i32
      %dma_wait3A_831 = arith.constant 0 : i32
      %dma_wait3A_832 = tpu.memref_slice %arg10[%dma_wait3A_830, %dma_wait3A_831] : memref<256x128xf32, #tpu.memory_space<vmem>> -> memref<8x128xf32, #tpu.memory_space<vmem>>
      %dma_wait3A_833 = arith.constant 0 : i32
      %dma_wait3A_834 = tpu.memref_slice %arg4[%dma_wait3A_833, %multiple_of3A] : memref<16x1000000xf32, #tpu.memory_space<hbm>> -> memref<8x128xf32, #tpu.memory_space<hbm>>
      tpu.wait_dma2 semaphore(%arg14 : memref<!tpu.dma_semaphore, #tpu.memory_space<semaphore_mem>>) src(%dma_wait3A_834 : memref<8x128xf32, #tpu.memory_space<hbm>>) dst(%dma_wait3A_832 : memref<8x128xf32, #tpu.memory_space<vmem>>)
      %dma_wait3A_835 = arith.constant 0 : i32
      %dma_wait3A_836 = arith.constant 0 : i32
      %dma_wait3A_837 = tpu.memref_slice %arg11[%dma_wait3A_835, %dma_wait3A_836] : memref<256x128xf32, #tpu.memory_space<vmem>> -> memref<8x128xf32, #tpu.memory_space<vmem>>
      %dma_wait3A_838 = arith.constant 0 : i32
      %dma_wait3A_839 = tpu.memref_slice %arg5[%dma_wait3A_838, %multiple_of3A_96] : memref<16x1000000xf32, #tpu.memory_space<hbm>> -> memref<8x128xf32, #tpu.memory_space<hbm>>
      %dma_wait3A_840 = arith.constant 0 : i32
      %dma_wait3A_841 = arith.constant 0 : i32
      %dma_wait3A_842 = tpu.memref_slice %arg11[%dma_wait3A_840, %dma_wait3A_841] : memref<256x128xf32, #tpu.memory_space<vmem>> -> memref<8x128xf32, #tpu.memory_space<vmem>>
      %dma_wait3A_843 = arith.constant 0 : i32
      %dma_wait3A_844 = tpu.memref_slice %arg5[%dma_wait3A_843, %multiple_of3A_96] : memref<16x1000000xf32, #tpu.memory_space<hbm>> -> memref<8x128xf32, #tpu.memory_space<hbm>>
      tpu.wait_dma2 semaphore(%arg14 : memref<!tpu.dma_semaphore, #tpu.memory_space<semaphore_mem>>) src(%dma_wait3A_844 : memref<8x128xf32, #tpu.memory_space<hbm>>) dst(%dma_wait3A_842 : memref<8x128xf32, #tpu.memory_space<vmem>>)
      %dma_wait3A_845 = arith.constant 8 : i32
      %dma_wait3A_846 = arith.constant 0 : i32
      %dma_wait3A_847 = tpu.memref_slice %arg10[%dma_wait3A_845, %dma_wait3A_846] : memref<256x128xf32, #tpu.memory_space<vmem>> -> memref<8x128xf32, #tpu.memory_space<vmem>>
      %dma_wait3A_848 = arith.constant 8 : i32
      %dma_wait3A_849 = tpu.memref_slice %arg4[%dma_wait3A_848, %multiple_of3A] : memref<16x1000000xf32, #tpu.memory_space<hbm>> -> memref<8x128xf32, #tpu.memory_space<hbm>>
      %dma_wait3A_850 = arith.constant 8 : i32
      %dma_wait3A_851 = arith.constant 0 : i32
      %dma_wait3A_852 = tpu.memref_slice %arg10[%dma_wait3A_850, %dma_wait3A_851] : memref<256x128xf32, #tpu.memory_space<vmem>> -> memref<8x128xf32, #tpu.memory_space<vmem>>
      %dma_wait3A_853 = arith.constant 8 : i32
      %dma_wait3A_854 = tpu.memref_slice %arg4[%dma_wait3A_853, %multiple_of3A] : memref<16x1000000xf32, #tpu.memory_space<hbm>> -> memref<8x128xf32, #tpu.memory_space<hbm>>
      tpu.wait_dma2 semaphore(%arg14 : memref<!tpu.dma_semaphore, #tpu.memory_space<semaphore_mem>>) src(%dma_wait3A_854 : memref<8x128xf32, #tpu.memory_space<hbm>>) dst(%dma_wait3A_852 : memref<8x128xf32, #tpu.memory_space<vmem>>)
      %dma_wait3A_855 = arith.constant 8 : i32
      %dma_wait3A_856 = arith.constant 0 : i32
      %dma_wait3A_857 = tpu.memref_slice %arg11[%dma_wait3A_855, %dma_wait3A_856] : memref<256x128xf32, #tpu.memory_space<vmem>> -> memref<8x128xf32, #tpu.memory_space<vmem>>
      %dma_wait3A_858 = arith.constant 8 : i32
      %dma_wait3A_859 = tpu.memref_slice %arg5[%dma_wait3A_858, %multiple_of3A_96] : memref<16x1000000xf32, #tpu.memory_space<hbm>> -> memref<8x128xf32, #tpu.memory_space<hbm>>
      %dma_wait3A_860 = arith.constant 8 : i32
      %dma_wait3A_861 = arith.constant 0 : i32
      %dma_wait3A_862 = tpu.memref_slice %arg11[%dma_wait3A_860, %dma_wait3A_861] : memref<256x128xf32, #tpu.memory_space<vmem>> -> memref<8x128xf32, #tpu.memory_space<vmem>>
      %dma_wait3A_863 = arith.constant 8 : i32
      %dma_wait3A_864 = tpu.memref_slice %arg5[%dma_wait3A_863, %multiple_of3A_96] : memref<16x1000000xf32, #tpu.memory_space<hbm>> -> memref<8x128xf32, #tpu.memory_space<hbm>>
      tpu.wait_dma2 semaphore(%arg14 : memref<!tpu.dma_semaphore, #tpu.memory_space<semaphore_mem>>) src(%dma_wait3A_864 : memref<8x128xf32, #tpu.memory_space<hbm>>) dst(%dma_wait3A_862 : memref<8x128xf32, #tpu.memory_space<vmem>>)
      %dma_wait3A_865 = arith.constant 16 : i32
      %dma_wait3A_866 = arith.constant 0 : i32
      %dma_wait3A_867 = tpu.memref_slice %arg10[%dma_wait3A_865, %dma_wait3A_866] : memref<256x128xf32, #tpu.memory_space<vmem>> -> memref<8x128xf32, #tpu.memory_space<vmem>>
      %dma_wait3A_868 = arith.constant 0 : i32
      %dma_wait3A_869 = tpu.memref_slice %arg4[%dma_wait3A_868, %multiple_of3A_138] : memref<16x1000000xf32, #tpu.memory_space<hbm>> -> memref<8x128xf32, #tpu.memory_space<hbm>>
      %dma_wait3A_870 = arith.constant 16 : i32
      %dma_wait3A_871 = arith.constant 0 : i32
      %dma_wait3A_872 = tpu.memref_slice %arg10[%dma_wait3A_870, %dma_wait3A_871] : memref<256x128xf32, #tpu.memory_space<vmem>> -> memref<8x128xf32, #tpu.memory_space<vmem>>
      %dma_wait3A_873 = arith.constant 0 : i32
      %dma_wait3A_874 = tpu.memref_slice %arg4[%dma_wait3A_873, %multiple_of3A_138] : memref<16x1000000xf32, #tpu.memory_space<hbm>> -> memref<8x128xf32, #tpu.memory_space<hbm>>
      tpu.wait_dma2 semaphore(%arg14 : memref<!tpu.dma_semaphore, #tpu.memory_space<semaphore_mem>>) src(%dma_wait3A_874 : memref<8x128xf32, #tpu.memory_space<hbm>>) dst(%dma_wait3A_872 : memref<8x128xf32, #tpu.memory_space<vmem>>)
      %dma_wait3A_875 = arith.constant 16 : i32
      %dma_wait3A_876 = arith.constant 0 : i32
      %dma_wait3A_877 = tpu.memref_slice %arg11[%dma_wait3A_875, %dma_wait3A_876] : memref<256x128xf32, #tpu.memory_space<vmem>> -> memref<8x128xf32, #tpu.memory_space<vmem>>
      %dma_wait3A_878 = arith.constant 0 : i32
      %dma_wait3A_879 = tpu.memref_slice %arg5[%dma_wait3A_878, %multiple_of3A_141] : memref<16x1000000xf32, #tpu.memory_space<hbm>> -> memref<8x128xf32, #tpu.memory_space<hbm>>
      %dma_wait3A_880 = arith.constant 16 : i32
      %dma_wait3A_881 = arith.constant 0 : i32
      %dma_wait3A_882 = tpu.memref_slice %arg11[%dma_wait3A_880, %dma_wait3A_881] : memref<256x128xf32, #tpu.memory_space<vmem>> -> memref<8x128xf32, #tpu.memory_space<vmem>>
      %dma_wait3A_883 = arith.constant 0 : i32
      %dma_wait3A_884 = tpu.memref_slice %arg5[%dma_wait3A_883, %multiple_of3A_141] : memref<16x1000000xf32, #tpu.memory_space<hbm>> -> memref<8x128xf32, #tpu.memory_space<hbm>>
      tpu.wait_dma2 semaphore(%arg14 : memref<!tpu.dma_semaphore, #tpu.memory_space<semaphore_mem>>) src(%dma_wait3A_884 : memref<8x128xf32, #tpu.memory_space<hbm>>) dst(%dma_wait3A_882 : memref<8x128xf32, #tpu.memory_space<vmem>>)
      %dma_wait3A_885 = arith.constant 24 : i32
      %dma_wait3A_886 = arith.constant 0 : i32
      %dma_wait3A_887 = tpu.memref_slice %arg10[%dma_wait3A_885, %dma_wait3A_886] : memref<256x128xf32, #tpu.memory_space<vmem>> -> memref<8x128xf32, #tpu.memory_space<vmem>>
      %dma_wait3A_888 = arith.constant 8 : i32
      %dma_wait3A_889 = tpu.memref_slice %arg4[%dma_wait3A_888, %multiple_of3A_138] : memref<16x1000000xf32, #tpu.memory_space<hbm>> -> memref<8x128xf32, #tpu.memory_space<hbm>>
      %dma_wait3A_890 = arith.constant 24 : i32
      %dma_wait3A_891 = arith.constant 0 : i32
      %dma_wait3A_892 = tpu.memref_slice %arg10[%dma_wait3A_890, %dma_wait3A_891] : memref<256x128xf32, #tpu.memory_space<vmem>> -> memref<8x128xf32, #tpu.memory_space<vmem>>
      %dma_wait3A_893 = arith.constant 8 : i32
      %dma_wait3A_894 = tpu.memref_slice %arg4[%dma_wait3A_893, %multiple_of3A_138] : memref<16x1000000xf32, #tpu.memory_space<hbm>> -> memref<8x128xf32, #tpu.memory_space<hbm>>
      tpu.wait_dma2 semaphore(%arg14 : memref<!tpu.dma_semaphore, #tpu.memory_space<semaphore_mem>>) src(%dma_wait3A_894 : memref<8x128xf32, #tpu.memory_space<hbm>>) dst(%dma_wait3A_892 : memref<8x128xf32, #tpu.memory_space<vmem>>)
      %dma_wait3A_895 = arith.constant 24 : i32
      %dma_wait3A_896 = arith.constant 0 : i32
      %dma_wait3A_897 = tpu.memref_slice %arg11[%dma_wait3A_895, %dma_wait3A_896] : memref<256x128xf32, #tpu.memory_space<vmem>> -> memref<8x128xf32, #tpu.memory_space<vmem>>
      %dma_wait3A_898 = arith.constant 8 : i32
      %dma_wait3A_899 = tpu.memref_slice %arg5[%dma_wait3A_898, %multiple_of3A_141] : memref<16x1000000xf32, #tpu.memory_space<hbm>> -> memref<8x128xf32, #tpu.memory_space<hbm>>
      %dma_wait3A_900 = arith.constant 24 : i32
      %dma_wait3A_901 = arith.constant 0 : i32
      %dma_wait3A_902 = tpu.memref_slice %arg11[%dma_wait3A_900, %dma_wait3A_901] : memref<256x128xf32, #tpu.memory_space<vmem>> -> memref<8x128xf32, #tpu.memory_space<vmem>>
      %dma_wait3A_903 = arith.constant 8 : i32
      %dma_wait3A_904 = tpu.memref_slice %arg5[%dma_wait3A_903, %multiple_of3A_141] : memref<16x1000000xf32, #tpu.memory_space<hbm>> -> memref<8x128xf32, #tpu.memory_space<hbm>>
      tpu.wait_dma2 semaphore(%arg14 : memref<!tpu.dma_semaphore, #tpu.memory_space<semaphore_mem>>) src(%dma_wait3A_904 : memref<8x128xf32, #tpu.memory_space<hbm>>) dst(%dma_wait3A_902 : memref<8x128xf32, #tpu.memory_space<vmem>>)
      %dma_wait3A_905 = arith.constant 32 : i32
      %dma_wait3A_906 = arith.constant 0 : i32
      %dma_wait3A_907 = tpu.memref_slice %arg10[%dma_wait3A_905, %dma_wait3A_906] : memref<256x128xf32, #tpu.memory_space<vmem>> -> memref<8x128xf32, #tpu.memory_space<vmem>>
      %dma_wait3A_908 = arith.constant 0 : i32
      %dma_wait3A_909 = tpu.memref_slice %arg4[%dma_wait3A_908, %multiple_of3A_184] : memref<16x1000000xf32, #tpu.memory_space<hbm>> -> memref<8x128xf32, #tpu.memory_space<hbm>>
      %dma_wait3A_910 = arith.constant 32 : i32
      %dma_wait3A_911 = arith.constant 0 : i32
      %dma_wait3A_912 = tpu.memref_slice %arg10[%dma_wait3A_910, %dma_wait3A_911] : memref<256x128xf32, #tpu.memory_space<vmem>> -> memref<8x128xf32, #tpu.memory_space<vmem>>
      %dma_wait3A_913 = arith.constant 0 : i32
      %dma_wait3A_914 = tpu.memref_slice %arg4[%dma_wait3A_913, %multiple_of3A_184] : memref<16x1000000xf32, #tpu.memory_space<hbm>> -> memref<8x128xf32, #tpu.memory_space<hbm>>
      tpu.wait_dma2 semaphore(%arg14 : memref<!tpu.dma_semaphore, #tpu.memory_space<semaphore_mem>>) src(%dma_wait3A_914 : memref<8x128xf32, #tpu.memory_space<hbm>>) dst(%dma_wait3A_912 : memref<8x128xf32, #tpu.memory_space<vmem>>)
      %dma_wait3A_915 = arith.constant 32 : i32
      %dma_wait3A_916 = arith.constant 0 : i32
      %dma_wait3A_917 = tpu.memref_slice %arg11[%dma_wait3A_915, %dma_wait3A_916] : memref<256x128xf32, #tpu.memory_space<vmem>> -> memref<8x128xf32, #tpu.memory_space<vmem>>
      %dma_wait3A_918 = arith.constant 0 : i32
      %dma_wait3A_919 = tpu.memref_slice %arg5[%dma_wait3A_918, %multiple_of3A_187] : memref<16x1000000xf32, #tpu.memory_space<hbm>> -> memref<8x128xf32, #tpu.memory_space<hbm>>
      %dma_wait3A_920 = arith.constant 32 : i32
      %dma_wait3A_921 = arith.constant 0 : i32
      %dma_wait3A_922 = tpu.memref_slice %arg11[%dma_wait3A_920, %dma_wait3A_921] : memref<256x128xf32, #tpu.memory_space<vmem>> -> memref<8x128xf32, #tpu.memory_space<vmem>>
      %dma_wait3A_923 = arith.constant 0 : i32
      %dma_wait3A_924 = tpu.memref_slice %arg5[%dma_wait3A_923, %multiple_of3A_187] : memref<16x1000000xf32, #tpu.memory_space<hbm>> -> memref<8x128xf32, #tpu.memory_space<hbm>>
      tpu.wait_dma2 semaphore(%arg14 : memref<!tpu.dma_semaphore, #tpu.memory_space<semaphore_mem>>) src(%dma_wait3A_924 : memref<8x128xf32, #tpu.memory_space<hbm>>) dst(%dma_wait3A_922 : memref<8x128xf32, #tpu.memory_space<vmem>>)
      %dma_wait3A_925 = arith.constant 40 : i32
      %dma_wait3A_926 = arith.constant 0 : i32
      %dma_wait3A_927 = tpu.memref_slice %arg10[%dma_wait3A_925, %dma_wait3A_926] : memref<256x128xf32, #tpu.memory_space<vmem>> -> memref<8x128xf32, #tpu.memory_space<vmem>>
      %dma_wait3A_928 = arith.constant 8 : i32
      %dma_wait3A_929 = tpu.memref_slice %arg4[%dma_wait3A_928, %multiple_of3A_184] : memref<16x1000000xf32, #tpu.memory_space<hbm>> -> memref<8x128xf32, #tpu.memory_space<hbm>>
      %dma_wait3A_930 = arith.constant 40 : i32
      %dma_wait3A_931 = arith.constant 0 : i32
      %dma_wait3A_932 = tpu.memref_slice %arg10[%dma_wait3A_930, %dma_wait3A_931] : memref<256x128xf32, #tpu.memory_space<vmem>> -> memref<8x128xf32, #tpu.memory_space<vmem>>
      %dma_wait3A_933 = arith.constant 8 : i32
      %dma_wait3A_934 = tpu.memref_slice %arg4[%dma_wait3A_933, %multiple_of3A_184] : memref<16x1000000xf32, #tpu.memory_space<hbm>> -> memref<8x128xf32, #tpu.memory_space<hbm>>
      tpu.wait_dma2 semaphore(%arg14 : memref<!tpu.dma_semaphore, #tpu.memory_space<semaphore_mem>>) src(%dma_wait3A_934 : memref<8x128xf32, #tpu.memory_space<hbm>>) dst(%dma_wait3A_932 : memref<8x128xf32, #tpu.memory_space<vmem>>)
      %dma_wait3A_935 = arith.constant 40 : i32
      %dma_wait3A_936 = arith.constant 0 : i32
      %dma_wait3A_937 = tpu.memref_slice %arg11[%dma_wait3A_935, %dma_wait3A_936] : memref<256x128xf32, #tpu.memory_space<vmem>> -> memref<8x128xf32, #tpu.memory_space<vmem>>
      %dma_wait3A_938 = arith.constant 8 : i32
      %dma_wait3A_939 = tpu.memref_slice %arg5[%dma_wait3A_938, %multiple_of3A_187] : memref<16x1000000xf32, #tpu.memory_space<hbm>> -> memref<8x128xf32, #tpu.memory_space<hbm>>
      %dma_wait3A_940 = arith.constant 40 : i32
      %dma_wait3A_941 = arith.constant 0 : i32
      %dma_wait3A_942 = tpu.memref_slice %arg11[%dma_wait3A_940, %dma_wait3A_941] : memref<256x128xf32, #tpu.memory_space<vmem>> -> memref<8x128xf32, #tpu.memory_space<vmem>>
      %dma_wait3A_943 = arith.constant 8 : i32
      %dma_wait3A_944 = tpu.memref_slice %arg5[%dma_wait3A_943, %multiple_of3A_187] : memref<16x1000000xf32, #tpu.memory_space<hbm>> -> memref<8x128xf32, #tpu.memory_space<hbm>>
      tpu.wait_dma2 semaphore(%arg14 : memref<!tpu.dma_semaphore, #tpu.memory_space<semaphore_mem>>) src(%dma_wait3A_944 : memref<8x128xf32, #tpu.memory_space<hbm>>) dst(%dma_wait3A_942 : memref<8x128xf32, #tpu.memory_space<vmem>>)
      %dma_wait3A_945 = arith.constant 48 : i32
      %dma_wait3A_946 = arith.constant 0 : i32
      %dma_wait3A_947 = tpu.memref_slice %arg10[%dma_wait3A_945, %dma_wait3A_946] : memref<256x128xf32, #tpu.memory_space<vmem>> -> memref<8x128xf32, #tpu.memory_space<vmem>>
      %dma_wait3A_948 = arith.constant 0 : i32
      %dma_wait3A_949 = tpu.memref_slice %arg4[%dma_wait3A_948, %multiple_of3A_230] : memref<16x1000000xf32, #tpu.memory_space<hbm>> -> memref<8x128xf32, #tpu.memory_space<hbm>>
      %dma_wait3A_950 = arith.constant 48 : i32
      %dma_wait3A_951 = arith.constant 0 : i32
      %dma_wait3A_952 = tpu.memref_slice %arg10[%dma_wait3A_950, %dma_wait3A_951] : memref<256x128xf32, #tpu.memory_space<vmem>> -> memref<8x128xf32, #tpu.memory_space<vmem>>
      %dma_wait3A_953 = arith.constant 0 : i32
      %dma_wait3A_954 = tpu.memref_slice %arg4[%dma_wait3A_953, %multiple_of3A_230] : memref<16x1000000xf32, #tpu.memory_space<hbm>> -> memref<8x128xf32, #tpu.memory_space<hbm>>
      tpu.wait_dma2 semaphore(%arg14 : memref<!tpu.dma_semaphore, #tpu.memory_space<semaphore_mem>>) src(%dma_wait3A_954 : memref<8x128xf32, #tpu.memory_space<hbm>>) dst(%dma_wait3A_952 : memref<8x128xf32, #tpu.memory_space<vmem>>)
      %dma_wait3A_955 = arith.constant 48 : i32
      %dma_wait3A_956 = arith.constant 0 : i32
      %dma_wait3A_957 = tpu.memref_slice %arg11[%dma_wait3A_955, %dma_wait3A_956] : memref<256x128xf32, #tpu.memory_space<vmem>> -> memref<8x128xf32, #tpu.memory_space<vmem>>
      %dma_wait3A_958 = arith.constant 0 : i32
      %dma_wait3A_959 = tpu.memref_slice %arg5[%dma_wait3A_958, %multiple_of3A_233] : memref<16x1000000xf32, #tpu.memory_space<hbm>> -> memref<8x128xf32, #tpu.memory_space<hbm>>
      %dma_wait3A_960 = arith.constant 48 : i32
      %dma_wait3A_961 = arith.constant 0 : i32
      %dma_wait3A_962 = tpu.memref_slice %arg11[%dma_wait3A_960, %dma_wait3A_961] : memref<256x128xf32, #tpu.memory_space<vmem>> -> memref<8x128xf32, #tpu.memory_space<vmem>>
      %dma_wait3A_963 = arith.constant 0 : i32
      %dma_wait3A_964 = tpu.memref_slice %arg5[%dma_wait3A_963, %multiple_of3A_233] : memref<16x1000000xf32, #tpu.memory_space<hbm>> -> memref<8x128xf32, #tpu.memory_space<hbm>>
      tpu.wait_dma2 semaphore(%arg14 : memref<!tpu.dma_semaphore, #tpu.memory_space<semaphore_mem>>) src(%dma_wait3A_964 : memref<8x128xf32, #tpu.memory_space<hbm>>) dst(%dma_wait3A_962 : memref<8x128xf32, #tpu.memory_space<vmem>>)
      %dma_wait3A_965 = arith.constant 56 : i32
      %dma_wait3A_966 = arith.constant 0 : i32
      %dma_wait3A_967 = tpu.memref_slice %arg10[%dma_wait3A_965, %dma_wait3A_966] : memref<256x128xf32, #tpu.memory_space<vmem>> -> memref<8x128xf32, #tpu.memory_space<vmem>>
      %dma_wait3A_968 = arith.constant 8 : i32
      %dma_wait3A_969 = tpu.memref_slice %arg4[%dma_wait3A_968, %multiple_of3A_230] : memref<16x1000000xf32, #tpu.memory_space<hbm>> -> memref<8x128xf32, #tpu.memory_space<hbm>>
      %dma_wait3A_970 = arith.constant 56 : i32
      %dma_wait3A_971 = arith.constant 0 : i32
      %dma_wait3A_972 = tpu.memref_slice %arg10[%dma_wait3A_970, %dma_wait3A_971] : memref<256x128xf32, #tpu.memory_space<vmem>> -> memref<8x128xf32, #tpu.memory_space<vmem>>
      %dma_wait3A_973 = arith.constant 8 : i32
      %dma_wait3A_974 = tpu.memref_slice %arg4[%dma_wait3A_973, %multiple_of3A_230] : memref<16x1000000xf32, #tpu.memory_space<hbm>> -> memref<8x128xf32, #tpu.memory_space<hbm>>
      tpu.wait_dma2 semaphore(%arg14 : memref<!tpu.dma_semaphore, #tpu.memory_space<semaphore_mem>>) src(%dma_wait3A_974 : memref<8x128xf32, #tpu.memory_space<hbm>>) dst(%dma_wait3A_972 : memref<8x128xf32, #tpu.memory_space<vmem>>)
      %dma_wait3A_975 = arith.constant 56 : i32
      %dma_wait3A_976 = arith.constant 0 : i32
      %dma_wait3A_977 = tpu.memref_slice %arg11[%dma_wait3A_975, %dma_wait3A_976] : memref<256x128xf32, #tpu.memory_space<vmem>> -> memref<8x128xf32, #tpu.memory_space<vmem>>
      %dma_wait3A_978 = arith.constant 8 : i32
      %dma_wait3A_979 = tpu.memref_slice %arg5[%dma_wait3A_978, %multiple_of3A_233] : memref<16x1000000xf32, #tpu.memory_space<hbm>> -> memref<8x128xf32, #tpu.memory_space<hbm>>
      %dma_wait3A_980 = arith.constant 56 : i32
      %dma_wait3A_981 = arith.constant 0 : i32
      %dma_wait3A_982 = tpu.memref_slice %arg11[%dma_wait3A_980, %dma_wait3A_981] : memref<256x128xf32, #tpu.memory_space<vmem>> -> memref<8x128xf32, #tpu.memory_space<vmem>>
      %dma_wait3A_983 = arith.constant 8 : i32
      %dma_wait3A_984 = tpu.memref_slice %arg5[%dma_wait3A_983, %multiple_of3A_233] : memref<16x1000000xf32, #tpu.memory_space<hbm>> -> memref<8x128xf32, #tpu.memory_space<hbm>>
      tpu.wait_dma2 semaphore(%arg14 : memref<!tpu.dma_semaphore, #tpu.memory_space<semaphore_mem>>) src(%dma_wait3A_984 : memref<8x128xf32, #tpu.memory_space<hbm>>) dst(%dma_wait3A_982 : memref<8x128xf32, #tpu.memory_space<vmem>>)
      %dma_wait3A_985 = arith.constant 64 : i32
      %dma_wait3A_986 = arith.constant 0 : i32
      %dma_wait3A_987 = tpu.memref_slice %arg10[%dma_wait3A_985, %dma_wait3A_986] : memref<256x128xf32, #tpu.memory_space<vmem>> -> memref<8x128xf32, #tpu.memory_space<vmem>>
      %dma_wait3A_988 = arith.constant 0 : i32
      %dma_wait3A_989 = tpu.memref_slice %arg4[%dma_wait3A_988, %multiple_of3A_276] : memref<16x1000000xf32, #tpu.memory_space<hbm>> -> memref<8x128xf32, #tpu.memory_space<hbm>>
      %dma_wait3A_990 = arith.constant 64 : i32
      %dma_wait3A_991 = arith.constant 0 : i32
      %dma_wait3A_992 = tpu.memref_slice %arg10[%dma_wait3A_990, %dma_wait3A_991] : memref<256x128xf32, #tpu.memory_space<vmem>> -> memref<8x128xf32, #tpu.memory_space<vmem>>
      %dma_wait3A_993 = arith.constant 0 : i32
      %dma_wait3A_994 = tpu.memref_slice %arg4[%dma_wait3A_993, %multiple_of3A_276] : memref<16x1000000xf32, #tpu.memory_space<hbm>> -> memref<8x128xf32, #tpu.memory_space<hbm>>
      tpu.wait_dma2 semaphore(%arg14 : memref<!tpu.dma_semaphore, #tpu.memory_space<semaphore_mem>>) src(%dma_wait3A_994 : memref<8x128xf32, #tpu.memory_space<hbm>>) dst(%dma_wait3A_992 : memref<8x128xf32, #tpu.memory_space<vmem>>)
      %dma_wait3A_995 = arith.constant 64 : i32
      %dma_wait3A_996 = arith.constant 0 : i32
      %dma_wait3A_997 = tpu.memref_slice %arg11[%dma_wait3A_995, %dma_wait3A_996] : memref<256x128xf32, #tpu.memory_space<vmem>> -> memref<8x128xf32, #tpu.memory_space<vmem>>
      %dma_wait3A_998 = arith.constant 0 : i32
      %dma_wait3A_999 = tpu.memref_slice %arg5[%dma_wait3A_998, %multiple_of3A_279] : memref<16x1000000xf32, #tpu.memory_space<hbm>> -> memref<8x128xf32, #tpu.memory_space<hbm>>
      %dma_wait3A_1000 = arith.constant 64 : i32
      %dma_wait3A_1001 = arith.constant 0 : i32
      %dma_wait3A_1002 = tpu.memref_slice %arg11[%dma_wait3A_1000, %dma_wait3A_1001] : memref<256x128xf32, #tpu.memory_space<vmem>> -> memref<8x128xf32, #tpu.memory_space<vmem>>
      %dma_wait3A_1003 = arith.constant 0 : i32
      %dma_wait3A_1004 = tpu.memref_slice %arg5[%dma_wait3A_1003, %multiple_of3A_279] : memref<16x1000000xf32, #tpu.memory_space<hbm>> -> memref<8x128xf32, #tpu.memory_space<hbm>>
      tpu.wait_dma2 semaphore(%arg14 : memref<!tpu.dma_semaphore, #tpu.memory_space<semaphore_mem>>) src(%dma_wait3A_1004 : memref<8x128xf32, #tpu.memory_space<hbm>>) dst(%dma_wait3A_1002 : memref<8x128xf32, #tpu.memory_space<vmem>>)
      %dma_wait3A_1005 = arith.constant 72 : i32
      %dma_wait3A_1006 = arith.constant 0 : i32
      %dma_wait3A_1007 = tpu.memref_slice %arg10[%dma_wait3A_1005, %dma_wait3A_1006] : memref<256x128xf32, #tpu.memory_space<vmem>> -> memref<8x128xf32, #tpu.memory_space<vmem>>
      %dma_wait3A_1008 = arith.constant 8 : i32
      %dma_wait3A_1009 = tpu.memref_slice %arg4[%dma_wait3A_1008, %multiple_of3A_276] : memref<16x1000000xf32, #tpu.memory_space<hbm>> -> memref<8x128xf32, #tpu.memory_space<hbm>>
      %dma_wait3A_1010 = arith.constant 72 : i32
      %dma_wait3A_1011 = arith.constant 0 : i32
      %dma_wait3A_1012 = tpu.memref_slice %arg10[%dma_wait3A_1010, %dma_wait3A_1011] : memref<256x128xf32, #tpu.memory_space<vmem>> -> memref<8x128xf32, #tpu.memory_space<vmem>>
      %dma_wait3A_1013 = arith.constant 8 : i32
      %dma_wait3A_1014 = tpu.memref_slice %arg4[%dma_wait3A_1013, %multiple_of3A_276] : memref<16x1000000xf32, #tpu.memory_space<hbm>> -> memref<8x128xf32, #tpu.memory_space<hbm>>
      tpu.wait_dma2 semaphore(%arg14 : memref<!tpu.dma_semaphore, #tpu.memory_space<semaphore_mem>>) src(%dma_wait3A_1014 : memref<8x128xf32, #tpu.memory_space<hbm>>) dst(%dma_wait3A_1012 : memref<8x128xf32, #tpu.memory_space<vmem>>)
      %dma_wait3A_1015 = arith.constant 72 : i32
      %dma_wait3A_1016 = arith.constant 0 : i32
      %dma_wait3A_1017 = tpu.memref_slice %arg11[%dma_wait3A_1015, %dma_wait3A_1016] : memref<256x128xf32, #tpu.memory_space<vmem>> -> memref<8x128xf32, #tpu.memory_space<vmem>>
      %dma_wait3A_1018 = arith.constant 8 : i32
      %dma_wait3A_1019 = tpu.memref_slice %arg5[%dma_wait3A_1018, %multiple_of3A_279] : memref<16x1000000xf32, #tpu.memory_space<hbm>> -> memref<8x128xf32, #tpu.memory_space<hbm>>
      %dma_wait3A_1020 = arith.constant 72 : i32
      %dma_wait3A_1021 = arith.constant 0 : i32
      %dma_wait3A_1022 = tpu.memref_slice %arg11[%dma_wait3A_1020, %dma_wait3A_1021] : memref<256x128xf32, #tpu.memory_space<vmem>> -> memref<8x128xf32, #tpu.memory_space<vmem>>
      %dma_wait3A_1023 = arith.constant 8 : i32
      %dma_wait3A_1024 = tpu.memref_slice %arg5[%dma_wait3A_1023, %multiple_of3A_279] : memref<16x1000000xf32, #tpu.memory_space<hbm>> -> memref<8x128xf32, #tpu.memory_space<hbm>>
      tpu.wait_dma2 semaphore(%arg14 : memref<!tpu.dma_semaphore, #tpu.memory_space<semaphore_mem>>) src(%dma_wait3A_1024 : memref<8x128xf32, #tpu.memory_space<hbm>>) dst(%dma_wait3A_1022 : memref<8x128xf32, #tpu.memory_space<vmem>>)
      %dma_wait3A_1025 = arith.constant 80 : i32
      %dma_wait3A_1026 = arith.constant 0 : i32
      %dma_wait3A_1027 = tpu.memref_slice %arg10[%dma_wait3A_1025, %dma_wait3A_1026] : memref<256x128xf32, #tpu.memory_space<vmem>> -> memref<8x128xf32, #tpu.memory_space<vmem>>
      %dma_wait3A_1028 = arith.constant 0 : i32
      %dma_wait3A_1029 = tpu.memref_slice %arg4[%dma_wait3A_1028, %multiple_of3A_322] : memref<16x1000000xf32, #tpu.memory_space<hbm>> -> memref<8x128xf32, #tpu.memory_space<hbm>>
      %dma_wait3A_1030 = arith.constant 80 : i32
      %dma_wait3A_1031 = arith.constant 0 : i32
      %dma_wait3A_1032 = tpu.memref_slice %arg10[%dma_wait3A_1030, %dma_wait3A_1031] : memref<256x128xf32, #tpu.memory_space<vmem>> -> memref<8x128xf32, #tpu.memory_space<vmem>>
      %dma_wait3A_1033 = arith.constant 0 : i32
      %dma_wait3A_1034 = tpu.memref_slice %arg4[%dma_wait3A_1033, %multiple_of3A_322] : memref<16x1000000xf32, #tpu.memory_space<hbm>> -> memref<8x128xf32, #tpu.memory_space<hbm>>
      tpu.wait_dma2 semaphore(%arg14 : memref<!tpu.dma_semaphore, #tpu.memory_space<semaphore_mem>>) src(%dma_wait3A_1034 : memref<8x128xf32, #tpu.memory_space<hbm>>) dst(%dma_wait3A_1032 : memref<8x128xf32, #tpu.memory_space<vmem>>)
      %dma_wait3A_1035 = arith.constant 80 : i32
      %dma_wait3A_1036 = arith.constant 0 : i32
      %dma_wait3A_1037 = tpu.memref_slice %arg11[%dma_wait3A_1035, %dma_wait3A_1036] : memref<256x128xf32, #tpu.memory_space<vmem>> -> memref<8x128xf32, #tpu.memory_space<vmem>>
      %dma_wait3A_1038 = arith.constant 0 : i32
      %dma_wait3A_1039 = tpu.memref_slice %arg5[%dma_wait3A_1038, %multiple_of3A_325] : memref<16x1000000xf32, #tpu.memory_space<hbm>> -> memref<8x128xf32, #tpu.memory_space<hbm>>
      %dma_wait3A_1040 = arith.constant 80 : i32
      %dma_wait3A_1041 = arith.constant 0 : i32
      %dma_wait3A_1042 = tpu.memref_slice %arg11[%dma_wait3A_1040, %dma_wait3A_1041] : memref<256x128xf32, #tpu.memory_space<vmem>> -> memref<8x128xf32, #tpu.memory_space<vmem>>
      %dma_wait3A_1043 = arith.constant 0 : i32
      %dma_wait3A_1044 = tpu.memref_slice %arg5[%dma_wait3A_1043, %multiple_of3A_325] : memref<16x1000000xf32, #tpu.memory_space<hbm>> -> memref<8x128xf32, #tpu.memory_space<hbm>>
      tpu.wait_dma2 semaphore(%arg14 : memref<!tpu.dma_semaphore, #tpu.memory_space<semaphore_mem>>) src(%dma_wait3A_1044 : memref<8x128xf32, #tpu.memory_space<hbm>>) dst(%dma_wait3A_1042 : memref<8x128xf32, #tpu.memory_space<vmem>>)
      %dma_wait3A_1045 = arith.constant 88 : i32
      %dma_wait3A_1046 = arith.constant 0 : i32
      %dma_wait3A_1047 = tpu.memref_slice %arg10[%dma_wait3A_1045, %dma_wait3A_1046] : memref<256x128xf32, #tpu.memory_space<vmem>> -> memref<8x128xf32, #tpu.memory_space<vmem>>
      %dma_wait3A_1048 = arith.constant 8 : i32
      %dma_wait3A_1049 = tpu.memref_slice %arg4[%dma_wait3A_1048, %multiple_of3A_322] : memref<16x1000000xf32, #tpu.memory_space<hbm>> -> memref<8x128xf32, #tpu.memory_space<hbm>>
      %dma_wait3A_1050 = arith.constant 88 : i32
      %dma_wait3A_1051 = arith.constant 0 : i32
      %dma_wait3A_1052 = tpu.memref_slice %arg10[%dma_wait3A_1050, %dma_wait3A_1051] : memref<256x128xf32, #tpu.memory_space<vmem>> -> memref<8x128xf32, #tpu.memory_space<vmem>>
      %dma_wait3A_1053 = arith.constant 8 : i32
      %dma_wait3A_1054 = tpu.memref_slice %arg4[%dma_wait3A_1053, %multiple_of3A_322] : memref<16x1000000xf32, #tpu.memory_space<hbm>> -> memref<8x128xf32, #tpu.memory_space<hbm>>
      tpu.wait_dma2 semaphore(%arg14 : memref<!tpu.dma_semaphore, #tpu.memory_space<semaphore_mem>>) src(%dma_wait3A_1054 : memref<8x128xf32, #tpu.memory_space<hbm>>) dst(%dma_wait3A_1052 : memref<8x128xf32, #tpu.memory_space<vmem>>)
      %dma_wait3A_1055 = arith.constant 88 : i32
      %dma_wait3A_1056 = arith.constant 0 : i32
      %dma_wait3A_1057 = tpu.memref_slice %arg11[%dma_wait3A_1055, %dma_wait3A_1056] : memref<256x128xf32, #tpu.memory_space<vmem>> -> memref<8x128xf32, #tpu.memory_space<vmem>>
      %dma_wait3A_1058 = arith.constant 8 : i32
      %dma_wait3A_1059 = tpu.memref_slice %arg5[%dma_wait3A_1058, %multiple_of3A_325] : memref<16x1000000xf32, #tpu.memory_space<hbm>> -> memref<8x128xf32, #tpu.memory_space<hbm>>
      %dma_wait3A_1060 = arith.constant 88 : i32
      %dma_wait3A_1061 = arith.constant 0 : i32
      %dma_wait3A_1062 = tpu.memref_slice %arg11[%dma_wait3A_1060, %dma_wait3A_1061] : memref<256x128xf32, #tpu.memory_space<vmem>> -> memref<8x128xf32, #tpu.memory_space<vmem>>
      %dma_wait3A_1063 = arith.constant 8 : i32
      %dma_wait3A_1064 = tpu.memref_slice %arg5[%dma_wait3A_1063, %multiple_of3A_325] : memref<16x1000000xf32, #tpu.memory_space<hbm>> -> memref<8x128xf32, #tpu.memory_space<hbm>>
      tpu.wait_dma2 semaphore(%arg14 : memref<!tpu.dma_semaphore, #tpu.memory_space<semaphore_mem>>) src(%dma_wait3A_1064 : memref<8x128xf32, #tpu.memory_space<hbm>>) dst(%dma_wait3A_1062 : memref<8x128xf32, #tpu.memory_space<vmem>>)
      %dma_wait3A_1065 = arith.constant 96 : i32
      %dma_wait3A_1066 = arith.constant 0 : i32
      %dma_wait3A_1067 = tpu.memref_slice %arg10[%dma_wait3A_1065, %dma_wait3A_1066] : memref<256x128xf32, #tpu.memory_space<vmem>> -> memref<8x128xf32, #tpu.memory_space<vmem>>
      %dma_wait3A_1068 = arith.constant 0 : i32
      %dma_wait3A_1069 = tpu.memref_slice %arg4[%dma_wait3A_1068, %multiple_of3A_368] : memref<16x1000000xf32, #tpu.memory_space<hbm>> -> memref<8x128xf32, #tpu.memory_space<hbm>>
      %dma_wait3A_1070 = arith.constant 96 : i32
      %dma_wait3A_1071 = arith.constant 0 : i32
      %dma_wait3A_1072 = tpu.memref_slice %arg10[%dma_wait3A_1070, %dma_wait3A_1071] : memref<256x128xf32, #tpu.memory_space<vmem>> -> memref<8x128xf32, #tpu.memory_space<vmem>>
      %dma_wait3A_1073 = arith.constant 0 : i32
      %dma_wait3A_1074 = tpu.memref_slice %arg4[%dma_wait3A_1073, %multiple_of3A_368] : memref<16x1000000xf32, #tpu.memory_space<hbm>> -> memref<8x128xf32, #tpu.memory_space<hbm>>
      tpu.wait_dma2 semaphore(%arg14 : memref<!tpu.dma_semaphore, #tpu.memory_space<semaphore_mem>>) src(%dma_wait3A_1074 : memref<8x128xf32, #tpu.memory_space<hbm>>) dst(%dma_wait3A_1072 : memref<8x128xf32, #tpu.memory_space<vmem>>)
      %dma_wait3A_1075 = arith.constant 96 : i32
      %dma_wait3A_1076 = arith.constant 0 : i32
      %dma_wait3A_1077 = tpu.memref_slice %arg11[%dma_wait3A_1075, %dma_wait3A_1076] : memref<256x128xf32, #tpu.memory_space<vmem>> -> memref<8x128xf32, #tpu.memory_space<vmem>>
      %dma_wait3A_1078 = arith.constant 0 : i32
      %dma_wait3A_1079 = tpu.memref_slice %arg5[%dma_wait3A_1078, %multiple_of3A_371] : memref<16x1000000xf32, #tpu.memory_space<hbm>> -> memref<8x128xf32, #tpu.memory_space<hbm>>
      %dma_wait3A_1080 = arith.constant 96 : i32
      %dma_wait3A_1081 = arith.constant 0 : i32
      %dma_wait3A_1082 = tpu.memref_slice %arg11[%dma_wait3A_1080, %dma_wait3A_1081] : memref<256x128xf32, #tpu.memory_space<vmem>> -> memref<8x128xf32, #tpu.memory_space<vmem>>
      %dma_wait3A_1083 = arith.constant 0 : i32
      %dma_wait3A_1084 = tpu.memref_slice %arg5[%dma_wait3A_1083, %multiple_of3A_371] : memref<16x1000000xf32, #tpu.memory_space<hbm>> -> memref<8x128xf32, #tpu.memory_space<hbm>>
      tpu.wait_dma2 semaphore(%arg14 : memref<!tpu.dma_semaphore, #tpu.memory_space<semaphore_mem>>) src(%dma_wait3A_1084 : memref<8x128xf32, #tpu.memory_space<hbm>>) dst(%dma_wait3A_1082 : memref<8x128xf32, #tpu.memory_space<vmem>>)
      %dma_wait3A_1085 = arith.constant 104 : i32
      %dma_wait3A_1086 = arith.constant 0 : i32
      %dma_wait3A_1087 = tpu.memref_slice %arg10[%dma_wait3A_1085, %dma_wait3A_1086] : memref<256x128xf32, #tpu.memory_space<vmem>> -> memref<8x128xf32, #tpu.memory_space<vmem>>
      %dma_wait3A_1088 = arith.constant 8 : i32
      %dma_wait3A_1089 = tpu.memref_slice %arg4[%dma_wait3A_1088, %multiple_of3A_368] : memref<16x1000000xf32, #tpu.memory_space<hbm>> -> memref<8x128xf32, #tpu.memory_space<hbm>>
      %dma_wait3A_1090 = arith.constant 104 : i32
      %dma_wait3A_1091 = arith.constant 0 : i32
      %dma_wait3A_1092 = tpu.memref_slice %arg10[%dma_wait3A_1090, %dma_wait3A_1091] : memref<256x128xf32, #tpu.memory_space<vmem>> -> memref<8x128xf32, #tpu.memory_space<vmem>>
      %dma_wait3A_1093 = arith.constant 8 : i32
      %dma_wait3A_1094 = tpu.memref_slice %arg4[%dma_wait3A_1093, %multiple_of3A_368] : memref<16x1000000xf32, #tpu.memory_space<hbm>> -> memref<8x128xf32, #tpu.memory_space<hbm>>
      tpu.wait_dma2 semaphore(%arg14 : memref<!tpu.dma_semaphore, #tpu.memory_space<semaphore_mem>>) src(%dma_wait3A_1094 : memref<8x128xf32, #tpu.memory_space<hbm>>) dst(%dma_wait3A_1092 : memref<8x128xf32, #tpu.memory_space<vmem>>)
      %dma_wait3A_1095 = arith.constant 104 : i32
      %dma_wait3A_1096 = arith.constant 0 : i32
      %dma_wait3A_1097 = tpu.memref_slice %arg11[%dma_wait3A_1095, %dma_wait3A_1096] : memref<256x128xf32, #tpu.memory_space<vmem>> -> memref<8x128xf32, #tpu.memory_space<vmem>>
      %dma_wait3A_1098 = arith.constant 8 : i32
      %dma_wait3A_1099 = tpu.memref_slice %arg5[%dma_wait3A_1098, %multiple_of3A_371] : memref<16x1000000xf32, #tpu.memory_space<hbm>> -> memref<8x128xf32, #tpu.memory_space<hbm>>
      %dma_wait3A_1100 = arith.constant 104 : i32
      %dma_wait3A_1101 = arith.constant 0 : i32
      %dma_wait3A_1102 = tpu.memref_slice %arg11[%dma_wait3A_1100, %dma_wait3A_1101] : memref<256x128xf32, #tpu.memory_space<vmem>> -> memref<8x128xf32, #tpu.memory_space<vmem>>
      %dma_wait3A_1103 = arith.constant 8 : i32
      %dma_wait3A_1104 = tpu.memref_slice %arg5[%dma_wait3A_1103, %multiple_of3A_371] : memref<16x1000000xf32, #tpu.memory_space<hbm>> -> memref<8x128xf32, #tpu.memory_space<hbm>>
      tpu.wait_dma2 semaphore(%arg14 : memref<!tpu.dma_semaphore, #tpu.memory_space<semaphore_mem>>) src(%dma_wait3A_1104 : memref<8x128xf32, #tpu.memory_space<hbm>>) dst(%dma_wait3A_1102 : memref<8x128xf32, #tpu.memory_space<vmem>>)
      %dma_wait3A_1105 = arith.constant 112 : i32
      %dma_wait3A_1106 = arith.constant 0 : i32
      %dma_wait3A_1107 = tpu.memref_slice %arg10[%dma_wait3A_1105, %dma_wait3A_1106] : memref<256x128xf32, #tpu.memory_space<vmem>> -> memref<8x128xf32, #tpu.memory_space<vmem>>
      %dma_wait3A_1108 = arith.constant 0 : i32
      %dma_wait3A_1109 = tpu.memref_slice %arg4[%dma_wait3A_1108, %multiple_of3A_414] : memref<16x1000000xf32, #tpu.memory_space<hbm>> -> memref<8x128xf32, #tpu.memory_space<hbm>>
      %dma_wait3A_1110 = arith.constant 112 : i32
      %dma_wait3A_1111 = arith.constant 0 : i32
      %dma_wait3A_1112 = tpu.memref_slice %arg10[%dma_wait3A_1110, %dma_wait3A_1111] : memref<256x128xf32, #tpu.memory_space<vmem>> -> memref<8x128xf32, #tpu.memory_space<vmem>>
      %dma_wait3A_1113 = arith.constant 0 : i32
      %dma_wait3A_1114 = tpu.memref_slice %arg4[%dma_wait3A_1113, %multiple_of3A_414] : memref<16x1000000xf32, #tpu.memory_space<hbm>> -> memref<8x128xf32, #tpu.memory_space<hbm>>
      tpu.wait_dma2 semaphore(%arg14 : memref<!tpu.dma_semaphore, #tpu.memory_space<semaphore_mem>>) src(%dma_wait3A_1114 : memref<8x128xf32, #tpu.memory_space<hbm>>) dst(%dma_wait3A_1112 : memref<8x128xf32, #tpu.memory_space<vmem>>)
      %dma_wait3A_1115 = arith.constant 112 : i32
      %dma_wait3A_1116 = arith.constant 0 : i32
      %dma_wait3A_1117 = tpu.memref_slice %arg11[%dma_wait3A_1115, %dma_wait3A_1116] : memref<256x128xf32, #tpu.memory_space<vmem>> -> memref<8x128xf32, #tpu.memory_space<vmem>>
      %dma_wait3A_1118 = arith.constant 0 : i32
      %dma_wait3A_1119 = tpu.memref_slice %arg5[%dma_wait3A_1118, %multiple_of3A_417] : memref<16x1000000xf32, #tpu.memory_space<hbm>> -> memref<8x128xf32, #tpu.memory_space<hbm>>
      %dma_wait3A_1120 = arith.constant 112 : i32
      %dma_wait3A_1121 = arith.constant 0 : i32
      %dma_wait3A_1122 = tpu.memref_slice %arg11[%dma_wait3A_1120, %dma_wait3A_1121] : memref<256x128xf32, #tpu.memory_space<vmem>> -> memref<8x128xf32, #tpu.memory_space<vmem>>
      %dma_wait3A_1123 = arith.constant 0 : i32
      %dma_wait3A_1124 = tpu.memref_slice %arg5[%dma_wait3A_1123, %multiple_of3A_417] : memref<16x1000000xf32, #tpu.memory_space<hbm>> -> memref<8x128xf32, #tpu.memory_space<hbm>>
      tpu.wait_dma2 semaphore(%arg14 : memref<!tpu.dma_semaphore, #tpu.memory_space<semaphore_mem>>) src(%dma_wait3A_1124 : memref<8x128xf32, #tpu.memory_space<hbm>>) dst(%dma_wait3A_1122 : memref<8x128xf32, #tpu.memory_space<vmem>>)
      %dma_wait3A_1125 = arith.constant 120 : i32
      %dma_wait3A_1126 = arith.constant 0 : i32
      %dma_wait3A_1127 = tpu.memref_slice %arg10[%dma_wait3A_1125, %dma_wait3A_1126] : memref<256x128xf32, #tpu.memory_space<vmem>> -> memref<8x128xf32, #tpu.memory_space<vmem>>
      %dma_wait3A_1128 = arith.constant 8 : i32
      %dma_wait3A_1129 = tpu.memref_slice %arg4[%dma_wait3A_1128, %multiple_of3A_414] : memref<16x1000000xf32, #tpu.memory_space<hbm>> -> memref<8x128xf32, #tpu.memory_space<hbm>>
      %dma_wait3A_1130 = arith.constant 120 : i32
      %dma_wait3A_1131 = arith.constant 0 : i32
      %dma_wait3A_1132 = tpu.memref_slice %arg10[%dma_wait3A_1130, %dma_wait3A_1131] : memref<256x128xf32, #tpu.memory_space<vmem>> -> memref<8x128xf32, #tpu.memory_space<vmem>>
      %dma_wait3A_1133 = arith.constant 8 : i32
      %dma_wait3A_1134 = tpu.memref_slice %arg4[%dma_wait3A_1133, %multiple_of3A_414] : memref<16x1000000xf32, #tpu.memory_space<hbm>> -> memref<8x128xf32, #tpu.memory_space<hbm>>
      tpu.wait_dma2 semaphore(%arg14 : memref<!tpu.dma_semaphore, #tpu.memory_space<semaphore_mem>>) src(%dma_wait3A_1134 : memref<8x128xf32, #tpu.memory_space<hbm>>) dst(%dma_wait3A_1132 : memref<8x128xf32, #tpu.memory_space<vmem>>)
      %dma_wait3A_1135 = arith.constant 120 : i32
      %dma_wait3A_1136 = arith.constant 0 : i32
      %dma_wait3A_1137 = tpu.memref_slice %arg11[%dma_wait3A_1135, %dma_wait3A_1136] : memref<256x128xf32, #tpu.memory_space<vmem>> -> memref<8x128xf32, #tpu.memory_space<vmem>>
      %dma_wait3A_1138 = arith.constant 8 : i32
      %dma_wait3A_1139 = tpu.memref_slice %arg5[%dma_wait3A_1138, %multiple_of3A_417] : memref<16x1000000xf32, #tpu.memory_space<hbm>> -> memref<8x128xf32, #tpu.memory_space<hbm>>
      %dma_wait3A_1140 = arith.constant 120 : i32
      %dma_wait3A_1141 = arith.constant 0 : i32
      %dma_wait3A_1142 = tpu.memref_slice %arg11[%dma_wait3A_1140, %dma_wait3A_1141] : memref<256x128xf32, #tpu.memory_space<vmem>> -> memref<8x128xf32, #tpu.memory_space<vmem>>
      %dma_wait3A_1143 = arith.constant 8 : i32
      %dma_wait3A_1144 = tpu.memref_slice %arg5[%dma_wait3A_1143, %multiple_of3A_417] : memref<16x1000000xf32, #tpu.memory_space<hbm>> -> memref<8x128xf32, #tpu.memory_space<hbm>>
      tpu.wait_dma2 semaphore(%arg14 : memref<!tpu.dma_semaphore, #tpu.memory_space<semaphore_mem>>) src(%dma_wait3A_1144 : memref<8x128xf32, #tpu.memory_space<hbm>>) dst(%dma_wait3A_1142 : memref<8x128xf32, #tpu.memory_space<vmem>>)
      %dma_wait3A_1145 = arith.constant 128 : i32
      %dma_wait3A_1146 = arith.constant 0 : i32
      %dma_wait3A_1147 = tpu.memref_slice %arg10[%dma_wait3A_1145, %dma_wait3A_1146] : memref<256x128xf32, #tpu.memory_space<vmem>> -> memref<8x128xf32, #tpu.memory_space<vmem>>
      %dma_wait3A_1148 = arith.constant 0 : i32
      %dma_wait3A_1149 = tpu.memref_slice %arg4[%dma_wait3A_1148, %multiple_of3A_460] : memref<16x1000000xf32, #tpu.memory_space<hbm>> -> memref<8x128xf32, #tpu.memory_space<hbm>>
      %dma_wait3A_1150 = arith.constant 128 : i32
      %dma_wait3A_1151 = arith.constant 0 : i32
      %dma_wait3A_1152 = tpu.memref_slice %arg10[%dma_wait3A_1150, %dma_wait3A_1151] : memref<256x128xf32, #tpu.memory_space<vmem>> -> memref<8x128xf32, #tpu.memory_space<vmem>>
      %dma_wait3A_1153 = arith.constant 0 : i32
      %dma_wait3A_1154 = tpu.memref_slice %arg4[%dma_wait3A_1153, %multiple_of3A_460] : memref<16x1000000xf32, #tpu.memory_space<hbm>> -> memref<8x128xf32, #tpu.memory_space<hbm>>
      tpu.wait_dma2 semaphore(%arg14 : memref<!tpu.dma_semaphore, #tpu.memory_space<semaphore_mem>>) src(%dma_wait3A_1154 : memref<8x128xf32, #tpu.memory_space<hbm>>) dst(%dma_wait3A_1152 : memref<8x128xf32, #tpu.memory_space<vmem>>)
      %dma_wait3A_1155 = arith.constant 128 : i32
      %dma_wait3A_1156 = arith.constant 0 : i32
      %dma_wait3A_1157 = tpu.memref_slice %arg11[%dma_wait3A_1155, %dma_wait3A_1156] : memref<256x128xf32, #tpu.memory_space<vmem>> -> memref<8x128xf32, #tpu.memory_space<vmem>>
      %dma_wait3A_1158 = arith.constant 0 : i32
      %dma_wait3A_1159 = tpu.memref_slice %arg5[%dma_wait3A_1158, %multiple_of3A_463] : memref<16x1000000xf32, #tpu.memory_space<hbm>> -> memref<8x128xf32, #tpu.memory_space<hbm>>
      %dma_wait3A_1160 = arith.constant 128 : i32
      %dma_wait3A_1161 = arith.constant 0 : i32
      %dma_wait3A_1162 = tpu.memref_slice %arg11[%dma_wait3A_1160, %dma_wait3A_1161] : memref<256x128xf32, #tpu.memory_space<vmem>> -> memref<8x128xf32, #tpu.memory_space<vmem>>
      %dma_wait3A_1163 = arith.constant 0 : i32
      %dma_wait3A_1164 = tpu.memref_slice %arg5[%dma_wait3A_1163, %multiple_of3A_463] : memref<16x1000000xf32, #tpu.memory_space<hbm>> -> memref<8x128xf32, #tpu.memory_space<hbm>>
      tpu.wait_dma2 semaphore(%arg14 : memref<!tpu.dma_semaphore, #tpu.memory_space<semaphore_mem>>) src(%dma_wait3A_1164 : memref<8x128xf32, #tpu.memory_space<hbm>>) dst(%dma_wait3A_1162 : memref<8x128xf32, #tpu.memory_space<vmem>>)
      %dma_wait3A_1165 = arith.constant 136 : i32
      %dma_wait3A_1166 = arith.constant 0 : i32
      %dma_wait3A_1167 = tpu.memref_slice %arg10[%dma_wait3A_1165, %dma_wait3A_1166] : memref<256x128xf32, #tpu.memory_space<vmem>> -> memref<8x128xf32, #tpu.memory_space<vmem>>
      %dma_wait3A_1168 = arith.constant 8 : i32
      %dma_wait3A_1169 = tpu.memref_slice %arg4[%dma_wait3A_1168, %multiple_of3A_460] : memref<16x1000000xf32, #tpu.memory_space<hbm>> -> memref<8x128xf32, #tpu.memory_space<hbm>>
      %dma_wait3A_1170 = arith.constant 136 : i32
      %dma_wait3A_1171 = arith.constant 0 : i32
      %dma_wait3A_1172 = tpu.memref_slice %arg10[%dma_wait3A_1170, %dma_wait3A_1171] : memref<256x128xf32, #tpu.memory_space<vmem>> -> memref<8x128xf32, #tpu.memory_space<vmem>>
      %dma_wait3A_1173 = arith.constant 8 : i32
      %dma_wait3A_1174 = tpu.memref_slice %arg4[%dma_wait3A_1173, %multiple_of3A_460] : memref<16x1000000xf32, #tpu.memory_space<hbm>> -> memref<8x128xf32, #tpu.memory_space<hbm>>
      tpu.wait_dma2 semaphore(%arg14 : memref<!tpu.dma_semaphore, #tpu.memory_space<semaphore_mem>>) src(%dma_wait3A_1174 : memref<8x128xf32, #tpu.memory_space<hbm>>) dst(%dma_wait3A_1172 : memref<8x128xf32, #tpu.memory_space<vmem>>)
      %dma_wait3A_1175 = arith.constant 136 : i32
      %dma_wait3A_1176 = arith.constant 0 : i32
      %dma_wait3A_1177 = tpu.memref_slice %arg11[%dma_wait3A_1175, %dma_wait3A_1176] : memref<256x128xf32, #tpu.memory_space<vmem>> -> memref<8x128xf32, #tpu.memory_space<vmem>>
      %dma_wait3A_1178 = arith.constant 8 : i32
      %dma_wait3A_1179 = tpu.memref_slice %arg5[%dma_wait3A_1178, %multiple_of3A_463] : memref<16x1000000xf32, #tpu.memory_space<hbm>> -> memref<8x128xf32, #tpu.memory_space<hbm>>
      %dma_wait3A_1180 = arith.constant 136 : i32
      %dma_wait3A_1181 = arith.constant 0 : i32
      %dma_wait3A_1182 = tpu.memref_slice %arg11[%dma_wait3A_1180, %dma_wait3A_1181] : memref<256x128xf32, #tpu.memory_space<vmem>> -> memref<8x128xf32, #tpu.memory_space<vmem>>
      %dma_wait3A_1183 = arith.constant 8 : i32
      %dma_wait3A_1184 = tpu.memref_slice %arg5[%dma_wait3A_1183, %multiple_of3A_463] : memref<16x1000000xf32, #tpu.memory_space<hbm>> -> memref<8x128xf32, #tpu.memory_space<hbm>>
      tpu.wait_dma2 semaphore(%arg14 : memref<!tpu.dma_semaphore, #tpu.memory_space<semaphore_mem>>) src(%dma_wait3A_1184 : memref<8x128xf32, #tpu.memory_space<hbm>>) dst(%dma_wait3A_1182 : memref<8x128xf32, #tpu.memory_space<vmem>>)
      %dma_wait3A_1185 = arith.constant 144 : i32
      %dma_wait3A_1186 = arith.constant 0 : i32
      %dma_wait3A_1187 = tpu.memref_slice %arg10[%dma_wait3A_1185, %dma_wait3A_1186] : memref<256x128xf32, #tpu.memory_space<vmem>> -> memref<8x128xf32, #tpu.memory_space<vmem>>
      %dma_wait3A_1188 = arith.constant 0 : i32
      %dma_wait3A_1189 = tpu.memref_slice %arg4[%dma_wait3A_1188, %multiple_of3A_506] : memref<16x1000000xf32, #tpu.memory_space<hbm>> -> memref<8x128xf32, #tpu.memory_space<hbm>>
      %dma_wait3A_1190 = arith.constant 144 : i32
      %dma_wait3A_1191 = arith.constant 0 : i32
      %dma_wait3A_1192 = tpu.memref_slice %arg10[%dma_wait3A_1190, %dma_wait3A_1191] : memref<256x128xf32, #tpu.memory_space<vmem>> -> memref<8x128xf32, #tpu.memory_space<vmem>>
      %dma_wait3A_1193 = arith.constant 0 : i32
      %dma_wait3A_1194 = tpu.memref_slice %arg4[%dma_wait3A_1193, %multiple_of3A_506] : memref<16x1000000xf32, #tpu.memory_space<hbm>> -> memref<8x128xf32, #tpu.memory_space<hbm>>
      tpu.wait_dma2 semaphore(%arg14 : memref<!tpu.dma_semaphore, #tpu.memory_space<semaphore_mem>>) src(%dma_wait3A_1194 : memref<8x128xf32, #tpu.memory_space<hbm>>) dst(%dma_wait3A_1192 : memref<8x128xf32, #tpu.memory_space<vmem>>)
      %dma_wait3A_1195 = arith.constant 144 : i32
      %dma_wait3A_1196 = arith.constant 0 : i32
      %dma_wait3A_1197 = tpu.memref_slice %arg11[%dma_wait3A_1195, %dma_wait3A_1196] : memref<256x128xf32, #tpu.memory_space<vmem>> -> memref<8x128xf32, #tpu.memory_space<vmem>>
      %dma_wait3A_1198 = arith.constant 0 : i32
      %dma_wait3A_1199 = tpu.memref_slice %arg5[%dma_wait3A_1198, %multiple_of3A_509] : memref<16x1000000xf32, #tpu.memory_space<hbm>> -> memref<8x128xf32, #tpu.memory_space<hbm>>
      %dma_wait3A_1200 = arith.constant 144 : i32
      %dma_wait3A_1201 = arith.constant 0 : i32
      %dma_wait3A_1202 = tpu.memref_slice %arg11[%dma_wait3A_1200, %dma_wait3A_1201] : memref<256x128xf32, #tpu.memory_space<vmem>> -> memref<8x128xf32, #tpu.memory_space<vmem>>
      %dma_wait3A_1203 = arith.constant 0 : i32
      %dma_wait3A_1204 = tpu.memref_slice %arg5[%dma_wait3A_1203, %multiple_of3A_509] : memref<16x1000000xf32, #tpu.memory_space<hbm>> -> memref<8x128xf32, #tpu.memory_space<hbm>>
      tpu.wait_dma2 semaphore(%arg14 : memref<!tpu.dma_semaphore, #tpu.memory_space<semaphore_mem>>) src(%dma_wait3A_1204 : memref<8x128xf32, #tpu.memory_space<hbm>>) dst(%dma_wait3A_1202 : memref<8x128xf32, #tpu.memory_space<vmem>>)
      %dma_wait3A_1205 = arith.constant 152 : i32
      %dma_wait3A_1206 = arith.constant 0 : i32
      %dma_wait3A_1207 = tpu.memref_slice %arg10[%dma_wait3A_1205, %dma_wait3A_1206] : memref<256x128xf32, #tpu.memory_space<vmem>> -> memref<8x128xf32, #tpu.memory_space<vmem>>
      %dma_wait3A_1208 = arith.constant 8 : i32
      %dma_wait3A_1209 = tpu.memref_slice %arg4[%dma_wait3A_1208, %multiple_of3A_506] : memref<16x1000000xf32, #tpu.memory_space<hbm>> -> memref<8x128xf32, #tpu.memory_space<hbm>>
      %dma_wait3A_1210 = arith.constant 152 : i32
      %dma_wait3A_1211 = arith.constant 0 : i32
      %dma_wait3A_1212 = tpu.memref_slice %arg10[%dma_wait3A_1210, %dma_wait3A_1211] : memref<256x128xf32, #tpu.memory_space<vmem>> -> memref<8x128xf32, #tpu.memory_space<vmem>>
      %dma_wait3A_1213 = arith.constant 8 : i32
      %dma_wait3A_1214 = tpu.memref_slice %arg4[%dma_wait3A_1213, %multiple_of3A_506] : memref<16x1000000xf32, #tpu.memory_space<hbm>> -> memref<8x128xf32, #tpu.memory_space<hbm>>
      tpu.wait_dma2 semaphore(%arg14 : memref<!tpu.dma_semaphore, #tpu.memory_space<semaphore_mem>>) src(%dma_wait3A_1214 : memref<8x128xf32, #tpu.memory_space<hbm>>) dst(%dma_wait3A_1212 : memref<8x128xf32, #tpu.memory_space<vmem>>)
      %dma_wait3A_1215 = arith.constant 152 : i32
      %dma_wait3A_1216 = arith.constant 0 : i32
      %dma_wait3A_1217 = tpu.memref_slice %arg11[%dma_wait3A_1215, %dma_wait3A_1216] : memref<256x128xf32, #tpu.memory_space<vmem>> -> memref<8x128xf32, #tpu.memory_space<vmem>>
      %dma_wait3A_1218 = arith.constant 8 : i32
      %dma_wait3A_1219 = tpu.memref_slice %arg5[%dma_wait3A_1218, %multiple_of3A_509] : memref<16x1000000xf32, #tpu.memory_space<hbm>> -> memref<8x128xf32, #tpu.memory_space<hbm>>
      %dma_wait3A_1220 = arith.constant 152 : i32
      %dma_wait3A_1221 = arith.constant 0 : i32
      %dma_wait3A_1222 = tpu.memref_slice %arg11[%dma_wait3A_1220, %dma_wait3A_1221] : memref<256x128xf32, #tpu.memory_space<vmem>> -> memref<8x128xf32, #tpu.memory_space<vmem>>
      %dma_wait3A_1223 = arith.constant 8 : i32
      %dma_wait3A_1224 = tpu.memref_slice %arg5[%dma_wait3A_1223, %multiple_of3A_509] : memref<16x1000000xf32, #tpu.memory_space<hbm>> -> memref<8x128xf32, #tpu.memory_space<hbm>>
      tpu.wait_dma2 semaphore(%arg14 : memref<!tpu.dma_semaphore, #tpu.memory_space<semaphore_mem>>) src(%dma_wait3A_1224 : memref<8x128xf32, #tpu.memory_space<hbm>>) dst(%dma_wait3A_1222 : memref<8x128xf32, #tpu.memory_space<vmem>>)
      %dma_wait3A_1225 = arith.constant 160 : i32
      %dma_wait3A_1226 = arith.constant 0 : i32
      %dma_wait3A_1227 = tpu.memref_slice %arg10[%dma_wait3A_1225, %dma_wait3A_1226] : memref<256x128xf32, #tpu.memory_space<vmem>> -> memref<8x128xf32, #tpu.memory_space<vmem>>
      %dma_wait3A_1228 = arith.constant 0 : i32
      %dma_wait3A_1229 = tpu.memref_slice %arg4[%dma_wait3A_1228, %multiple_of3A_552] : memref<16x1000000xf32, #tpu.memory_space<hbm>> -> memref<8x128xf32, #tpu.memory_space<hbm>>
      %dma_wait3A_1230 = arith.constant 160 : i32
      %dma_wait3A_1231 = arith.constant 0 : i32
      %dma_wait3A_1232 = tpu.memref_slice %arg10[%dma_wait3A_1230, %dma_wait3A_1231] : memref<256x128xf32, #tpu.memory_space<vmem>> -> memref<8x128xf32, #tpu.memory_space<vmem>>
      %dma_wait3A_1233 = arith.constant 0 : i32
      %dma_wait3A_1234 = tpu.memref_slice %arg4[%dma_wait3A_1233, %multiple_of3A_552] : memref<16x1000000xf32, #tpu.memory_space<hbm>> -> memref<8x128xf32, #tpu.memory_space<hbm>>
      tpu.wait_dma2 semaphore(%arg14 : memref<!tpu.dma_semaphore, #tpu.memory_space<semaphore_mem>>) src(%dma_wait3A_1234 : memref<8x128xf32, #tpu.memory_space<hbm>>) dst(%dma_wait3A_1232 : memref<8x128xf32, #tpu.memory_space<vmem>>)
      %dma_wait3A_1235 = arith.constant 160 : i32
      %dma_wait3A_1236 = arith.constant 0 : i32
      %dma_wait3A_1237 = tpu.memref_slice %arg11[%dma_wait3A_1235, %dma_wait3A_1236] : memref<256x128xf32, #tpu.memory_space<vmem>> -> memref<8x128xf32, #tpu.memory_space<vmem>>
      %dma_wait3A_1238 = arith.constant 0 : i32
      %dma_wait3A_1239 = tpu.memref_slice %arg5[%dma_wait3A_1238, %multiple_of3A_555] : memref<16x1000000xf32, #tpu.memory_space<hbm>> -> memref<8x128xf32, #tpu.memory_space<hbm>>
      %dma_wait3A_1240 = arith.constant 160 : i32
      %dma_wait3A_1241 = arith.constant 0 : i32
      %dma_wait3A_1242 = tpu.memref_slice %arg11[%dma_wait3A_1240, %dma_wait3A_1241] : memref<256x128xf32, #tpu.memory_space<vmem>> -> memref<8x128xf32, #tpu.memory_space<vmem>>
      %dma_wait3A_1243 = arith.constant 0 : i32
      %dma_wait3A_1244 = tpu.memref_slice %arg5[%dma_wait3A_1243, %multiple_of3A_555] : memref<16x1000000xf32, #tpu.memory_space<hbm>> -> memref<8x128xf32, #tpu.memory_space<hbm>>
      tpu.wait_dma2 semaphore(%arg14 : memref<!tpu.dma_semaphore, #tpu.memory_space<semaphore_mem>>) src(%dma_wait3A_1244 : memref<8x128xf32, #tpu.memory_space<hbm>>) dst(%dma_wait3A_1242 : memref<8x128xf32, #tpu.memory_space<vmem>>)
      %dma_wait3A_1245 = arith.constant 168 : i32
      %dma_wait3A_1246 = arith.constant 0 : i32
      %dma_wait3A_1247 = tpu.memref_slice %arg10[%dma_wait3A_1245, %dma_wait3A_1246] : memref<256x128xf32, #tpu.memory_space<vmem>> -> memref<8x128xf32, #tpu.memory_space<vmem>>
      %dma_wait3A_1248 = arith.constant 8 : i32
      %dma_wait3A_1249 = tpu.memref_slice %arg4[%dma_wait3A_1248, %multiple_of3A_552] : memref<16x1000000xf32, #tpu.memory_space<hbm>> -> memref<8x128xf32, #tpu.memory_space<hbm>>
      %dma_wait3A_1250 = arith.constant 168 : i32
      %dma_wait3A_1251 = arith.constant 0 : i32
      %dma_wait3A_1252 = tpu.memref_slice %arg10[%dma_wait3A_1250, %dma_wait3A_1251] : memref<256x128xf32, #tpu.memory_space<vmem>> -> memref<8x128xf32, #tpu.memory_space<vmem>>
      %dma_wait3A_1253 = arith.constant 8 : i32
      %dma_wait3A_1254 = tpu.memref_slice %arg4[%dma_wait3A_1253, %multiple_of3A_552] : memref<16x1000000xf32, #tpu.memory_space<hbm>> -> memref<8x128xf32, #tpu.memory_space<hbm>>
      tpu.wait_dma2 semaphore(%arg14 : memref<!tpu.dma_semaphore, #tpu.memory_space<semaphore_mem>>) src(%dma_wait3A_1254 : memref<8x128xf32, #tpu.memory_space<hbm>>) dst(%dma_wait3A_1252 : memref<8x128xf32, #tpu.memory_space<vmem>>)
      %dma_wait3A_1255 = arith.constant 168 : i32
      %dma_wait3A_1256 = arith.constant 0 : i32
      %dma_wait3A_1257 = tpu.memref_slice %arg11[%dma_wait3A_1255, %dma_wait3A_1256] : memref<256x128xf32, #tpu.memory_space<vmem>> -> memref<8x128xf32, #tpu.memory_space<vmem>>
      %dma_wait3A_1258 = arith.constant 8 : i32
      %dma_wait3A_1259 = tpu.memref_slice %arg5[%dma_wait3A_1258, %multiple_of3A_555] : memref<16x1000000xf32, #tpu.memory_space<hbm>> -> memref<8x128xf32, #tpu.memory_space<hbm>>
      %dma_wait3A_1260 = arith.constant 168 : i32
      %dma_wait3A_1261 = arith.constant 0 : i32
      %dma_wait3A_1262 = tpu.memref_slice %arg11[%dma_wait3A_1260, %dma_wait3A_1261] : memref<256x128xf32, #tpu.memory_space<vmem>> -> memref<8x128xf32, #tpu.memory_space<vmem>>
      %dma_wait3A_1263 = arith.constant 8 : i32
      %dma_wait3A_1264 = tpu.memref_slice %arg5[%dma_wait3A_1263, %multiple_of3A_555] : memref<16x1000000xf32, #tpu.memory_space<hbm>> -> memref<8x128xf32, #tpu.memory_space<hbm>>
      tpu.wait_dma2 semaphore(%arg14 : memref<!tpu.dma_semaphore, #tpu.memory_space<semaphore_mem>>) src(%dma_wait3A_1264 : memref<8x128xf32, #tpu.memory_space<hbm>>) dst(%dma_wait3A_1262 : memref<8x128xf32, #tpu.memory_space<vmem>>)
      %dma_wait3A_1265 = arith.constant 176 : i32
      %dma_wait3A_1266 = arith.constant 0 : i32
      %dma_wait3A_1267 = tpu.memref_slice %arg10[%dma_wait3A_1265, %dma_wait3A_1266] : memref<256x128xf32, #tpu.memory_space<vmem>> -> memref<8x128xf32, #tpu.memory_space<vmem>>
      %dma_wait3A_1268 = arith.constant 0 : i32
      %dma_wait3A_1269 = tpu.memref_slice %arg4[%dma_wait3A_1268, %multiple_of3A_598] : memref<16x1000000xf32, #tpu.memory_space<hbm>> -> memref<8x128xf32, #tpu.memory_space<hbm>>
      %dma_wait3A_1270 = arith.constant 176 : i32
      %dma_wait3A_1271 = arith.constant 0 : i32
      %dma_wait3A_1272 = tpu.memref_slice %arg10[%dma_wait3A_1270, %dma_wait3A_1271] : memref<256x128xf32, #tpu.memory_space<vmem>> -> memref<8x128xf32, #tpu.memory_space<vmem>>
      %dma_wait3A_1273 = arith.constant 0 : i32
      %dma_wait3A_1274 = tpu.memref_slice %arg4[%dma_wait3A_1273, %multiple_of3A_598] : memref<16x1000000xf32, #tpu.memory_space<hbm>> -> memref<8x128xf32, #tpu.memory_space<hbm>>
      tpu.wait_dma2 semaphore(%arg14 : memref<!tpu.dma_semaphore, #tpu.memory_space<semaphore_mem>>) src(%dma_wait3A_1274 : memref<8x128xf32, #tpu.memory_space<hbm>>) dst(%dma_wait3A_1272 : memref<8x128xf32, #tpu.memory_space<vmem>>)
      %dma_wait3A_1275 = arith.constant 176 : i32
      %dma_wait3A_1276 = arith.constant 0 : i32
      %dma_wait3A_1277 = tpu.memref_slice %arg11[%dma_wait3A_1275, %dma_wait3A_1276] : memref<256x128xf32, #tpu.memory_space<vmem>> -> memref<8x128xf32, #tpu.memory_space<vmem>>
      %dma_wait3A_1278 = arith.constant 0 : i32
      %dma_wait3A_1279 = tpu.memref_slice %arg5[%dma_wait3A_1278, %multiple_of3A_601] : memref<16x1000000xf32, #tpu.memory_space<hbm>> -> memref<8x128xf32, #tpu.memory_space<hbm>>
      %dma_wait3A_1280 = arith.constant 176 : i32
      %dma_wait3A_1281 = arith.constant 0 : i32
      %dma_wait3A_1282 = tpu.memref_slice %arg11[%dma_wait3A_1280, %dma_wait3A_1281] : memref<256x128xf32, #tpu.memory_space<vmem>> -> memref<8x128xf32, #tpu.memory_space<vmem>>
      %dma_wait3A_1283 = arith.constant 0 : i32
      %dma_wait3A_1284 = tpu.memref_slice %arg5[%dma_wait3A_1283, %multiple_of3A_601] : memref<16x1000000xf32, #tpu.memory_space<hbm>> -> memref<8x128xf32, #tpu.memory_space<hbm>>
      tpu.wait_dma2 semaphore(%arg14 : memref<!tpu.dma_semaphore, #tpu.memory_space<semaphore_mem>>) src(%dma_wait3A_1284 : memref<8x128xf32, #tpu.memory_space<hbm>>) dst(%dma_wait3A_1282 : memref<8x128xf32, #tpu.memory_space<vmem>>)
      %dma_wait3A_1285 = arith.constant 184 : i32
      %dma_wait3A_1286 = arith.constant 0 : i32
      %dma_wait3A_1287 = tpu.memref_slice %arg10[%dma_wait3A_1285, %dma_wait3A_1286] : memref<256x128xf32, #tpu.memory_space<vmem>> -> memref<8x128xf32, #tpu.memory_space<vmem>>
      %dma_wait3A_1288 = arith.constant 8 : i32
      %dma_wait3A_1289 = tpu.memref_slice %arg4[%dma_wait3A_1288, %multiple_of3A_598] : memref<16x1000000xf32, #tpu.memory_space<hbm>> -> memref<8x128xf32, #tpu.memory_space<hbm>>
      %dma_wait3A_1290 = arith.constant 184 : i32
      %dma_wait3A_1291 = arith.constant 0 : i32
      %dma_wait3A_1292 = tpu.memref_slice %arg10[%dma_wait3A_1290, %dma_wait3A_1291] : memref<256x128xf32, #tpu.memory_space<vmem>> -> memref<8x128xf32, #tpu.memory_space<vmem>>
      %dma_wait3A_1293 = arith.constant 8 : i32
      %dma_wait3A_1294 = tpu.memref_slice %arg4[%dma_wait3A_1293, %multiple_of3A_598] : memref<16x1000000xf32, #tpu.memory_space<hbm>> -> memref<8x128xf32, #tpu.memory_space<hbm>>
      tpu.wait_dma2 semaphore(%arg14 : memref<!tpu.dma_semaphore, #tpu.memory_space<semaphore_mem>>) src(%dma_wait3A_1294 : memref<8x128xf32, #tpu.memory_space<hbm>>) dst(%dma_wait3A_1292 : memref<8x128xf32, #tpu.memory_space<vmem>>)
      %dma_wait3A_1295 = arith.constant 184 : i32
      %dma_wait3A_1296 = arith.constant 0 : i32
      %dma_wait3A_1297 = tpu.memref_slice %arg11[%dma_wait3A_1295, %dma_wait3A_1296] : memref<256x128xf32, #tpu.memory_space<vmem>> -> memref<8x128xf32, #tpu.memory_space<vmem>>
      %dma_wait3A_1298 = arith.constant 8 : i32
      %dma_wait3A_1299 = tpu.memref_slice %arg5[%dma_wait3A_1298, %multiple_of3A_601] : memref<16x1000000xf32, #tpu.memory_space<hbm>> -> memref<8x128xf32, #tpu.memory_space<hbm>>
      %dma_wait3A_1300 = arith.constant 184 : i32
      %dma_wait3A_1301 = arith.constant 0 : i32
      %dma_wait3A_1302 = tpu.memref_slice %arg11[%dma_wait3A_1300, %dma_wait3A_1301] : memref<256x128xf32, #tpu.memory_space<vmem>> -> memref<8x128xf32, #tpu.memory_space<vmem>>
      %dma_wait3A_1303 = arith.constant 8 : i32
      %dma_wait3A_1304 = tpu.memref_slice %arg5[%dma_wait3A_1303, %multiple_of3A_601] : memref<16x1000000xf32, #tpu.memory_space<hbm>> -> memref<8x128xf32, #tpu.memory_space<hbm>>
      tpu.wait_dma2 semaphore(%arg14 : memref<!tpu.dma_semaphore, #tpu.memory_space<semaphore_mem>>) src(%dma_wait3A_1304 : memref<8x128xf32, #tpu.memory_space<hbm>>) dst(%dma_wait3A_1302 : memref<8x128xf32, #tpu.memory_space<vmem>>)
      %dma_wait3A_1305 = arith.constant 192 : i32
      %dma_wait3A_1306 = arith.constant 0 : i32
      %dma_wait3A_1307 = tpu.memref_slice %arg10[%dma_wait3A_1305, %dma_wait3A_1306] : memref<256x128xf32, #tpu.memory_space<vmem>> -> memref<8x128xf32, #tpu.memory_space<vmem>>
      %dma_wait3A_1308 = arith.constant 0 : i32
      %dma_wait3A_1309 = tpu.memref_slice %arg4[%dma_wait3A_1308, %multiple_of3A_644] : memref<16x1000000xf32, #tpu.memory_space<hbm>> -> memref<8x128xf32, #tpu.memory_space<hbm>>
      %dma_wait3A_1310 = arith.constant 192 : i32
      %dma_wait3A_1311 = arith.constant 0 : i32
      %dma_wait3A_1312 = tpu.memref_slice %arg10[%dma_wait3A_1310, %dma_wait3A_1311] : memref<256x128xf32, #tpu.memory_space<vmem>> -> memref<8x128xf32, #tpu.memory_space<vmem>>
      %dma_wait3A_1313 = arith.constant 0 : i32
      %dma_wait3A_1314 = tpu.memref_slice %arg4[%dma_wait3A_1313, %multiple_of3A_644] : memref<16x1000000xf32, #tpu.memory_space<hbm>> -> memref<8x128xf32, #tpu.memory_space<hbm>>
      tpu.wait_dma2 semaphore(%arg14 : memref<!tpu.dma_semaphore, #tpu.memory_space<semaphore_mem>>) src(%dma_wait3A_1314 : memref<8x128xf32, #tpu.memory_space<hbm>>) dst(%dma_wait3A_1312 : memref<8x128xf32, #tpu.memory_space<vmem>>)
      %dma_wait3A_1315 = arith.constant 192 : i32
      %dma_wait3A_1316 = arith.constant 0 : i32
      %dma_wait3A_1317 = tpu.memref_slice %arg11[%dma_wait3A_1315, %dma_wait3A_1316] : memref<256x128xf32, #tpu.memory_space<vmem>> -> memref<8x128xf32, #tpu.memory_space<vmem>>
      %dma_wait3A_1318 = arith.constant 0 : i32
      %dma_wait3A_1319 = tpu.memref_slice %arg5[%dma_wait3A_1318, %multiple_of3A_647] : memref<16x1000000xf32, #tpu.memory_space<hbm>> -> memref<8x128xf32, #tpu.memory_space<hbm>>
      %dma_wait3A_1320 = arith.constant 192 : i32
      %dma_wait3A_1321 = arith.constant 0 : i32
      %dma_wait3A_1322 = tpu.memref_slice %arg11[%dma_wait3A_1320, %dma_wait3A_1321] : memref<256x128xf32, #tpu.memory_space<vmem>> -> memref<8x128xf32, #tpu.memory_space<vmem>>
      %dma_wait3A_1323 = arith.constant 0 : i32
      %dma_wait3A_1324 = tpu.memref_slice %arg5[%dma_wait3A_1323, %multiple_of3A_647] : memref<16x1000000xf32, #tpu.memory_space<hbm>> -> memref<8x128xf32, #tpu.memory_space<hbm>>
      tpu.wait_dma2 semaphore(%arg14 : memref<!tpu.dma_semaphore, #tpu.memory_space<semaphore_mem>>) src(%dma_wait3A_1324 : memref<8x128xf32, #tpu.memory_space<hbm>>) dst(%dma_wait3A_1322 : memref<8x128xf32, #tpu.memory_space<vmem>>)
      %dma_wait3A_1325 = arith.constant 200 : i32
      %dma_wait3A_1326 = arith.constant 0 : i32
      %dma_wait3A_1327 = tpu.memref_slice %arg10[%dma_wait3A_1325, %dma_wait3A_1326] : memref<256x128xf32, #tpu.memory_space<vmem>> -> memref<8x128xf32, #tpu.memory_space<vmem>>
      %dma_wait3A_1328 = arith.constant 8 : i32
      %dma_wait3A_1329 = tpu.memref_slice %arg4[%dma_wait3A_1328, %multiple_of3A_644] : memref<16x1000000xf32, #tpu.memory_space<hbm>> -> memref<8x128xf32, #tpu.memory_space<hbm>>
      %dma_wait3A_1330 = arith.constant 200 : i32
      %dma_wait3A_1331 = arith.constant 0 : i32
      %dma_wait3A_1332 = tpu.memref_slice %arg10[%dma_wait3A_1330, %dma_wait3A_1331] : memref<256x128xf32, #tpu.memory_space<vmem>> -> memref<8x128xf32, #tpu.memory_space<vmem>>
      %dma_wait3A_1333 = arith.constant 8 : i32
      %dma_wait3A_1334 = tpu.memref_slice %arg4[%dma_wait3A_1333, %multiple_of3A_644] : memref<16x1000000xf32, #tpu.memory_space<hbm>> -> memref<8x128xf32, #tpu.memory_space<hbm>>
      tpu.wait_dma2 semaphore(%arg14 : memref<!tpu.dma_semaphore, #tpu.memory_space<semaphore_mem>>) src(%dma_wait3A_1334 : memref<8x128xf32, #tpu.memory_space<hbm>>) dst(%dma_wait3A_1332 : memref<8x128xf32, #tpu.memory_space<vmem>>)
      %dma_wait3A_1335 = arith.constant 200 : i32
      %dma_wait3A_1336 = arith.constant 0 : i32
      %dma_wait3A_1337 = tpu.memref_slice %arg11[%dma_wait3A_1335, %dma_wait3A_1336] : memref<256x128xf32, #tpu.memory_space<vmem>> -> memref<8x128xf32, #tpu.memory_space<vmem>>
      %dma_wait3A_1338 = arith.constant 8 : i32
      %dma_wait3A_1339 = tpu.memref_slice %arg5[%dma_wait3A_1338, %multiple_of3A_647] : memref<16x1000000xf32, #tpu.memory_space<hbm>> -> memref<8x128xf32, #tpu.memory_space<hbm>>
      %dma_wait3A_1340 = arith.constant 200 : i32
      %dma_wait3A_1341 = arith.constant 0 : i32
      %dma_wait3A_1342 = tpu.memref_slice %arg11[%dma_wait3A_1340, %dma_wait3A_1341] : memref<256x128xf32, #tpu.memory_space<vmem>> -> memref<8x128xf32, #tpu.memory_space<vmem>>
      %dma_wait3A_1343 = arith.constant 8 : i32
      %dma_wait3A_1344 = tpu.memref_slice %arg5[%dma_wait3A_1343, %multiple_of3A_647] : memref<16x1000000xf32, #tpu.memory_space<hbm>> -> memref<8x128xf32, #tpu.memory_space<hbm>>
      tpu.wait_dma2 semaphore(%arg14 : memref<!tpu.dma_semaphore, #tpu.memory_space<semaphore_mem>>) src(%dma_wait3A_1344 : memref<8x128xf32, #tpu.memory_space<hbm>>) dst(%dma_wait3A_1342 : memref<8x128xf32, #tpu.memory_space<vmem>>)
      %dma_wait3A_1345 = arith.constant 208 : i32
      %dma_wait3A_1346 = arith.constant 0 : i32
      %dma_wait3A_1347 = tpu.memref_slice %arg10[%dma_wait3A_1345, %dma_wait3A_1346] : memref<256x128xf32, #tpu.memory_space<vmem>> -> memref<8x128xf32, #tpu.memory_space<vmem>>
      %dma_wait3A_1348 = arith.constant 0 : i32
      %dma_wait3A_1349 = tpu.memref_slice %arg4[%dma_wait3A_1348, %multiple_of3A_690] : memref<16x1000000xf32, #tpu.memory_space<hbm>> -> memref<8x128xf32, #tpu.memory_space<hbm>>
      %dma_wait3A_1350 = arith.constant 208 : i32
      %dma_wait3A_1351 = arith.constant 0 : i32
      %dma_wait3A_1352 = tpu.memref_slice %arg10[%dma_wait3A_1350, %dma_wait3A_1351] : memref<256x128xf32, #tpu.memory_space<vmem>> -> memref<8x128xf32, #tpu.memory_space<vmem>>
      %dma_wait3A_1353 = arith.constant 0 : i32
      %dma_wait3A_1354 = tpu.memref_slice %arg4[%dma_wait3A_1353, %multiple_of3A_690] : memref<16x1000000xf32, #tpu.memory_space<hbm>> -> memref<8x128xf32, #tpu.memory_space<hbm>>
      tpu.wait_dma2 semaphore(%arg14 : memref<!tpu.dma_semaphore, #tpu.memory_space<semaphore_mem>>) src(%dma_wait3A_1354 : memref<8x128xf32, #tpu.memory_space<hbm>>) dst(%dma_wait3A_1352 : memref<8x128xf32, #tpu.memory_space<vmem>>)
      %dma_wait3A_1355 = arith.constant 208 : i32
      %dma_wait3A_1356 = arith.constant 0 : i32
      %dma_wait3A_1357 = tpu.memref_slice %arg11[%dma_wait3A_1355, %dma_wait3A_1356] : memref<256x128xf32, #tpu.memory_space<vmem>> -> memref<8x128xf32, #tpu.memory_space<vmem>>
      %dma_wait3A_1358 = arith.constant 0 : i32
      %dma_wait3A_1359 = tpu.memref_slice %arg5[%dma_wait3A_1358, %multiple_of3A_693] : memref<16x1000000xf32, #tpu.memory_space<hbm>> -> memref<8x128xf32, #tpu.memory_space<hbm>>
      %dma_wait3A_1360 = arith.constant 208 : i32
      %dma_wait3A_1361 = arith.constant 0 : i32
      %dma_wait3A_1362 = tpu.memref_slice %arg11[%dma_wait3A_1360, %dma_wait3A_1361] : memref<256x128xf32, #tpu.memory_space<vmem>> -> memref<8x128xf32, #tpu.memory_space<vmem>>
      %dma_wait3A_1363 = arith.constant 0 : i32
      %dma_wait3A_1364 = tpu.memref_slice %arg5[%dma_wait3A_1363, %multiple_of3A_693] : memref<16x1000000xf32, #tpu.memory_space<hbm>> -> memref<8x128xf32, #tpu.memory_space<hbm>>
      tpu.wait_dma2 semaphore(%arg14 : memref<!tpu.dma_semaphore, #tpu.memory_space<semaphore_mem>>) src(%dma_wait3A_1364 : memref<8x128xf32, #tpu.memory_space<hbm>>) dst(%dma_wait3A_1362 : memref<8x128xf32, #tpu.memory_space<vmem>>)
      %dma_wait3A_1365 = arith.constant 216 : i32
      %dma_wait3A_1366 = arith.constant 0 : i32
      %dma_wait3A_1367 = tpu.memref_slice %arg10[%dma_wait3A_1365, %dma_wait3A_1366] : memref<256x128xf32, #tpu.memory_space<vmem>> -> memref<8x128xf32, #tpu.memory_space<vmem>>
      %dma_wait3A_1368 = arith.constant 8 : i32
      %dma_wait3A_1369 = tpu.memref_slice %arg4[%dma_wait3A_1368, %multiple_of3A_690] : memref<16x1000000xf32, #tpu.memory_space<hbm>> -> memref<8x128xf32, #tpu.memory_space<hbm>>
      %dma_wait3A_1370 = arith.constant 216 : i32
      %dma_wait3A_1371 = arith.constant 0 : i32
      %dma_wait3A_1372 = tpu.memref_slice %arg10[%dma_wait3A_1370, %dma_wait3A_1371] : memref<256x128xf32, #tpu.memory_space<vmem>> -> memref<8x128xf32, #tpu.memory_space<vmem>>
      %dma_wait3A_1373 = arith.constant 8 : i32
      %dma_wait3A_1374 = tpu.memref_slice %arg4[%dma_wait3A_1373, %multiple_of3A_690] : memref<16x1000000xf32, #tpu.memory_space<hbm>> -> memref<8x128xf32, #tpu.memory_space<hbm>>
      tpu.wait_dma2 semaphore(%arg14 : memref<!tpu.dma_semaphore, #tpu.memory_space<semaphore_mem>>) src(%dma_wait3A_1374 : memref<8x128xf32, #tpu.memory_space<hbm>>) dst(%dma_wait3A_1372 : memref<8x128xf32, #tpu.memory_space<vmem>>)
      %dma_wait3A_1375 = arith.constant 216 : i32
      %dma_wait3A_1376 = arith.constant 0 : i32
      %dma_wait3A_1377 = tpu.memref_slice %arg11[%dma_wait3A_1375, %dma_wait3A_1376] : memref<256x128xf32, #tpu.memory_space<vmem>> -> memref<8x128xf32, #tpu.memory_space<vmem>>
      %dma_wait3A_1378 = arith.constant 8 : i32
      %dma_wait3A_1379 = tpu.memref_slice %arg5[%dma_wait3A_1378, %multiple_of3A_693] : memref<16x1000000xf32, #tpu.memory_space<hbm>> -> memref<8x128xf32, #tpu.memory_space<hbm>>
      %dma_wait3A_1380 = arith.constant 216 : i32
      %dma_wait3A_1381 = arith.constant 0 : i32
      %dma_wait3A_1382 = tpu.memref_slice %arg11[%dma_wait3A_1380, %dma_wait3A_1381] : memref<256x128xf32, #tpu.memory_space<vmem>> -> memref<8x128xf32, #tpu.memory_space<vmem>>
      %dma_wait3A_1383 = arith.constant 8 : i32
      %dma_wait3A_1384 = tpu.memref_slice %arg5[%dma_wait3A_1383, %multiple_of3A_693] : memref<16x1000000xf32, #tpu.memory_space<hbm>> -> memref<8x128xf32, #tpu.memory_space<hbm>>
      tpu.wait_dma2 semaphore(%arg14 : memref<!tpu.dma_semaphore, #tpu.memory_space<semaphore_mem>>) src(%dma_wait3A_1384 : memref<8x128xf32, #tpu.memory_space<hbm>>) dst(%dma_wait3A_1382 : memref<8x128xf32, #tpu.memory_space<vmem>>)
      %dma_wait3A_1385 = arith.constant 224 : i32
      %dma_wait3A_1386 = arith.constant 0 : i32
      %dma_wait3A_1387 = tpu.memref_slice %arg10[%dma_wait3A_1385, %dma_wait3A_1386] : memref<256x128xf32, #tpu.memory_space<vmem>> -> memref<8x128xf32, #tpu.memory_space<vmem>>
      %dma_wait3A_1388 = arith.constant 0 : i32
      %dma_wait3A_1389 = tpu.memref_slice %arg4[%dma_wait3A_1388, %multiple_of3A_736] : memref<16x1000000xf32, #tpu.memory_space<hbm>> -> memref<8x128xf32, #tpu.memory_space<hbm>>
      %dma_wait3A_1390 = arith.constant 224 : i32
      %dma_wait3A_1391 = arith.constant 0 : i32
      %dma_wait3A_1392 = tpu.memref_slice %arg10[%dma_wait3A_1390, %dma_wait3A_1391] : memref<256x128xf32, #tpu.memory_space<vmem>> -> memref<8x128xf32, #tpu.memory_space<vmem>>
      %dma_wait3A_1393 = arith.constant 0 : i32
      %dma_wait3A_1394 = tpu.memref_slice %arg4[%dma_wait3A_1393, %multiple_of3A_736] : memref<16x1000000xf32, #tpu.memory_space<hbm>> -> memref<8x128xf32, #tpu.memory_space<hbm>>
      tpu.wait_dma2 semaphore(%arg14 : memref<!tpu.dma_semaphore, #tpu.memory_space<semaphore_mem>>) src(%dma_wait3A_1394 : memref<8x128xf32, #tpu.memory_space<hbm>>) dst(%dma_wait3A_1392 : memref<8x128xf32, #tpu.memory_space<vmem>>)
      %dma_wait3A_1395 = arith.constant 224 : i32
      %dma_wait3A_1396 = arith.constant 0 : i32
      %dma_wait3A_1397 = tpu.memref_slice %arg11[%dma_wait3A_1395, %dma_wait3A_1396] : memref<256x128xf32, #tpu.memory_space<vmem>> -> memref<8x128xf32, #tpu.memory_space<vmem>>
      %dma_wait3A_1398 = arith.constant 0 : i32
      %dma_wait3A_1399 = tpu.memref_slice %arg5[%dma_wait3A_1398, %multiple_of3A_739] : memref<16x1000000xf32, #tpu.memory_space<hbm>> -> memref<8x128xf32, #tpu.memory_space<hbm>>
      %dma_wait3A_1400 = arith.constant 224 : i32
      %dma_wait3A_1401 = arith.constant 0 : i32
      %dma_wait3A_1402 = tpu.memref_slice %arg11[%dma_wait3A_1400, %dma_wait3A_1401] : memref<256x128xf32, #tpu.memory_space<vmem>> -> memref<8x128xf32, #tpu.memory_space<vmem>>
      %dma_wait3A_1403 = arith.constant 0 : i32
      %dma_wait3A_1404 = tpu.memref_slice %arg5[%dma_wait3A_1403, %multiple_of3A_739] : memref<16x1000000xf32, #tpu.memory_space<hbm>> -> memref<8x128xf32, #tpu.memory_space<hbm>>
      tpu.wait_dma2 semaphore(%arg14 : memref<!tpu.dma_semaphore, #tpu.memory_space<semaphore_mem>>) src(%dma_wait3A_1404 : memref<8x128xf32, #tpu.memory_space<hbm>>) dst(%dma_wait3A_1402 : memref<8x128xf32, #tpu.memory_space<vmem>>)
      %dma_wait3A_1405 = arith.constant 232 : i32
      %dma_wait3A_1406 = arith.constant 0 : i32
      %dma_wait3A_1407 = tpu.memref_slice %arg10[%dma_wait3A_1405, %dma_wait3A_1406] : memref<256x128xf32, #tpu.memory_space<vmem>> -> memref<8x128xf32, #tpu.memory_space<vmem>>
      %dma_wait3A_1408 = arith.constant 8 : i32
      %dma_wait3A_1409 = tpu.memref_slice %arg4[%dma_wait3A_1408, %multiple_of3A_736] : memref<16x1000000xf32, #tpu.memory_space<hbm>> -> memref<8x128xf32, #tpu.memory_space<hbm>>
      %dma_wait3A_1410 = arith.constant 232 : i32
      %dma_wait3A_1411 = arith.constant 0 : i32
      %dma_wait3A_1412 = tpu.memref_slice %arg10[%dma_wait3A_1410, %dma_wait3A_1411] : memref<256x128xf32, #tpu.memory_space<vmem>> -> memref<8x128xf32, #tpu.memory_space<vmem>>
      %dma_wait3A_1413 = arith.constant 8 : i32
      %dma_wait3A_1414 = tpu.memref_slice %arg4[%dma_wait3A_1413, %multiple_of3A_736] : memref<16x1000000xf32, #tpu.memory_space<hbm>> -> memref<8x128xf32, #tpu.memory_space<hbm>>
      tpu.wait_dma2 semaphore(%arg14 : memref<!tpu.dma_semaphore, #tpu.memory_space<semaphore_mem>>) src(%dma_wait3A_1414 : memref<8x128xf32, #tpu.memory_space<hbm>>) dst(%dma_wait3A_1412 : memref<8x128xf32, #tpu.memory_space<vmem>>)
      %dma_wait3A_1415 = arith.constant 232 : i32
      %dma_wait3A_1416 = arith.constant 0 : i32
      %dma_wait3A_1417 = tpu.memref_slice %arg11[%dma_wait3A_1415, %dma_wait3A_1416] : memref<256x128xf32, #tpu.memory_space<vmem>> -> memref<8x128xf32, #tpu.memory_space<vmem>>
      %dma_wait3A_1418 = arith.constant 8 : i32
      %dma_wait3A_1419 = tpu.memref_slice %arg5[%dma_wait3A_1418, %multiple_of3A_739] : memref<16x1000000xf32, #tpu.memory_space<hbm>> -> memref<8x128xf32, #tpu.memory_space<hbm>>
      %dma_wait3A_1420 = arith.constant 232 : i32
      %dma_wait3A_1421 = arith.constant 0 : i32
      %dma_wait3A_1422 = tpu.memref_slice %arg11[%dma_wait3A_1420, %dma_wait3A_1421] : memref<256x128xf32, #tpu.memory_space<vmem>> -> memref<8x128xf32, #tpu.memory_space<vmem>>
      %dma_wait3A_1423 = arith.constant 8 : i32
      %dma_wait3A_1424 = tpu.memref_slice %arg5[%dma_wait3A_1423, %multiple_of3A_739] : memref<16x1000000xf32, #tpu.memory_space<hbm>> -> memref<8x128xf32, #tpu.memory_space<hbm>>
      tpu.wait_dma2 semaphore(%arg14 : memref<!tpu.dma_semaphore, #tpu.memory_space<semaphore_mem>>) src(%dma_wait3A_1424 : memref<8x128xf32, #tpu.memory_space<hbm>>) dst(%dma_wait3A_1422 : memref<8x128xf32, #tpu.memory_space<vmem>>)
      %dma_wait3A_1425 = arith.constant 240 : i32
      %dma_wait3A_1426 = arith.constant 0 : i32
      %dma_wait3A_1427 = tpu.memref_slice %arg10[%dma_wait3A_1425, %dma_wait3A_1426] : memref<256x128xf32, #tpu.memory_space<vmem>> -> memref<8x128xf32, #tpu.memory_space<vmem>>
      %dma_wait3A_1428 = arith.constant 0 : i32
      %dma_wait3A_1429 = tpu.memref_slice %arg4[%dma_wait3A_1428, %multiple_of3A_782] : memref<16x1000000xf32, #tpu.memory_space<hbm>> -> memref<8x128xf32, #tpu.memory_space<hbm>>
      %dma_wait3A_1430 = arith.constant 240 : i32
      %dma_wait3A_1431 = arith.constant 0 : i32
      %dma_wait3A_1432 = tpu.memref_slice %arg10[%dma_wait3A_1430, %dma_wait3A_1431] : memref<256x128xf32, #tpu.memory_space<vmem>> -> memref<8x128xf32, #tpu.memory_space<vmem>>
      %dma_wait3A_1433 = arith.constant 0 : i32
      %dma_wait3A_1434 = tpu.memref_slice %arg4[%dma_wait3A_1433, %multiple_of3A_782] : memref<16x1000000xf32, #tpu.memory_space<hbm>> -> memref<8x128xf32, #tpu.memory_space<hbm>>
      tpu.wait_dma2 semaphore(%arg14 : memref<!tpu.dma_semaphore, #tpu.memory_space<semaphore_mem>>) src(%dma_wait3A_1434 : memref<8x128xf32, #tpu.memory_space<hbm>>) dst(%dma_wait3A_1432 : memref<8x128xf32, #tpu.memory_space<vmem>>)
      %dma_wait3A_1435 = arith.constant 240 : i32
      %dma_wait3A_1436 = arith.constant 0 : i32
      %dma_wait3A_1437 = tpu.memref_slice %arg11[%dma_wait3A_1435, %dma_wait3A_1436] : memref<256x128xf32, #tpu.memory_space<vmem>> -> memref<8x128xf32, #tpu.memory_space<vmem>>
      %dma_wait3A_1438 = arith.constant 0 : i32
      %dma_wait3A_1439 = tpu.memref_slice %arg5[%dma_wait3A_1438, %multiple_of3A_785] : memref<16x1000000xf32, #tpu.memory_space<hbm>> -> memref<8x128xf32, #tpu.memory_space<hbm>>
      %dma_wait3A_1440 = arith.constant 240 : i32
      %dma_wait3A_1441 = arith.constant 0 : i32
      %dma_wait3A_1442 = tpu.memref_slice %arg11[%dma_wait3A_1440, %dma_wait3A_1441] : memref<256x128xf32, #tpu.memory_space<vmem>> -> memref<8x128xf32, #tpu.memory_space<vmem>>
      %dma_wait3A_1443 = arith.constant 0 : i32
      %dma_wait3A_1444 = tpu.memref_slice %arg5[%dma_wait3A_1443, %multiple_of3A_785] : memref<16x1000000xf32, #tpu.memory_space<hbm>> -> memref<8x128xf32, #tpu.memory_space<hbm>>
      tpu.wait_dma2 semaphore(%arg14 : memref<!tpu.dma_semaphore, #tpu.memory_space<semaphore_mem>>) src(%dma_wait3A_1444 : memref<8x128xf32, #tpu.memory_space<hbm>>) dst(%dma_wait3A_1442 : memref<8x128xf32, #tpu.memory_space<vmem>>)
      %dma_wait3A_1445 = arith.constant 248 : i32
      %dma_wait3A_1446 = arith.constant 0 : i32
      %dma_wait3A_1447 = tpu.memref_slice %arg10[%dma_wait3A_1445, %dma_wait3A_1446] : memref<256x128xf32, #tpu.memory_space<vmem>> -> memref<8x128xf32, #tpu.memory_space<vmem>>
      %dma_wait3A_1448 = arith.constant 8 : i32
      %dma_wait3A_1449 = tpu.memref_slice %arg4[%dma_wait3A_1448, %multiple_of3A_782] : memref<16x1000000xf32, #tpu.memory_space<hbm>> -> memref<8x128xf32, #tpu.memory_space<hbm>>
      %dma_wait3A_1450 = arith.constant 248 : i32
      %dma_wait3A_1451 = arith.constant 0 : i32
      %dma_wait3A_1452 = tpu.memref_slice %arg10[%dma_wait3A_1450, %dma_wait3A_1451] : memref<256x128xf32, #tpu.memory_space<vmem>> -> memref<8x128xf32, #tpu.memory_space<vmem>>
      %dma_wait3A_1453 = arith.constant 8 : i32
      %dma_wait3A_1454 = tpu.memref_slice %arg4[%dma_wait3A_1453, %multiple_of3A_782] : memref<16x1000000xf32, #tpu.memory_space<hbm>> -> memref<8x128xf32, #tpu.memory_space<hbm>>
      tpu.wait_dma2 semaphore(%arg14 : memref<!tpu.dma_semaphore, #tpu.memory_space<semaphore_mem>>) src(%dma_wait3A_1454 : memref<8x128xf32, #tpu.memory_space<hbm>>) dst(%dma_wait3A_1452 : memref<8x128xf32, #tpu.memory_space<vmem>>)
      %dma_wait3A_1455 = arith.constant 248 : i32
      %dma_wait3A_1456 = arith.constant 0 : i32
      %dma_wait3A_1457 = tpu.memref_slice %arg11[%dma_wait3A_1455, %dma_wait3A_1456] : memref<256x128xf32, #tpu.memory_space<vmem>> -> memref<8x128xf32, #tpu.memory_space<vmem>>
      %dma_wait3A_1458 = arith.constant 8 : i32
      %dma_wait3A_1459 = tpu.memref_slice %arg5[%dma_wait3A_1458, %multiple_of3A_785] : memref<16x1000000xf32, #tpu.memory_space<hbm>> -> memref<8x128xf32, #tpu.memory_space<hbm>>
      %dma_wait3A_1460 = arith.constant 248 : i32
      %dma_wait3A_1461 = arith.constant 0 : i32
      %dma_wait3A_1462 = tpu.memref_slice %arg11[%dma_wait3A_1460, %dma_wait3A_1461] : memref<256x128xf32, #tpu.memory_space<vmem>> -> memref<8x128xf32, #tpu.memory_space<vmem>>
      %dma_wait3A_1463 = arith.constant 8 : i32
      %dma_wait3A_1464 = tpu.memref_slice %arg5[%dma_wait3A_1463, %multiple_of3A_785] : memref<16x1000000xf32, #tpu.memory_space<hbm>> -> memref<8x128xf32, #tpu.memory_space<hbm>>
      tpu.wait_dma2 semaphore(%arg14 : memref<!tpu.dma_semaphore, #tpu.memory_space<semaphore_mem>>) src(%dma_wait3A_1464 : memref<8x128xf32, #tpu.memory_space<hbm>>) dst(%dma_wait3A_1462 : memref<8x128xf32, #tpu.memory_space<vmem>>)
      %mul3A_1465 = arith.constant 16 : i32
      %mul3A_1466 = arith.muli %scan3A_75, %mul3A_1465 : i32
      %get3A_1467 = arith.index_cast %mul3A_1466 : i32 to index
      %get3A_1468 = tpu.vector_load %arg8[%get3A_1467] {strides = array<i32>} : memref<512xi32, #tpu.memory_space<vmem>>, vector<16xi32>,
      %and3A = arith.constant 127 : i32
      %and3A_1469 = vector.broadcast %and3A : i32 to vector<16xi32>
      %and3A_1470 = arith.andi %get3A_1468, %and3A_1469 : vector<16xi32>
      %mul3A_1471 = arith.constant 16 : i32
      %mul3A_1472 = arith.muli %scan3A_75, %mul3A_1471 : i32
      %get3A_1473 = arith.index_cast %mul3A_1472 : i32 to index
      %get3A_1474 = tpu.vector_load %arg9[%get3A_1473] {strides = array<i32>} : memref<512xi32, #tpu.memory_space<vmem>>, vector<16xi32>,
      %and3A_1475 = arith.constant 127 : i32
      %and3A_1476 = vector.broadcast %and3A_1475 : i32 to vector<16xi32>
      %and3A_1477 = arith.andi %get3A_1474, %and3A_1476 : vector<16xi32>
      %mul3A_1478 = arith.constant 16 : i32
      %mul3A_1479 = vector.broadcast %mul3A_1478 : i32 to vector<16xi32>
      %mul3A_1480 = arith.muli %iota3A, %mul3A_1479 : vector<16xi32>
      %add3A_1481 = arith.constant 0 : i32
      %add3A_1482 = vector.broadcast %add3A_1481 : i32 to vector<16xi32>
      %add3A_1483 = arith.addi %mul3A_1480, %add3A_1482 : vector<16xi32>
      %gather3A = tpu.vector_load_idx %arg10[%add3A_1483, %and3A_1470] : memref<256x128xf32, #tpu.memory_space<vmem>>[vector<16xi32>, vector<16xi32>], vector<16xf32>,
      %gather3A_1484 = tpu.vector_load_idx %arg11[%add3A_1483, %and3A_1477] : memref<256x128xf32, #tpu.memory_space<vmem>>[vector<16xi32>, vector<16xi32>], vector<16xf32>,
      %mul3A_1485 = arith.mulf %gather3A, %gather3A_1484 : vector<16xf32>
      %mul3A_1486 = arith.mulf %mul3A_1485, %get3A_5 : vector<16xf32>
      %add3A_1487 = arith.addf %get3A_69, %mul3A_1486 : vector<16xf32>
      %mul3A_1488 = arith.constant 16 : i32
      %mul3A_1489 = vector.broadcast %mul3A_1488 : i32 to vector<16xi32>
      %mul3A_1490 = arith.muli %iota3A, %mul3A_1489 : vector<16xi32>
      %add3A_1491 = arith.constant 1 : i32
      %add3A_1492 = vector.broadcast %add3A_1491 : i32 to vector<16xi32>
      %add3A_1493 = arith.addi %mul3A_1490, %add3A_1492 : vector<16xi32>
      %gather3A_1494 = tpu.vector_load_idx %arg10[%add3A_1493, %and3A_1470] : memref<256x128xf32, #tpu.memory_space<vmem>>[vector<16xi32>, vector<16xi32>], vector<16xf32>,
      %gather3A_1495 = tpu.vector_load_idx %arg11[%add3A_1493, %and3A_1477] : memref<256x128xf32, #tpu.memory_space<vmem>>[vector<16xi32>, vector<16xi32>], vector<16xf32>,
      %mul3A_1496 = arith.mulf %gather3A_1494, %gather3A_1495 : vector<16xf32>
      %mul3A_1497 = arith.mulf %mul3A_1496, %get3A_9 : vector<16xf32>
      %add3A_1498 = arith.addf %add3A_1487, %mul3A_1497 : vector<16xf32>
      %mul3A_1499 = arith.constant 16 : i32
      %mul3A_1500 = vector.broadcast %mul3A_1499 : i32 to vector<16xi32>
      %mul3A_1501 = arith.muli %iota3A, %mul3A_1500 : vector<16xi32>
      %add3A_1502 = arith.constant 2 : i32
      %add3A_1503 = vector.broadcast %add3A_1502 : i32 to vector<16xi32>
      %add3A_1504 = arith.addi %mul3A_1501, %add3A_1503 : vector<16xi32>
      %gather3A_1505 = tpu.vector_load_idx %arg10[%add3A_1504, %and3A_1470] : memref<256x128xf32, #tpu.memory_space<vmem>>[vector<16xi32>, vector<16xi32>], vector<16xf32>,
      %gather3A_1506 = tpu.vector_load_idx %arg11[%add3A_1504, %and3A_1477] : memref<256x128xf32, #tpu.memory_space<vmem>>[vector<16xi32>, vector<16xi32>], vector<16xf32>,
      %mul3A_1507 = arith.mulf %gather3A_1505, %gather3A_1506 : vector<16xf32>
      %mul3A_1508 = arith.mulf %mul3A_1507, %get3A_13 : vector<16xf32>
      %add3A_1509 = arith.addf %add3A_1498, %mul3A_1508 : vector<16xf32>
      %mul3A_1510 = arith.constant 16 : i32
      %mul3A_1511 = vector.broadcast %mul3A_1510 : i32 to vector<16xi32>
      %mul3A_1512 = arith.muli %iota3A, %mul3A_1511 : vector<16xi32>
      %add3A_1513 = arith.constant 3 : i32
      %add3A_1514 = vector.broadcast %add3A_1513 : i32 to vector<16xi32>
      %add3A_1515 = arith.addi %mul3A_1512, %add3A_1514 : vector<16xi32>
      %gather3A_1516 = tpu.vector_load_idx %arg10[%add3A_1515, %and3A_1470] : memref<256x128xf32, #tpu.memory_space<vmem>>[vector<16xi32>, vector<16xi32>], vector<16xf32>,
      %gather3A_1517 = tpu.vector_load_idx %arg11[%add3A_1515, %and3A_1477] : memref<256x128xf32, #tpu.memory_space<vmem>>[vector<16xi32>, vector<16xi32>], vector<16xf32>,
      %mul3A_1518 = arith.mulf %gather3A_1516, %gather3A_1517 : vector<16xf32>
      %mul3A_1519 = arith.mulf %mul3A_1518, %get3A_17 : vector<16xf32>
      %add3A_1520 = arith.addf %add3A_1509, %mul3A_1519 : vector<16xf32>
      %mul3A_1521 = arith.constant 16 : i32
      %mul3A_1522 = vector.broadcast %mul3A_1521 : i32 to vector<16xi32>
      %mul3A_1523 = arith.muli %iota3A, %mul3A_1522 : vector<16xi32>
      %add3A_1524 = arith.constant 4 : i32
      %add3A_1525 = vector.broadcast %add3A_1524 : i32 to vector<16xi32>
      %add3A_1526 = arith.addi %mul3A_1523, %add3A_1525 : vector<16xi32>
      %gather3A_1527 = tpu.vector_load_idx %arg10[%add3A_1526, %and3A_1470] : memref<256x128xf32, #tpu.memory_space<vmem>>[vector<16xi32>, vector<16xi32>], vector<16xf32>,
      %gather3A_1528 = tpu.vector_load_idx %arg11[%add3A_1526, %and3A_1477] : memref<256x128xf32, #tpu.memory_space<vmem>>[vector<16xi32>, vector<16xi32>], vector<16xf32>,
      %mul3A_1529 = arith.mulf %gather3A_1527, %gather3A_1528 : vector<16xf32>
      %mul3A_1530 = arith.mulf %mul3A_1529, %get3A_21 : vector<16xf32>
      %add3A_1531 = arith.addf %add3A_1520, %mul3A_1530 : vector<16xf32>
      %mul3A_1532 = arith.constant 16 : i32
      %mul3A_1533 = vector.broadcast %mul3A_1532 : i32 to vector<16xi32>
      %mul3A_1534 = arith.muli %iota3A, %mul3A_1533 : vector<16xi32>
      %add3A_1535 = arith.constant 5 : i32
      %add3A_1536 = vector.broadcast %add3A_1535 : i32 to vector<16xi32>
      %add3A_1537 = arith.addi %mul3A_1534, %add3A_1536 : vector<16xi32>
      %gather3A_1538 = tpu.vector_load_idx %arg10[%add3A_1537, %and3A_1470] : memref<256x128xf32, #tpu.memory_space<vmem>>[vector<16xi32>, vector<16xi32>], vector<16xf32>,
      %gather3A_1539 = tpu.vector_load_idx %arg11[%add3A_1537, %and3A_1477] : memref<256x128xf32, #tpu.memory_space<vmem>>[vector<16xi32>, vector<16xi32>], vector<16xf32>,
      %mul3A_1540 = arith.mulf %gather3A_1538, %gather3A_1539 : vector<16xf32>
      %mul3A_1541 = arith.mulf %mul3A_1540, %get3A_25 : vector<16xf32>
      %add3A_1542 = arith.addf %add3A_1531, %mul3A_1541 : vector<16xf32>
      %mul3A_1543 = arith.constant 16 : i32
      %mul3A_1544 = vector.broadcast %mul3A_1543 : i32 to vector<16xi32>
      %mul3A_1545 = arith.muli %iota3A, %mul3A_1544 : vector<16xi32>
      %add3A_1546 = arith.constant 6 : i32
      %add3A_1547 = vector.broadcast %add3A_1546 : i32 to vector<16xi32>
      %add3A_1548 = arith.addi %mul3A_1545, %add3A_1547 : vector<16xi32>
      %gather3A_1549 = tpu.vector_load_idx %arg10[%add3A_1548, %and3A_1470] : memref<256x128xf32, #tpu.memory_space<vmem>>[vector<16xi32>, vector<16xi32>], vector<16xf32>,
      %gather3A_1550 = tpu.vector_load_idx %arg11[%add3A_1548, %and3A_1477] : memref<256x128xf32, #tpu.memory_space<vmem>>[vector<16xi32>, vector<16xi32>], vector<16xf32>,
      %mul3A_1551 = arith.mulf %gather3A_1549, %gather3A_1550 : vector<16xf32>
      %mul3A_1552 = arith.mulf %mul3A_1551, %get3A_29 : vector<16xf32>
      %add3A_1553 = arith.addf %add3A_1542, %mul3A_1552 : vector<16xf32>
      %mul3A_1554 = arith.constant 16 : i32
      %mul3A_1555 = vector.broadcast %mul3A_1554 : i32 to vector<16xi32>
      %mul3A_1556 = arith.muli %iota3A, %mul3A_1555 : vector<16xi32>
      %add3A_1557 = arith.constant 7 : i32
      %add3A_1558 = vector.broadcast %add3A_1557 : i32 to vector<16xi32>
      %add3A_1559 = arith.addi %mul3A_1556, %add3A_1558 : vector<16xi32>
      %gather3A_1560 = tpu.vector_load_idx %arg10[%add3A_1559, %and3A_1470] : memref<256x128xf32, #tpu.memory_space<vmem>>[vector<16xi32>, vector<16xi32>], vector<16xf32>,
      %gather3A_1561 = tpu.vector_load_idx %arg11[%add3A_1559, %and3A_1477] : memref<256x128xf32, #tpu.memory_space<vmem>>[vector<16xi32>, vector<16xi32>], vector<16xf32>,
      %mul3A_1562 = arith.mulf %gather3A_1560, %gather3A_1561 : vector<16xf32>
      %mul3A_1563 = arith.mulf %mul3A_1562, %get3A_33 : vector<16xf32>
      %add3A_1564 = arith.addf %add3A_1553, %mul3A_1563 : vector<16xf32>
      %mul3A_1565 = arith.constant 16 : i32
      %mul3A_1566 = vector.broadcast %mul3A_1565 : i32 to vector<16xi32>
      %mul3A_1567 = arith.muli %iota3A, %mul3A_1566 : vector<16xi32>
      %add3A_1568 = arith.constant 8 : i32
      %add3A_1569 = vector.broadcast %add3A_1568 : i32 to vector<16xi32>
      %add3A_1570 = arith.addi %mul3A_1567, %add3A_1569 : vector<16xi32>
      %gather3A_1571 = tpu.vector_load_idx %arg10[%add3A_1570, %and3A_1470] : memref<256x128xf32, #tpu.memory_space<vmem>>[vector<16xi32>, vector<16xi32>], vector<16xf32>,
      %gather3A_1572 = tpu.vector_load_idx %arg11[%add3A_1570, %and3A_1477] : memref<256x128xf32, #tpu.memory_space<vmem>>[vector<16xi32>, vector<16xi32>], vector<16xf32>,
      %mul3A_1573 = arith.mulf %gather3A_1571, %gather3A_1572 : vector<16xf32>
      %mul3A_1574 = arith.mulf %mul3A_1573, %get3A_37 : vector<16xf32>
      %add3A_1575 = arith.addf %add3A_1564, %mul3A_1574 : vector<16xf32>
      %mul3A_1576 = arith.constant 16 : i32
      %mul3A_1577 = vector.broadcast %mul3A_1576 : i32 to vector<16xi32>
      %mul3A_1578 = arith.muli %iota3A, %mul3A_1577 : vector<16xi32>
      %add3A_1579 = arith.constant 9 : i32
      %add3A_1580 = vector.broadcast %add3A_1579 : i32 to vector<16xi32>
      %add3A_1581 = arith.addi %mul3A_1578, %add3A_1580 : vector<16xi32>
      %gather3A_1582 = tpu.vector_load_idx %arg10[%add3A_1581, %and3A_1470] : memref<256x128xf32, #tpu.memory_space<vmem>>[vector<16xi32>, vector<16xi32>], vector<16xf32>,
      %gather3A_1583 = tpu.vector_load_idx %arg11[%add3A_1581, %and3A_1477] : memref<256x128xf32, #tpu.memory_space<vmem>>[vector<16xi32>, vector<16xi32>], vector<16xf32>,
      %mul3A_1584 = arith.mulf %gather3A_1582, %gather3A_1583 : vector<16xf32>
      %mul3A_1585 = arith.mulf %mul3A_1584, %get3A_41 : vector<16xf32>
      %add3A_1586 = arith.addf %add3A_1575, %mul3A_1585 : vector<16xf32>
      %mul3A_1587 = arith.constant 16 : i32
      %mul3A_1588 = vector.broadcast %mul3A_1587 : i32 to vector<16xi32>
      %mul3A_1589 = arith.muli %iota3A, %mul3A_1588 : vector<16xi32>
      %add3A_1590 = arith.constant 10 : i32
      %add3A_1591 = vector.broadcast %add3A_1590 : i32 to vector<16xi32>
      %add3A_1592 = arith.addi %mul3A_1589, %add3A_1591 : vector<16xi32>
      %gather3A_1593 = tpu.vector_load_idx %arg10[%add3A_1592, %and3A_1470] : memref<256x128xf32, #tpu.memory_space<vmem>>[vector<16xi32>, vector<16xi32>], vector<16xf32>,
      %gather3A_1594 = tpu.vector_load_idx %arg11[%add3A_1592, %and3A_1477] : memref<256x128xf32, #tpu.memory_space<vmem>>[vector<16xi32>, vector<16xi32>], vector<16xf32>,
      %mul3A_1595 = arith.mulf %gather3A_1593, %gather3A_1594 : vector<16xf32>
      %mul3A_1596 = arith.mulf %mul3A_1595, %get3A_45 : vector<16xf32>
      %add3A_1597 = arith.addf %add3A_1586, %mul3A_1596 : vector<16xf32>
      %mul3A_1598 = arith.constant 16 : i32
      %mul3A_1599 = vector.broadcast %mul3A_1598 : i32 to vector<16xi32>
      %mul3A_1600 = arith.muli %iota3A, %mul3A_1599 : vector<16xi32>
      %add3A_1601 = arith.constant 11 : i32
      %add3A_1602 = vector.broadcast %add3A_1601 : i32 to vector<16xi32>
      %add3A_1603 = arith.addi %mul3A_1600, %add3A_1602 : vector<16xi32>
      %gather3A_1604 = tpu.vector_load_idx %arg10[%add3A_1603, %and3A_1470] : memref<256x128xf32, #tpu.memory_space<vmem>>[vector<16xi32>, vector<16xi32>], vector<16xf32>,
      %gather3A_1605 = tpu.vector_load_idx %arg11[%add3A_1603, %and3A_1477] : memref<256x128xf32, #tpu.memory_space<vmem>>[vector<16xi32>, vector<16xi32>], vector<16xf32>,
      %mul3A_1606 = arith.mulf %gather3A_1604, %gather3A_1605 : vector<16xf32>
      %mul3A_1607 = arith.mulf %mul3A_1606, %get3A_49 : vector<16xf32>
      %add3A_1608 = arith.addf %add3A_1597, %mul3A_1607 : vector<16xf32>
      %mul3A_1609 = arith.constant 16 : i32
      %mul3A_1610 = vector.broadcast %mul3A_1609 : i32 to vector<16xi32>
      %mul3A_1611 = arith.muli %iota3A, %mul3A_1610 : vector<16xi32>
      %add3A_1612 = arith.constant 12 : i32
      %add3A_1613 = vector.broadcast %add3A_1612 : i32 to vector<16xi32>
      %add3A_1614 = arith.addi %mul3A_1611, %add3A_1613 : vector<16xi32>
      %gather3A_1615 = tpu.vector_load_idx %arg10[%add3A_1614, %and3A_1470] : memref<256x128xf32, #tpu.memory_space<vmem>>[vector<16xi32>, vector<16xi32>], vector<16xf32>,
      %gather3A_1616 = tpu.vector_load_idx %arg11[%add3A_1614, %and3A_1477] : memref<256x128xf32, #tpu.memory_space<vmem>>[vector<16xi32>, vector<16xi32>], vector<16xf32>,
      %mul3A_1617 = arith.mulf %gather3A_1615, %gather3A_1616 : vector<16xf32>
      %mul3A_1618 = arith.mulf %mul3A_1617, %get3A_53 : vector<16xf32>
      %add3A_1619 = arith.addf %add3A_1608, %mul3A_1618 : vector<16xf32>
      %mul3A_1620 = arith.constant 16 : i32
      %mul3A_1621 = vector.broadcast %mul3A_1620 : i32 to vector<16xi32>
      %mul3A_1622 = arith.muli %iota3A, %mul3A_1621 : vector<16xi32>
      %add3A_1623 = arith.constant 13 : i32
      %add3A_1624 = vector.broadcast %add3A_1623 : i32 to vector<16xi32>
      %add3A_1625 = arith.addi %mul3A_1622, %add3A_1624 : vector<16xi32>
      %gather3A_1626 = tpu.vector_load_idx %arg10[%add3A_1625, %and3A_1470] : memref<256x128xf32, #tpu.memory_space<vmem>>[vector<16xi32>, vector<16xi32>], vector<16xf32>,
      %gather3A_1627 = tpu.vector_load_idx %arg11[%add3A_1625, %and3A_1477] : memref<256x128xf32, #tpu.memory_space<vmem>>[vector<16xi32>, vector<16xi32>], vector<16xf32>,
      %mul3A_1628 = arith.mulf %gather3A_1626, %gather3A_1627 : vector<16xf32>
      %mul3A_1629 = arith.mulf %mul3A_1628, %get3A_57 : vector<16xf32>
      %add3A_1630 = arith.addf %add3A_1619, %mul3A_1629 : vector<16xf32>
      %mul3A_1631 = arith.constant 16 : i32
      %mul3A_1632 = vector.broadcast %mul3A_1631 : i32 to vector<16xi32>
      %mul3A_1633 = arith.muli %iota3A, %mul3A_1632 : vector<16xi32>
      %add3A_1634 = arith.constant 14 : i32
      %add3A_1635 = vector.broadcast %add3A_1634 : i32 to vector<16xi32>
      %add3A_1636 = arith.addi %mul3A_1633, %add3A_1635 : vector<16xi32>
      %gather3A_1637 = tpu.vector_load_idx %arg10[%add3A_1636, %and3A_1470] : memref<256x128xf32, #tpu.memory_space<vmem>>[vector<16xi32>, vector<16xi32>], vector<16xf32>,
      %gather3A_1638 = tpu.vector_load_idx %arg11[%add3A_1636, %and3A_1477] : memref<256x128xf32, #tpu.memory_space<vmem>>[vector<16xi32>, vector<16xi32>], vector<16xf32>,
      %mul3A_1639 = arith.mulf %gather3A_1637, %gather3A_1638 : vector<16xf32>
      %mul3A_1640 = arith.mulf %mul3A_1639, %get3A_61 : vector<16xf32>
      %add3A_1641 = arith.addf %add3A_1630, %mul3A_1640 : vector<16xf32>
      %mul3A_1642 = arith.constant 16 : i32
      %mul3A_1643 = vector.broadcast %mul3A_1642 : i32 to vector<16xi32>
      %mul3A_1644 = arith.muli %iota3A, %mul3A_1643 : vector<16xi32>
      %add3A_1645 = arith.constant 15 : i32
      %add3A_1646 = vector.broadcast %add3A_1645 : i32 to vector<16xi32>
      %add3A_1647 = arith.addi %mul3A_1644, %add3A_1646 : vector<16xi32>
      %gather3A_1648 = tpu.vector_load_idx %arg10[%add3A_1647, %and3A_1470] : memref<256x128xf32, #tpu.memory_space<vmem>>[vector<16xi32>, vector<16xi32>], vector<16xf32>,
      %gather3A_1649 = tpu.vector_load_idx %arg11[%add3A_1647, %and3A_1477] : memref<256x128xf32, #tpu.memory_space<vmem>>[vector<16xi32>, vector<16xi32>], vector<16xf32>,
      %mul3A_1650 = arith.mulf %gather3A_1648, %gather3A_1649 : vector<16xf32>
      %mul3A_1651 = arith.mulf %mul3A_1650, %get3A_65 : vector<16xf32>
      %add3A_1652 = arith.addf %add3A_1641, %mul3A_1651 : vector<16xf32>
      %max3A = arith.constant 0.000000e+00 : f32
      %max3A_1653 = vector.broadcast %max3A : f32 to vector<16xf32>
      %max3A_1654 = arith.maximumf %add3A_1652, %max3A_1653 : vector<16xf32>
      %mul3A_1655 = arith.constant 16 : i32
      %mul3A_1656 = arith.muli %scan3A_75, %mul3A_1655 : i32
      %swap3A = arith.index_cast %mul3A_1656 : i32 to index
      %swap3A_1657 = tpu.vector_load %arg12[%swap3A] {strides = array<i32>} : memref<512xf32, #tpu.memory_space<vmem>>, vector<16xf32>,
      tpu.vector_store %arg12[%swap3A], %max3A_1654 {strides = array<i32>} : memref<512xf32, #tpu.memory_space<vmem>>, vector<16xf32>,
    }
    %scan3A_74 = arith.constant 32 : i32
    "tpu.region"() ({
      %run_scoped3A = tpu.sem_alloc : memref<!tpu.dma_semaphore, #tpu.memory_space<semaphore_mem>>
      %dma_start3A = tpu.memref_slice %arg7[%mul3A_2] : memref<16384xf32, #tpu.memory_space<hbm>> -> memref<512xf32, #tpu.memory_space<hbm>>
      %dma_start3A_75 = tpu.memref_slice %arg7[%mul3A_2] : memref<16384xf32, #tpu.memory_space<hbm>> -> memref<512xf32, #tpu.memory_space<hbm>>
      tpu.enqueue_dma source(%arg12 : memref<512xf32, #tpu.memory_space<vmem>>) target(%dma_start3A_75 : memref<512xf32, #tpu.memory_space<hbm>>) target_semaphore(%run_scoped3A : memref<!tpu.dma_semaphore, #tpu.memory_space<semaphore_mem>>)
      %dma_wait3A = tpu.memref_slice %arg7[%mul3A_2] : memref<16384xf32, #tpu.memory_space<hbm>> -> memref<512xf32, #tpu.memory_space<hbm>>
      %dma_wait3A_76 = tpu.memref_slice %arg7[%mul3A_2] : memref<16384xf32, #tpu.memory_space<hbm>> -> memref<512xf32, #tpu.memory_space<hbm>>
      tpu.wait_dma2 semaphore(%run_scoped3A : memref<!tpu.dma_semaphore, #tpu.memory_space<semaphore_mem>>) src(%arg12 : memref<512xf32, #tpu.memory_space<vmem>>) dst(%dma_wait3A_76 : memref<512xf32, #tpu.memory_space<hbm>>)
      tpu.yield
    }) : () -> ()
    return
  }
}

</mosaic_0001>

<sc_bundles>
// kernel: kernel.3.cloned.1.call-start
scs
__scs_entry_jumppad:
0x0: {  	(pc) =	sbr.rel $0x88, $3  }
0x1: {  	(tag) =	ssettag $0x0;
	lr =	simm.s32 $0x1  }
0x2: {  	[smem:$0x3F9B] =	sst lr;
	_ =	strace $0xD0000000  }
0x3: {  	_ = 	snop  }
0x4: {  	_ = 	snop  }
0x5: {  	_ = 	snop  }
0x6: {  	_ = 	snop  }
0x7: {  	_ = 	snop  }
__scs_overlays_trampoline_lowered:
0x8: {  	[smem:$0x3FAA] =	sst s0  }
0x9: {  	[smem:$0x3FAB] =	sst s1  }
0xa: {  	[smem:$0x3FAC] =	sst s2  }
0xb: {  	[smem:$0x3FAD] =	sst s3  }
0xc: {  	[smem:$0x3FAE] =	sst s4  }
0xd: {  	[smem:$0x3FAF] =	sst s5  }
0xe: {  	[smem:$0x3FB0] =	sst s6  }
0xf: {  	[smem:$0x3FB1] =	sst s7  }
0x10: {  	[smem:$0x3FB2] =	sst s8  }
0x11: {  	[smem:$0x3FB3] =	sst s9;
	s0 =	simm.s32 @!p0 $0x0  }
0x12: {  	s1 =	sld [smem:$0x3F99];
	s0 =	simm.s32 @p0 $0x1  }
0x13: {  	[smem:$0x3FB4] =	sst s0;
	s0 =	simm.s32 @!p1 $0x0  }
0x14: {  	s2 =	sld [smem:$0x3F98];
	s0 =	simm.s32 @p1 $0x1  }
0x15: {  	[smem:$0x3FB5] =	sst s0;
	s0 =	simm.s32 @!p2 $0x0  }
0x16: {  	s3 =	sld [smem:$0x3FDB];
	s0 =	simm.s32 @p2 $0x1  }
0x17: {  	s4 =	simm.s32 $0x1BF5;
	[smem:$0x3FB7] =	sst s0  }
0x18: {  	s0 =	sld [smem:$0x3F9A];
	_ =	swait.ge [sflag:s4], $0x0  }
0x19: {  	s7 =	sld [smem:$0x3F9B]  }
0x1a: {  	s8 =	sadd.s32 $0xFFFFE003, lr  }
0x1b: {  	s9 =	sadd.s32 $0xFFFFFEF7, lr;
	s5 =	simm.s32 $0xFFFFFFFF;
	p2 =	slt.u32 s8, $0xFFFFF086  }
0x1c: {  	p1 =	slt.u32 s9, $0xF7A;
	s5 =	simm.s32 @!p2 $0x0  }
0x1d: {  	s5 =	simm.s32 @p1 $0x1;
	p0 =	seq.s32 s7, s2  }
0x1e: {  	s7 =	smul.u32 @!p0 $0xF7A, s2;
	p2 =	seq.s32 @!p0 s5, $0x0  }
0x1f: {  	s9 =	smul.u32 $0xF7A, s1;
	s8 =	simm.s32 @!p0 $0x1BF5;
	p2 =	por !p2, p0  }
0x20: {  	[sflag:s8] =	ssyncset.s32 @!p0 $0xFFFFF086;
	s6 =	sadd.s32 @!p0 s3, s7;
	s7 =	simm.s32 @!p0 $0x108  }
0x21: {  	s3 =	sadd.s32 s3, s9;
	s6 =	sadd.s32 @!p0 $0x88, s6;
	s7 =	simm.s32 @p2 $0x1082  }
0x22: {  	[simem:s7], [sflag:s8] =	dma.local @!p0 [hbm:s6], $0xF7A  }
0x23: {  	s9 =	sor.u32 $0xD0000000, s2;
	s6 =	simm.s32 $0x108;
	_ =	swait.ge @!p0 [sflag:s8], $0x0  }
0x24: {  	s3 =	sadd.s32 $0x88, s3;
	s6 =	simm.s32 @!p1 $0x1082;
	[sflag:s4] =	ssyncset.s32 $0xFFFFF086  }
0x25: {  	[simem:s6], [sflag:s4] =	dma.local [hbm:s3], $0xF7A  }
0x26: {  	[smem:$0x3F9B] =	sst s1;
	(tag) =	ssettag s2;
	_ =	strace s9  }
0x27: {  	s1 =	sld [smem:$0x3FAB]  }
0x28: {  	s2 =	sld [smem:$0x3FAC]  }
0x29: {  	s4 =	sld [smem:$0x3FAE]  }
0x2a: {  	p0 =	seq.s32 s5, $0x0;
	s5 =	sld [smem:$0x3FAF]  }
0x2b: {  	s6 =	sld [smem:$0x3FB0]  }
0x2c: {  	s7 =	sld [smem:$0x3FB1]  }
0x2d: {  	s3 =	simm.s32 $0x108;
	s8 =	sld [smem:$0x3FB2]  }
0x2e: {  	s3 =	simm.s32 @!p0 $0x1082;
	s9 =	sld [smem:$0x3FB3]  }
0x2f: {  	lr =	sadd.s32 s0, s3;
	s0 =	sld [smem:$0x3FAA]  }
0x30: {  	s3 =	sld [smem:$0x3FAD]  }
0x31: {  	[smem:$0x3FB6] =	sst s10  }
0x32: {  	s10 =	sld [smem:$0x3FB4];
	_ =	sdelay $0x3  }
0x33: {  	p0 =	seq.s32 s10, $0x1;
	s10 =	sld [smem:$0x3FB6];
	_ =	sdelay $0x3  }
0x34: {  	[smem:$0x3FB6] =	sst s10  }
0x35: {  	s10 =	sld [smem:$0x3FB5];
	_ =	sdelay $0x3  }
0x36: {  	p1 =	seq.s32 s10, $0x1;
	s10 =	sld [smem:$0x3FB6];
	_ =	sdelay $0x3  }
0x37: {  	[smem:$0x3FB6] =	sst s10  }
0x38: {  	s10 =	sld [smem:$0x3FB7]  }
0x39: {  	_ = 	snop;
	(pc) =	sbr.ind lr, $3  }
0x3a: {  	_ = 	snop  }
0x3b: {  	_ = 	snop  }
0x3c: {  	p2 =	seq.s32 s10, $0x1;
	s10 =	sld [smem:$0x3FB6]  }
0x3d: {  	_ =	shalt  }
0x3e: {  	_ =	shalt  }
0x3f: {  	_ =	shalt  }
0x40: {  	_ =	shalt  }
0x41: {  	_ =	shalt  }
0x42: {  	_ =	shalt  }
0x43: {  	_ =	shalt  }
0x44: {  	_ =	shalt  }
0x45: {  	_ =	shalt  }
0x46: {  	_ =	shalt  }
0x47: {  	_ =	shalt  }
0x48: {  	_ =	shalt  }
0x49: {  	_ =	shalt  }
0x4a: {  	_ =	shalt  }
0x4b: {  	_ =	shalt  }
0x4c: {  	_ =	shalt  }
0x4d: {  	_ =	shalt  }
0x4e: {  	_ =	shalt  }
0x4f: {  	_ =	shalt  }
0x50: {  	_ =	shalt  }
0x51: {  	_ =	shalt  }
0x52: {  	_ =	shalt  }
0x53: {  	_ =	shalt  }
0x54: {  	_ =	shalt  }
0x55: {  	_ =	shalt  }
0x56: {  	_ =	shalt  }
0x57: {  	_ =	shalt  }
0x58: {  	_ =	shalt  }
0x59: {  	_ =	shalt  }
0x5a: {  	_ =	shalt  }
0x5b: {  	_ =	shalt  }
0x5c: {  	_ =	shalt  }
0x5d: {  	_ =	shalt  }
0x5e: {  	_ =	shalt  }
0x5f: {  	_ =	shalt  }
0x60: {  	_ =	shalt  }
0x61: {  	_ =	shalt  }
0x62: {  	_ =	shalt  }
0x63: {  	_ =	shalt  }
0x64: {  	_ =	shalt  }
0x65: {  	_ =	shalt  }
0x66: {  	_ =	shalt  }
0x67: {  	_ =	shalt  }
0x68: {  	_ =	shalt  }
0x69: {  	_ =	shalt  }
0x6a: {  	_ =	shalt  }
0x6b: {  	_ =	shalt  }
0x6c: {  	_ =	shalt  }
0x6d: {  	_ =	shalt  }
0x6e: {  	_ =	shalt  }
0x6f: {  	_ =	shalt  }
0x70: {  	_ =	shalt  }
0x71: {  	_ =	shalt  }
0x72: {  	_ =	shalt  }
0x73: {  	_ =	shalt  }
0x74: {  	_ =	shalt  }
0x75: {  	_ =	shalt  }
0x76: {  	_ =	shalt  }
0x77: {  	_ =	shalt  }
0x78: {  	_ =	shalt  }
0x79: {  	_ =	shalt  }
0x7a: {  	_ =	shalt  }
0x7b: {  	_ =	shalt  }
0x7c: {  	_ =	shalt  }
0x7d: {  	_ =	shalt  }
0x7e: {  	_ =	shalt  }
0x7f: {  	_ =	shalt  }
0x80: {  	_ =	shalt  }
0x81: {  	_ =	shalt  }
0x82: {  	_ =	shalt  }
0x83: {  	_ =	shalt  }
0x84: {  	_ =	shalt  }
0x85: {  	_ =	shalt  }
0x86: {  	_ =	shalt  }
0x87: {  	_ =	shalt  }
.Lfunc_end0:
.L_simem_size_0:
called_computation_lowered:
.L_overlay_start_0:
0x88: {  	s2 =	sld [smem:$0x3FD9]  }
0x89: {  	s3 =	sld [smem:$0x3FFE];
	_ =	sdelay $0x1  }
0x8a: {  	s1 =	srdreg.scid  }
0x8b: {  	s0 =	sand.u32 $0x1, s1  }
0x8c: {  	s17 =	sshll.u32 s0, $0xA;
	s2 =	sadd.s32 s3, s2  }
0x8d: {  	s2 =	sadd.s32 s2, s17  }
0x8e: {  	[smem:$0x3FC2] =	sst s2  }
0x8f: {  	_ = 	snop  }
0x90: {  	s2 =	sld [smem:$0x3FC9]  }
0x91: {  	s18 =	sld [smem:$0x3FC8]  }
0x92: {  	s4 =	sld [smem:$0x3FC7]  }
0x93: {  	s5 =	sld [smem:$0x3FC6]  }
0x94: {  	s6 =	sld [smem:$0x3FD0];
	(tm) =	ssettm $0x1  }
0x95: {  	s7 =	sld [smem:$0x3FFB];
	_ =	sdelay $0x3  }
0x96: {  	_ =	strace s7  }
0x97: {  	s7 =	sld [smem:$0x3FFC];
	_ =	sdelay $0x3  }
0x98: {  	_ =	strace s7  }
0x99: {  	s7 =	sld [smem:$0x3FFD];
	_ =	sdelay $0x3  }
0x9a: {  	_ =	strace s7  }
0x9b: {  	_ =	strace $0x8FFFFFFF  }
0x9c: {  	s19 =	sld [smem:$0x3FDB];
	_ =	sdelay $0x1  }
0x9d: {  	s8 =	simm.s32 $_scs_section_size  }
0x9e: {  	s9 =	simm.s32 $_size__tile_overlayer_lowered;
	s10 =	simm.s32 $_tile_overlayer_lowered  }
0x9f: {  	s22 =	simm.s32 $0x1BFF;
	s21 =	sshll.u32 s10, $0x1;
	s7 =	sadd.s32 s8, s19  }
0xa0: {  	s11 =	simm.s32 $0x0;
	s20 =	sshll.u32 s9, $0x1;
	s9 =	sadd.s32 s21, s7  }
0xa1: {  	[timem:s11], [sflag:s22] =	dma.local [hbm:s9], s20  }
0xa2: {  	_ =	swait.ge [sflag:s22], s20  }
0xa3: {  	s8 =	ssub.s32 $0x0, s20;
	[sflag:s22] =	ssyncset.done $0x0  }
0xa4: {  	[sflag:s22] =	ssyncadd.s32 s8;
	_ =	sdelay $0x1  }
0xa5: {  	s23 =	simm.s32 $0x1B8B  }
0xa6: {  	_ =	swait.ge [sflag:s23], $0x1  }
0xa7: {  	[sflag:s23] =	ssyncset.done $0x0  }
0xa8: {  	s25 =	simm.s32 $0x1B8E;
	s24 =	sld [smem:$0x3FFE];
	[sflag:s23] =	ssyncadd.s32 $0xFFFFFFFF  }
0xa9: {  	s26 =	simm.s32 $execute0_lowered;
	[smem:$0x3FD2] =	sst s25  }
0xaa: {  	s9 =	sshll.u32 s26, $0x1;
	_ =	strace $0x80000046;
	[dreg:$0x1] =	wrdreg $0xFFFFFFFF  }
0xab: {  	s28 =	simm.s32 $_size_execute0_lowered;
	s7 =	sadd.s32 s7, s9;
	[dreg:$0x0] =	wrdreg $0x0  }
0xac: {  	s9 =	sshll.u32 s28, $0x1;
	[dreg:$0x2] =	wrdreg s7  }
0xad: {  	[dreg:$0x3] =	wrdreg s9  }
0xae: {  	[dreg:$0x4] =	wrdreg $0xC0  }
0xaf: {  	_ =	task [dreg:s11], $0x5FFFF  }
0xb0: {  	[dreg:$0x1] =	wrdreg $0xFFFFFFFF  }
0xb1: {  	[dreg:$0x0] =	wrdreg $0x60  }
0xb2: {  	[dreg:$0x2] =	wrdreg s2  }
0xb3: {  	[dreg:$0x3] =	wrdreg s18  }
0xb4: {  	[dreg:$0x4] =	wrdreg s4  }
0xb5: {  	[dreg:$0x5] =	wrdreg s5  }
0xb6: {  	[dreg:$0x6] =	wrdreg s24  }
0xb7: {  	[dreg:$0x7] =	wrdreg s6  }
0xb8: {  	[dreg:$0x8] =	wrdreg $0x9  }
0xb9: {  	_ =	task.clear_ibuf [dreg:s11], $0x9FFFF;
	_ =	strace $0x90000046  }
0xba: {  	s29 =	simm.s32 $0x9;
	_ =	strace $0x80000048  }
0xbb: {  	_ =	swait.ge [sflag:s29], $0x1  }
0xbc: {  	[sflag:s29] =	ssyncadd.s32 $0xFFFFFFFF  }
0xbd: {  	_ =	strace $0x90000048  }
0xbe: {  	_ =	sfence  }
0xbf: {  	s30 =	sld [smem:$0x0];
	_ =	sdelay $0x2  }
0xc0: {  	s31 =	sshll.u32 s1, $0xD;
	s1 =	sshrl.u32 s1, $0x2  }
0xc1: {  	s3 =	sand.u32 $0x4000, s31;
	s1 =	sadd.s32 s1, s30  }
0xc2: {  	s0 =	sor.u32 s3, s0;
	s1 =	sshll.u32 s1, $0x11  }
0xc3: {  	s0 =	sor.u32 s1, s0  }
0xc4: {  	s0 =	sadd.s32 $0x8F2B, s0  }
0xc5: {  	[sflag:s0] =	ssyncadd.remote.s32 $0x1  }
0xc6: {  	_ =	sfence.sel $0xFFFF  }
0xc7: {  	[dreg:$0x0] =	wrdreg $0xFFFFFFFF;
	(pc) =	sbr.abs _section_cstart, $3  }
0xc8: {  	[dreg:$0x1] =	wrdreg $0xFFFFFFFF  }
0xc9: {  	_ =	task.clear_ibuf [dreg:s11], $0x2FFFF;
	_ =	strace $0x9FFFFFFF  }
0xca: {  	(tm) =	ssettm $0x7FFFFFFF  }
0xcb: {  	_ =	shalt  }
tec
execute0_lowered:
.L_overlay_start_1:
0x0: {  	(tag) =	ssettag $0x1  }
0x1: {  	s6 =	rddreg [dreg:$0x0]  }
0x2: {  	s7 =	rddreg [dreg:$0x1]  }
0x3: {  	s1 =	rddreg [dreg:$0x2]  }
0x4: {  	s2 =	rddreg [dreg:$0x3]  }
0x5: {  	s4 =	rddreg [dreg:$0x4]  }
0x6: {  	s10 =	rddreg [dreg:$0x5]  }
0x7: {  	s0 =	rddreg [dreg:$0x6];
	s3 =	simm.s32 $0x0  }
0x8: {  	s5 =	simm.s32 $0x800;
	[smem:$0x7FF] =	sst s3  }
0x9: {  	s18 =	simm.s32 $0x8800;
	_ =	strace $0x80000047;
	[dreg:$0x7] =	wrdreg s5  }
0xa: {  	s19 =	simm.s32 $0xC00;
	[dreg:$0x8] =	wrdreg s18  }
0xb: {  	s20 =	simm.s32 $0x8C00;
	[dreg:$0x9] =	wrdreg s19  }
0xc: {  	s21 =	simm.s32 $0x1000;
	[dreg:$0xa] =	wrdreg s20  }
0xd: {  	s22 =	simm.s32 $0x9000;
	[dreg:$0xb] =	wrdreg s21  }
0xe: {  	s23 =	simm.s32 $0x1400;
	[dreg:$0xc] =	wrdreg s22  }
0xf: {  	s24 =	simm.s32 $0x9400;
	[dreg:$0xd] =	wrdreg s23  }
0x10: {  	s25 =	simm.s32 $0x1800;
	[dreg:$0xe] =	wrdreg s24  }
0x11: {  	s26 =	simm.s32 $0x9800;
	[dreg:$0xf] =	wrdreg s25  }
0x12: {  	s28 =	simm.s32 $0x1C00;
	[dreg:$0x10] =	wrdreg s26  }
0x13: {  	s29 =	simm.s32 $0x9C00;
	[dreg:$0x11] =	wrdreg s28  }
0x14: {  	s30 =	simm.s32 $0x2000;
	[dreg:$0x12] =	wrdreg s29  }
0x15: {  	s31 =	simm.s32 $0xA000;
	[dreg:$0x13] =	wrdreg s30  }
0x16: {  	s8 =	simm.s32 $0x2400;
	[dreg:$0x14] =	wrdreg s31  }
0x17: {  	s9 =	simm.s32 $0xA400;
	[dreg:$0x15] =	wrdreg s8  }
0x18: {  	s11 =	simm.s32 $0x2800;
	[dreg:$0x16] =	wrdreg s9  }
0x19: {  	s12 =	simm.s32 $0xA800;
	[dreg:$0x17] =	wrdreg s11  }
0x1a: {  	s13 =	simm.s32 $0x2C00;
	[dreg:$0x18] =	wrdreg s12  }
0x1b: {  	s14 =	simm.s32 $0xAC00;
	[dreg:$0x19] =	wrdreg s13  }
0x1c: {  	s15 =	simm.s32 $0x3000;
	[dreg:$0x1a] =	wrdreg s14  }
0x1d: {  	s16 =	simm.s32 $0xB000;
	[dreg:$0x1b] =	wrdreg s15  }
0x1e: {  	s17 =	simm.s32 $0x3400;
	[dreg:$0x1c] =	wrdreg s16  }
0x1f: {  	[dreg:$0x1d] =	wrdreg s17;
	s18 =	simm.s32 $0xB400  }
0x20: {  	s19 =	simm.s32 $0x3800;
	[dreg:$0x1e] =	wrdreg s18  }
0x21: {  	s20 =	simm.s32 $0xB800;
	[dreg:$0x1f] =	wrdreg s19  }
0x22: {  	s21 =	simm.s32 $0x3C00;
	[smem:$0x7D9] =	sst s20  }
0x23: {  	s22 =	simm.s32 $0xBC00;
	[smem:$0x7DA] =	sst s21  }
0x24: {  	s23 =	simm.s32 $0x4000;
	[smem:$0x7DB] =	sst s22  }
0x25: {  	s24 =	simm.s32 $0xC000;
	[smem:$0x7DC] =	sst s23  }
0x26: {  	s25 =	simm.s32 $0x4400;
	[smem:$0x7DD] =	sst s24  }
0x27: {  	s26 =	simm.s32 $0xC400;
	[smem:$0x7DE] =	sst s25  }
0x28: {  	s28 =	simm.s32 $0x4800;
	[smem:$0x7DF] =	sst s26  }
0x29: {  	s29 =	simm.s32 $0xC800;
	[smem:$0x7E0] =	sst s28  }
0x2a: {  	s30 =	simm.s32 $0x4C00;
	[smem:$0x7E1] =	sst s29  }
0x2b: {  	s31 =	simm.s32 $0xCC00;
	[smem:$0x7E2] =	sst s30  }
0x2c: {  	s8 =	simm.s32 $0x5000;
	[smem:$0x7E3] =	sst s31  }
0x2d: {  	s9 =	simm.s32 $0xD000;
	[smem:$0x7E4] =	sst s8  }
0x2e: {  	s11 =	simm.s32 $0x5400;
	[smem:$0x7E5] =	sst s9  }
0x2f: {  	s12 =	simm.s32 $0xD400;
	[smem:$0x7E6] =	sst s11  }
0x30: {  	s13 =	simm.s32 $0x5800;
	[smem:$0x7E7] =	sst s12  }
0x31: {  	s14 =	simm.s32 $0xD800;
	[smem:$0x7E8] =	sst s13  }
0x32: {  	s15 =	simm.s32 $0x5C00;
	[smem:$0x7E9] =	sst s14  }
0x33: {  	s16 =	simm.s32 $0xDC00;
	[smem:$0x7EA] =	sst s15  }
0x34: {  	s17 =	simm.s32 $0xE000;
	[smem:$0x7EB] =	sst s16  }
0x35: {  	s9 =	simm.s32 $0x6000;
	[smem:$0x7ED] =	sst s17  }
0x36: {  	s18 =	simm.s32 $0x6400;
	[smem:$0x7EC] =	sst s9  }
0x37: {  	s19 =	simm.s32 $0xE400;
	[smem:$0x7EE] =	sst s18  }
0x38: {  	s20 =	simm.s32 $0x6800;
	[smem:$0x7EF] =	sst s19  }
0x39: {  	s21 =	simm.s32 $0xE800;
	[smem:$0x7F0] =	sst s20  }
0x3a: {  	s23 =	simm.s32 $0x6C00;
	[smem:$0x7F1] =	sst s21  }
0x3b: {  	s24 =	simm.s32 $0xEC00;
	[smem:$0x7F2] =	sst s23  }
0x3c: {  	s4 =	sadd.s32 $0x400, s4;
	s25 =	simm.s32 $0x7000;
	[smem:$0x7F3] =	sst s24  }
0x3d: {  	s5 =	stileid.u32;
	s26 =	simm.s32 $0xF000;
	[smem:$0x7F4] =	sst s25  }
0x3e: {  	s8 =	srdreg.scid;
	s28 =	simm.s32 $0x7400;
	[smem:$0x7F5] =	sst s26  }
0x3f: {  	s22 =	sshll.u32 s5, $0x7;
	s13 =	simm.s32 $0xF400;
	[smem:$0x7F6] =	sst s28  }
0x40: {  	s29 =	simm.s32 $0x7800;
	s30 =	simm.s32 $0xF800;
	[smem:$0x7F7] =	sst s13  }
0x41: {  	s31 =	simm.s32 $0x7C00;
	s14 =	simm.s32 $0xFC00;
	[smem:$0x7F8] =	sst s29  }
0x42: {  	s15 =	simm.s32 $0x8000;
	s17 =	simm.s32 $0x10000;
	[smem:$0x7F9] =	sst s30  }
0x43: {  	v0 =	vlaneseq.u32;
	s16 =	simm.s32 $0x8400;
	s8 =	sand.u32 $0x1, s8;
	[smem:$0x7FA] =	sst s31  }
0x44: {  	v0 =	vmul.u32 $0x800, v0;
	s9 =	sadd.s32 $0xF4280, s2;
	s13 =	simm.s32 $0x200;
	[smem:$0x7FB] =	sst s14  }
0x45: {  	s14 =	simm.s32 $0x10600;
	[smem:$0x7FC] =	sst s15;
	s15 =	simm.s32 $0x400  }
0x46: {  	v1 =	vor.u32 $0x80, v0;
	v2 =	vor.u32 $0x100, v0;
	v3 =	vor.u32 $0x180, v0;
	[smem:$0x7FD] =	sst s17;
	s17 =	simm.s32 $0x1;
	s11 =	ssub.s32 $0x2, s8  }
0x47: {  	v4 =	vor.u32 $0x200, v0;
	v5 =	vor.u32 $0x280, v0;
	v6 =	vor.u32 $0x300, v0;
	s18 =	simm.s32 $0x10400;
	s8 =	sshll.u32 s8, $0x6;
	s12 =	sshrl.u32 s11, $0x1  }
0x48: {  	v7 =	vor.u32 $0x380, v0;
	v8 =	vor.u32 $0x400, v0;
	v9 =	vor.u32 $0x480, v0;
	s19 =	simm.s32 $0x0;
	s11 =	ssub.s32 s11, s12;
	s12 =	sor.u32 s8, s22  }
0x49: {  	v10 =	vor.u32 $0x500, v0;
	v11 =	vor.u32 $0x580, v0;
	v12 =	vor.u32 $0x600, v0;
	s8 =	sadd.s32 $0xF4280, s1;
	s6 =	sadd.s32 s6, s12;
	s7 =	sadd.s32 s7, s12  }
0x4a: {  	v13 =	vor.u32 $0x680, v0;
	v14 =	vor.u32 $0x700, v0;
	v15 =	vor.u32 $0x780, v0;
	s10 =	sadd.s32 s10, s12;
	s11 =	smax.u32 s11, $0x1;
	s12 =	simm.s32 $0x2  }
.LBB2_1:
0x4b: {  	[tilespmem:s3], [sflag:$0x2] =	stream.linear.gather [hbm4b:s6+s3], $0x200, $0x38;
	[tilespmem:$0x11200] =	vst v63  }
0x4c: {  	_ =	swait.ge [sflag:s12], $0x200  }
0x4d: {  	[sflag:s12] =	ssyncset.done $0x0  }
0x4e: {  	[sflag:s12] =	ssyncadd.s32 $0xFFFFFE00  }
0x4f: {  	[tilespmem:s13], [sflag:$0x2] =	stream.linear.gather [hbm4b:s7+s3], $0x200, $0x38;
	[tilespmem:$0x11200] =	vst v63  }
0x50: {  	_ =	swait.ge [sflag:s12], $0x200  }
0x51: {  	[sflag:s12] =	ssyncset.done $0x0  }
0x52: {  	[sflag:s12] =	ssyncadd.s32 $0xFFFFFE00  }
0x53: {  	[tilespmem:s14], [sflag:$0x2] =	stream.linear.gather [hbm4b:s4+s3], $0xC00, $0x38;
	[tilespmem:$0x11200] =	vst v63  }
0x54: {  	_ =	swait.ge [sflag:s12], $0xC00  }
0x55: {  	[sflag:s12] =	ssyncset.done $0x0  }
0x56: {  	[sflag:s12] =	ssyncadd.s32 $0xFFFFF400  }
0x57: {  	v16 =	vld [tilespmem:$0x10600]  }
0x58: {  	v17 =	vld [tilespmem:$0x10680]  }
0x59: {  	v18 =	vld [tilespmem:$0x10700]  }
0x5a: {  	v19 =	vld [tilespmem:$0x10780]  }
0x5b: {  	v20 =	vld [tilespmem:$0x10800]  }
0x5c: {  	v21 =	vld [tilespmem:$0x10880]  }
0x5d: {  	v22 =	vld [tilespmem:$0x10900]  }
0x5e: {  	v23 =	vld [tilespmem:$0x10980]  }
0x5f: {  	v24 =	vld [tilespmem:$0x10A00]  }
0x60: {  	v25 =	vld [tilespmem:$0x10A80]  }
0x61: {  	v26 =	vld [tilespmem:$0x10B00]  }
0x62: {  	v27 =	vld [tilespmem:$0x10B80]  }
0x63: {  	v28 =	vld [tilespmem:$0x10C00]  }
0x64: {  	v29 =	vld [tilespmem:$0x10C80]  }
0x65: {  	v30 =	vld [tilespmem:$0x10D00]  }
0x66: {  	v31 =	vld [tilespmem:$0x10D80]  }
0x67: {  	s20 =	simm.s32 $0x0;
	v32 =	vld [tilespmem:$0x10E00]  }
.LBB2_2:
0x68: {  	s21 =	sshra.s32 s20, $0x2  }
0x69: {  	v33 =	vld [tilespmem:s21+$0x0]  }
0x6a: {  	v35 =	vld [tilespmem:s21+$0x200];
	_ =	sdelay $0x3  }
0x6b: {  	v34 =	vand.u32 $0xFFFFFF80, v33  }
0x6c: {  	v49 =	vand.u32 $0xFFFFFF80, v35;
	(v2sf) =	vpush v34, $0x0  }
0x6d: {  	(v2sf) =	vpush v49, $0x0;
	_ =	sdelay $0x5  }
0x6e: {  	(v2sf) =	vpush v34, $0x1;
	_ =	sdelay $0x1  }
0x6f: {  	(v2sf) =	vpush v49, $0x1;
	_ =	sdelay $0x5  }
0x70: {  	s22 =	spop (v2sf);
	(v2sf) =	vpush v34, $0x2  }
0x71: {  	s23 =	spop (v2sf);
	s24 =	sadd.s32 s1, s22  }
0x72: {  	(v2sf) =	vpush v49, $0x2;
	[tilespmem:s15], [sflag:$0x1] =	stream.linear.gather [hbm4b:s24+s3], $0x400, $0x38;
	[tilespmem:$0x11200] =	vst v63  }
0x73: {  	s25 =	rddreg [dreg:$0x7];
	s31 =	sadd.s32 s2, s23  }
0x74: {  	[tilespmem:s16], [sflag:$0x1] =	stream.linear.gather [hbm4b:s31+s3], $0x400, $0x38;
	[tilespmem:$0x11200] =	vst v63  }
0x75: {  	s26 =	rddreg [dreg:$0x8];
	s22 =	sadd.s32 s22, s8  }
0x76: {  	[tilespmem:s25], [sflag:$0x1] =	stream.linear.gather [hbm4b:s22+s3], $0x400, $0x38;
	[tilespmem:$0x11200] =	vst v63  }
0x77: {  	s29 =	rddreg [dreg:$0x9];
	s28 =	sadd.s32 s23, s9;
	s30 =	spop (v2sf)  }
0x78: {  	(v2sf) =	vpush v34, $0x3;
	[tilespmem:s26], [sflag:$0x1] =	stream.linear.gather [hbm4b:s28+s3], $0x400, $0x38;
	[tilespmem:$0x11200] =	vst v63  }
0x79: {  	s24 =	spop (v2sf);
	s31 =	sadd.s32 s1, s30;
	s26 =	rddreg [dreg:$0xa]  }
0x7a: {  	(v2sf) =	vpush v49, $0x3;
	[tilespmem:s29], [sflag:$0x1] =	stream.linear.gather [hbm4b:s31+s3], $0x400, $0x38;
	[tilespmem:$0x11200] =	vst v63  }
0x7b: {  	s28 =	sadd.s32 s2, s24;
	s29 =	rddreg [dreg:$0xb]  }
0x7c: {  	[tilespmem:s26], [sflag:$0x1] =	stream.linear.gather [hbm4b:s28+s3], $0x400, $0x38;
	[tilespmem:$0x11200] =	vst v63  }
0x7d: {  	s30 =	sadd.s32 s30, s8;
	s31 =	rddreg [dreg:$0xc]  }
0x7e: {  	[tilespmem:s29], [sflag:$0x1] =	stream.linear.gather [hbm4b:s30+s3], $0x400, $0x38;
	[tilespmem:$0x11200] =	vst v63  }
0x7f: {  	s25 =	sadd.s32 s24, s9;
	s26 =	rddreg [dreg:$0xd];
	s23 =	spop (v2sf)  }
0x80: {  	(v2sf) =	vpush v34, $0x4;
	[tilespmem:s31], [sflag:$0x1] =	stream.linear.gather [hbm4b:s25+s3], $0x400, $0x38;
	[tilespmem:$0x11200] =	vst v63  }
0x81: {  	s29 =	rddreg [dreg:$0xe];
	s24 =	spop (v2sf);
	s28 =	sadd.s32 s1, s23  }
0x82: {  	(v2sf) =	vpush v49, $0x4;
	[tilespmem:s26], [sflag:$0x1] =	stream.linear.gather [hbm4b:s28+s3], $0x400, $0x38;
	[tilespmem:$0x11200] =	vst v63  }
0x83: {  	s31 =	rddreg [dreg:$0xf];
	s30 =	sadd.s32 s2, s24  }
0x84: {  	[tilespmem:s29], [sflag:$0x1] =	stream.linear.gather [hbm4b:s30+s3], $0x400, $0x38;
	[tilespmem:$0x11200] =	vst v63  }
0x85: {  	s23 =	sadd.s32 s23, s8;
	s26 =	rddreg [dreg:$0x10]  }
0x86: {  	[tilespmem:s31], [sflag:$0x1] =	stream.linear.gather [hbm4b:s23+s3], $0x400, $0x38;
	[tilespmem:$0x11200] =	vst v63  }
0x87: {  	s28 =	sadd.s32 s24, s9;
	s29 =	rddreg [dreg:$0x11];
	s23 =	spop (v2sf)  }
0x88: {  	(v2sf) =	vpush v34, $0x5;
	[tilespmem:s26], [sflag:$0x1] =	stream.linear.gather [hbm4b:s28+s3], $0x400, $0x38;
	[tilespmem:$0x11200] =	vst v63  }
0x89: {  	s31 =	rddreg [dreg:$0x12];
	s24 =	spop (v2sf);
	s30 =	sadd.s32 s1, s23  }
0x8a: {  	(v2sf) =	vpush v49, $0x5;
	[tilespmem:s29], [sflag:$0x1] =	stream.linear.gather [hbm4b:s30+s3], $0x400, $0x38;
	[tilespmem:$0x11200] =	vst v63  }
0x8b: {  	s28 =	sadd.s32 s2, s24;
	s26 =	rddreg [dreg:$0x15]  }
0x8c: {  	[tilespmem:s31], [sflag:$0x1] =	stream.linear.gather [hbm4b:s28+s3], $0x400, $0x38;
	[tilespmem:$0x11200] =	vst v63  }
0x8d: {  	s29 =	rddreg [dreg:$0x13];
	s30 =	sadd.s32 s23, s8  }
0x8e: {  	[tilespmem:s29], [sflag:$0x1] =	stream.linear.gather [hbm4b:s30+s3], $0x400, $0x38;
	[tilespmem:$0x11200] =	vst v63  }
0x8f: {  	s25 =	sadd.s32 s24, s9;
	s31 =	rddreg [dreg:$0x14];
	s23 =	spop (v2sf)  }
0x90: {  	(v2sf) =	vpush v34, $0x6;
	[tilespmem:s31], [sflag:$0x1] =	stream.linear.gather [hbm4b:s25+s3], $0x400, $0x38;
	[tilespmem:$0x11200] =	vst v63  }
0x91: {  	s29 =	rddreg [dreg:$0x16];
	s24 =	spop (v2sf);
	s28 =	sadd.s32 s1, s23  }
0x92: {  	(v2sf) =	vpush v49, $0x6;
	[tilespmem:s26], [sflag:$0x1] =	stream.linear.gather [hbm4b:s28+s3], $0x400, $0x38;
	[tilespmem:$0x11200] =	vst v63  }
0x93: {  	s30 =	sadd.s32 s2, s24;
	s31 =	rddreg [dreg:$0x17]  }
0x94: {  	[tilespmem:s29], [sflag:$0x1] =	stream.linear.gather [hbm4b:s30+s3], $0x400, $0x38;
	[tilespmem:$0x11200] =	vst v63  }
0x95: {  	s23 =	sadd.s32 s23, s8;
	s26 =	rddreg [dreg:$0x18]  }
0x96: {  	[tilespmem:s31], [sflag:$0x1] =	stream.linear.gather [hbm4b:s23+s3], $0x400, $0x38;
	[tilespmem:$0x11200] =	vst v63  }
0x97: {  	s28 =	sadd.s32 s24, s9;
	s29 =	rddreg [dreg:$0x19];
	s23 =	spop (v2sf)  }
0x98: {  	(v2sf) =	vpush v34, $0x7;
	[tilespmem:s26], [sflag:$0x1] =	stream.linear.gather [hbm4b:s28+s3], $0x400, $0x38;
	[tilespmem:$0x11200] =	vst v63  }
0x99: {  	s31 =	rddreg [dreg:$0x1a];
	s24 =	spop (v2sf);
	s30 =	sadd.s32 s1, s23  }
0x9a: {  	(v2sf) =	vpush v49, $0x7;
	[tilespmem:s29], [sflag:$0x1] =	stream.linear.gather [hbm4b:s30+s3], $0x400, $0x38;
	[tilespmem:$0x11200] =	vst v63  }
0x9b: {  	s28 =	sadd.s32 s2, s24;
	s26 =	rddreg [dreg:$0x1d]  }
0x9c: {  	[tilespmem:s31], [sflag:$0x1] =	stream.linear.gather [hbm4b:s28+s3], $0x400, $0x38;
	[tilespmem:$0x11200] =	vst v63  }
0x9d: {  	s29 =	rddreg [dreg:$0x1b];
	s30 =	sadd.s32 s23, s8  }
0x9e: {  	[tilespmem:s29], [sflag:$0x1] =	stream.linear.gather [hbm4b:s30+s3], $0x400, $0x38;
	[tilespmem:$0x11200] =	vst v63  }
0x9f: {  	s25 =	sadd.s32 s24, s9;
	s31 =	rddreg [dreg:$0x1c];
	s23 =	spop (v2sf)  }
0xa0: {  	(v2sf) =	vpush v34, $0x8;
	[tilespmem:s31], [sflag:$0x1] =	stream.linear.gather [hbm4b:s25+s3], $0x400, $0x38;
	[tilespmem:$0x11200] =	vst v63  }
0xa1: {  	s24 =	spop (v2sf);
	s28 =	sadd.s32 s1, s23;
	s29 =	rddreg [dreg:$0x1e]  }
0xa2: {  	(v2sf) =	vpush v49, $0x8;
	[tilespmem:s26], [sflag:$0x1] =	stream.linear.gather [hbm4b:s28+s3], $0x400, $0x38;
	[tilespmem:$0x11200] =	vst v63  }
0xa3: {  	s30 =	sadd.s32 s2, s24;
	s31 =	rddreg [dreg:$0x1f]  }
0xa4: {  	[tilespmem:s29], [sflag:$0x1] =	stream.linear.gather [hbm4b:s30+s3], $0x400, $0x38;
	[tilespmem:$0x11200] =	vst v63  }
0xa5: {  	s23 =	sadd.s32 s23, s8;
	s26 =	sld [smem:$0x7D9]  }
0xa6: {  	[tilespmem:s31], [sflag:$0x1] =	stream.linear.gather [hbm4b:s23+s3], $0x400, $0x38;
	[tilespmem:$0x11200] =	vst v63  }
0xa7: {  	s28 =	sadd.s32 s24, s9;
	s29 =	sld [smem:$0x7DA];
	s23 =	spop (v2sf)  }
0xa8: {  	(v2sf) =	vpush v34, $0x9;
	[tilespmem:s26], [sflag:$0x1] =	stream.linear.gather [hbm4b:s28+s3], $0x400, $0x38;
	[tilespmem:$0x11200] =	vst v63  }
0xa9: {  	s31 =	sld [smem:$0x7DB];
	s24 =	spop (v2sf);
	s30 =	sadd.s32 s1, s23  }
0xaa: {  	(v2sf) =	vpush v49, $0x9;
	[tilespmem:s29], [sflag:$0x1] =	stream.linear.gather [hbm4b:s30+s3], $0x400, $0x38;
	[tilespmem:$0x11200] =	vst v63  }
0xab: {  	s28 =	sadd.s32 s2, s24;
	s29 =	sld [smem:$0x7DC]  }
0xac: {  	[tilespmem:s31], [sflag:$0x1] =	stream.linear.gather [hbm4b:s28+s3], $0x400, $0x38;
	[tilespmem:$0x11200] =	vst v63  }
0xad: {  	s30 =	sadd.s32 s23, s8;
	s31 =	sld [smem:$0x7DD]  }
0xae: {  	[tilespmem:s29], [sflag:$0x1] =	stream.linear.gather [hbm4b:s30+s3], $0x400, $0x38;
	[tilespmem:$0x11200] =	vst v63  }
0xaf: {  	s25 =	sadd.s32 s24, s9;
	s26 =	sld [smem:$0x7DE];
	s23 =	spop (v2sf)  }
0xb0: {  	(v2sf) =	vpush v34, $0xA;
	[tilespmem:s31], [sflag:$0x1] =	stream.linear.gather [hbm4b:s25+s3], $0x400, $0x38;
	[tilespmem:$0x11200] =	vst v63  }
0xb1: {  	s24 =	spop (v2sf);
	s28 =	sadd.s32 s1, s23;
	s29 =	sld [smem:$0x7DF]  }
0xb2: {  	(v2sf) =	vpush v49, $0xA;
	[tilespmem:s26], [sflag:$0x1] =	stream.linear.gather [hbm4b:s28+s3], $0x400, $0x38;
	[tilespmem:$0x11200] =	vst v63  }
0xb3: {  	s30 =	sadd.s32 s2, s24;
	s31 =	sld [smem:$0x7E0]  }
0xb4: {  	[tilespmem:s29], [sflag:$0x1] =	stream.linear.gather [hbm4b:s30+s3], $0x400, $0x38;
	[tilespmem:$0x11200] =	vst v63  }
0xb5: {  	s23 =	sadd.s32 s23, s8;
	s26 =	sld [smem:$0x7E1]  }
0xb6: {  	[tilespmem:s31], [sflag:$0x1] =	stream.linear.gather [hbm4b:s23+s3], $0x400, $0x38;
	[tilespmem:$0x11200] =	vst v63  }
0xb7: {  	s28 =	sadd.s32 s24, s9;
	s29 =	sld [smem:$0x7E2];
	s23 =	spop (v2sf)  }
0xb8: {  	(v2sf) =	vpush v34, $0xB;
	[tilespmem:s26], [sflag:$0x1] =	stream.linear.gather [hbm4b:s28+s3], $0x400, $0x38;
	[tilespmem:$0x11200] =	vst v63  }
0xb9: {  	s31 =	sld [smem:$0x7E3];
	s24 =	spop (v2sf);
	s30 =	sadd.s32 s1, s23  }
0xba: {  	(v2sf) =	vpush v49, $0xB;
	[tilespmem:s29], [sflag:$0x1] =	stream.linear.gather [hbm4b:s30+s3], $0x400, $0x38;
	[tilespmem:$0x11200] =	vst v63  }
0xbb: {  	s28 =	sadd.s32 s2, s24;
	s29 =	sld [smem:$0x7E4]  }
0xbc: {  	[tilespmem:s31], [sflag:$0x1] =	stream.linear.gather [hbm4b:s28+s3], $0x400, $0x38;
	[tilespmem:$0x11200] =	vst v63  }
0xbd: {  	s30 =	sadd.s32 s23, s8;
	s31 =	sld [smem:$0x7E5]  }
0xbe: {  	[tilespmem:s29], [sflag:$0x1] =	stream.linear.gather [hbm4b:s30+s3], $0x400, $0x38;
	[tilespmem:$0x11200] =	vst v63  }
0xbf: {  	s25 =	sadd.s32 s24, s9;
	s26 =	sld [smem:$0x7E6];
	s23 =	spop (v2sf)  }
0xc0: {  	(v2sf) =	vpush v34, $0xC;
	[tilespmem:s31], [sflag:$0x1] =	stream.linear.gather [hbm4b:s25+s3], $0x400, $0x38;
	[tilespmem:$0x11200] =	vst v63  }
0xc1: {  	s24 =	spop (v2sf);
	s28 =	sadd.s32 s1, s23;
	s29 =	sld [smem:$0x7E7]  }
0xc2: {  	(v2sf) =	vpush v49, $0xC;
	[tilespmem:s26], [sflag:$0x1] =	stream.linear.gather [hbm4b:s28+s3], $0x400, $0x38;
	[tilespmem:$0x11200] =	vst v63  }
0xc3: {  	s30 =	sadd.s32 s2, s24;
	s31 =	sld [smem:$0x7E8]  }
0xc4: {  	[tilespmem:s29], [sflag:$0x1] =	stream.linear.gather [hbm4b:s30+s3], $0x400, $0x38;
	[tilespmem:$0x11200] =	vst v63  }
0xc5: {  	s23 =	sadd.s32 s23, s8;
	s26 =	sld [smem:$0x7E9]  }
0xc6: {  	[tilespmem:s31], [sflag:$0x1] =	stream.linear.gather [hbm4b:s23+s3], $0x400, $0x38;
	[tilespmem:$0x11200] =	vst v63  }
0xc7: {  	s28 =	sadd.s32 s24, s9;
	s29 =	sld [smem:$0x7EA];
	s23 =	spop (v2sf)  }
0xc8: {  	(v2sf) =	vpush v34, $0xD;
	[tilespmem:s26], [sflag:$0x1] =	stream.linear.gather [hbm4b:s28+s3], $0x400, $0x38;
	[tilespmem:$0x11200] =	vst v63  }
0xc9: {  	s31 =	sld [smem:$0x7EB];
	s24 =	spop (v2sf);
	s30 =	sadd.s32 s1, s23  }
0xca: {  	(v2sf) =	vpush v49, $0xD;
	[tilespmem:s29], [sflag:$0x1] =	stream.linear.gather [hbm4b:s30+s3], $0x400, $0x38;
	[tilespmem:$0x11200] =	vst v63  }
0xcb: {  	s28 =	sadd.s32 s2, s24;
	s29 =	sld [smem:$0x7EC]  }
0xcc: {  	[tilespmem:s31], [sflag:$0x1] =	stream.linear.gather [hbm4b:s28+s3], $0x400, $0x38;
	[tilespmem:$0x11200] =	vst v63  }
0xcd: {  	s30 =	sadd.s32 s23, s8;
	s31 =	sld [smem:$0x7ED]  }
0xce: {  	[tilespmem:s29], [sflag:$0x1] =	stream.linear.gather [hbm4b:s30+s3], $0x400, $0x38;
	[tilespmem:$0x11200] =	vst v63  }
0xcf: {  	s25 =	sadd.s32 s24, s9;
	s26 =	sld [smem:$0x7EE];
	s23 =	spop (v2sf)  }
0xd0: {  	(v2sf) =	vpush v34, $0xE;
	[tilespmem:s31], [sflag:$0x1] =	stream.linear.gather [hbm4b:s25+s3], $0x400, $0x38;
	[tilespmem:$0x11200] =	vst v63  }
0xd1: {  	s24 =	spop (v2sf);
	s28 =	sadd.s32 s1, s23;
	s29 =	sld [smem:$0x7EF]  }
0xd2: {  	(v2sf) =	vpush v49, $0xE;
	[tilespmem:s26], [sflag:$0x1] =	stream.linear.gather [hbm4b:s28+s3], $0x400, $0x38;
	[tilespmem:$0x11200] =	vst v63  }
0xd3: {  	s30 =	sadd.s32 s2, s24;
	s31 =	sld [smem:$0x7F0]  }
0xd4: {  	[tilespmem:s29], [sflag:$0x1] =	stream.linear.gather [hbm4b:s30+s3], $0x400, $0x38;
	[tilespmem:$0x11200] =	vst v63  }
0xd5: {  	s23 =	sadd.s32 s23, s8;
	s26 =	sld [smem:$0x7F1]  }
0xd6: {  	[tilespmem:s31], [sflag:$0x1] =	stream.linear.gather [hbm4b:s23+s3], $0x400, $0x38;
	[tilespmem:$0x11200] =	vst v63  }
0xd7: {  	s28 =	sadd.s32 s24, s9;
	s29 =	sld [smem:$0x7F2];
	s23 =	spop (v2sf)  }
0xd8: {  	(v2sf) =	vpush v34, $0xF;
	[tilespmem:s26], [sflag:$0x1] =	stream.linear.gather [hbm4b:s28+s3], $0x400, $0x38;
	[tilespmem:$0x11200] =	vst v63  }
0xd9: {  	s31 =	sld [smem:$0x7F3];
	s24 =	spop (v2sf);
	s30 =	sadd.s32 s1, s23  }
0xda: {  	(v2sf) =	vpush v49, $0xF;
	[tilespmem:s29], [sflag:$0x1] =	stream.linear.gather [hbm4b:s30+s3], $0x400, $0x38;
	[tilespmem:$0x11200] =	vst v63  }
0xdb: {  	s28 =	sadd.s32 s2, s24;
	s29 =	sld [smem:$0x7F4]  }
0xdc: {  	[tilespmem:s31], [sflag:$0x1] =	stream.linear.gather [hbm4b:s28+s3], $0x400, $0x38;
	[tilespmem:$0x11200] =	vst v63  }
0xdd: {  	s30 =	sadd.s32 s23, s8;
	s31 =	sld [smem:$0x7F5]  }
0xde: {  	[tilespmem:s29], [sflag:$0x1] =	stream.linear.gather [hbm4b:s30+s3], $0x400, $0x38;
	[tilespmem:$0x11200] =	vst v63  }
0xdf: {  	s24 =	sadd.s32 s24, s9;
	s26 =	sld [smem:$0x7F6];
	s22 =	spop (v2sf)  }
0xe0: {  	[tilespmem:s31], [sflag:$0x1] =	stream.linear.gather [hbm4b:s24+s3], $0x400, $0x38;
	[tilespmem:$0x11200] =	vst v63  }
0xe1: {  	s23 =	spop (v2sf);
	s28 =	sadd.s32 s1, s22;
	s29 =	sld [smem:$0x7F7]  }
0xe2: {  	[tilespmem:s26], [sflag:$0x1] =	stream.linear.gather [hbm4b:s28+s3], $0x400, $0x38;
	[tilespmem:$0x11200] =	vst v63  }
0xe3: {  	s30 =	sadd.s32 s2, s23;
	s31 =	sld [smem:$0x7F8]  }
0xe4: {  	[tilespmem:s29], [sflag:$0x1] =	stream.linear.gather [hbm4b:s30+s3], $0x400, $0x38;
	[tilespmem:$0x11200] =	vst v63  }
0xe5: {  	s22 =	sadd.s32 s22, s8;
	s28 =	sld [smem:$0x7F9]  }
0xe6: {  	[tilespmem:s31], [sflag:$0x1] =	stream.linear.gather [hbm4b:s22+s3], $0x400, $0x38;
	[tilespmem:$0x11200] =	vst v63  }
0xe7: {  	s23 =	sadd.s32 s23, s9;
	s29 =	sld [smem:$0x7FA];
	s22 =	spop (v2sf)  }
0xe8: {  	[tilespmem:s28], [sflag:$0x1] =	stream.linear.gather [hbm4b:s23+s3], $0x400, $0x38;
	[tilespmem:$0x11200] =	vst v63  }
0xe9: {  	s31 =	sld [smem:$0x7FB];
	s30 =	sadd.s32 s1, s22;
	s23 =	spop (v2sf)  }
0xea: {  	[tilespmem:s29], [sflag:$0x1] =	stream.linear.gather [hbm4b:s30+s3], $0x400, $0x38;
	[tilespmem:$0x11200] =	vst v63  }
0xeb: {  	s28 =	sadd.s32 s2, s23;
	s29 =	sld [smem:$0x7FC]  }
0xec: {  	[tilespmem:s31], [sflag:$0x1] =	stream.linear.gather [hbm4b:s28+s3], $0x400, $0x38;
	[tilespmem:$0x11200] =	vst v63  }
0xed: {  	s22 =	sadd.s32 s22, s8;
	s30 =	sld [smem:$0x7FD]  }
0xee: {  	[tilespmem:s29], [sflag:$0x1] =	stream.linear.gather [hbm4b:s22+s3], $0x400, $0x38;
	[tilespmem:$0x11200] =	vst v63  }
0xef: {  	s31 =	sadd.s32 s23, s9  }
0xf0: {  	[tilespmem:s30], [sflag:$0x1] =	stream.linear.gather [hbm4b:s31+s3], $0x400, $0x38;
	[tilespmem:$0x11200] =	vst v63  }
0xf1: {  	_ =	swait.ge [sflag:s17], $0x400  }
0xf2: {  	[sflag:s17] =	ssyncset.done $0x0  }
0xf3: {  	[sflag:s17] =	ssyncadd.s32 $0xFFFFFC00  }
0xf4: {  	_ =	swait.ge [sflag:s17], $0x400  }
0xf5: {  	[sflag:s17] =	ssyncset.done $0x0  }
0xf6: {  	[sflag:s17] =	ssyncadd.s32 $0xFFFFFC00  }
0xf7: {  	_ =	swait.ge [sflag:s17], $0x400  }
0xf8: {  	[sflag:s17] =	ssyncset.done $0x0  }
0xf9: {  	[sflag:s17] =	ssyncadd.s32 $0xFFFFFC00  }
0xfa: {  	_ =	swait.ge [sflag:s17], $0x400  }
0xfb: {  	[sflag:s17] =	ssyncset.done $0x0  }
0xfc: {  	[sflag:s17] =	ssyncadd.s32 $0xFFFFFC00  }
0xfd: {  	_ =	swait.ge [sflag:s17], $0x400  }
0xfe: {  	[sflag:s17] =	ssyncset.done $0x0  }
0xff: {  	[sflag:s17] =	ssyncadd.s32 $0xFFFFFC00  }
0x100: {  	_ =	swait.ge [sflag:s17], $0x400  }
0x101: {  	[sflag:s17] =	ssyncset.done $0x0  }
0x102: {  	[sflag:s17] =	ssyncadd.s32 $0xFFFFFC00  }
0x103: {  	_ =	swait.ge [sflag:s17], $0x400  }
0x104: {  	[sflag:s17] =	ssyncset.done $0x0  }
0x105: {  	[sflag:s17] =	ssyncadd.s32 $0xFFFFFC00  }
0x106: {  	_ =	swait.ge [sflag:s17], $0x400  }
0x107: {  	[sflag:s17] =	ssyncset.done $0x0  }
0x108: {  	[sflag:s17] =	ssyncadd.s32 $0xFFFFFC00  }
0x109: {  	_ =	swait.ge [sflag:s17], $0x400  }
0x10a: {  	[sflag:s17] =	ssyncset.done $0x0  }
0x10b: {  	[sflag:s17] =	ssyncadd.s32 $0xFFFFFC00  }
0x10c: {  	_ =	swait.ge [sflag:s17], $0x400  }
0x10d: {  	[sflag:s17] =	ssyncset.done $0x0  }
0x10e: {  	[sflag:s17] =	ssyncadd.s32 $0xFFFFFC00  }
0x10f: {  	_ =	swait.ge [sflag:s17], $0x400  }
0x110: {  	[sflag:s17] =	ssyncset.done $0x0  }
0x111: {  	[sflag:s17] =	ssyncadd.s32 $0xFFFFFC00  }
0x112: {  	_ =	swait.ge [sflag:s17], $0x400  }
0x113: {  	[sflag:s17] =	ssyncset.done $0x0  }
0x114: {  	[sflag:s17] =	ssyncadd.s32 $0xFFFFFC00  }
0x115: {  	_ =	swait.ge [sflag:s17], $0x400  }
0x116: {  	[sflag:s17] =	ssyncset.done $0x0  }
0x117: {  	[sflag:s17] =	ssyncadd.s32 $0xFFFFFC00  }
0x118: {  	_ =	swait.ge [sflag:s17], $0x400  }
0x119: {  	[sflag:s17] =	ssyncset.done $0x0  }
0x11a: {  	[sflag:s17] =	ssyncadd.s32 $0xFFFFFC00  }
0x11b: {  	_ =	swait.ge [sflag:s17], $0x400  }
0x11c: {  	[sflag:s17] =	ssyncset.done $0x0  }
0x11d: {  	[sflag:s17] =	ssyncadd.s32 $0xFFFFFC00  }
0x11e: {  	_ =	swait.ge [sflag:s17], $0x400  }
0x11f: {  	[sflag:s17] =	ssyncset.done $0x0  }
0x120: {  	[sflag:s17] =	ssyncadd.s32 $0xFFFFFC00  }
0x121: {  	_ =	swait.ge [sflag:s17], $0x400  }
0x122: {  	[sflag:s17] =	ssyncset.done $0x0  }
0x123: {  	[sflag:s17] =	ssyncadd.s32 $0xFFFFFC00  }
0x124: {  	_ =	swait.ge [sflag:s17], $0x400  }
0x125: {  	[sflag:s17] =	ssyncset.done $0x0  }
0x126: {  	[sflag:s17] =	ssyncadd.s32 $0xFFFFFC00  }
0x127: {  	_ =	swait.ge [sflag:s17], $0x400  }
0x128: {  	[sflag:s17] =	ssyncset.done $0x0  }
0x129: {  	[sflag:s17] =	ssyncadd.s32 $0xFFFFFC00  }
0x12a: {  	_ =	swait.ge [sflag:s17], $0x400  }
0x12b: {  	[sflag:s17] =	ssyncset.done $0x0  }
0x12c: {  	[sflag:s17] =	ssyncadd.s32 $0xFFFFFC00  }
0x12d: {  	_ =	swait.ge [sflag:s17], $0x400  }
0x12e: {  	[sflag:s17] =	ssyncset.done $0x0  }
0x12f: {  	[sflag:s17] =	ssyncadd.s32 $0xFFFFFC00  }
0x130: {  	_ =	swait.ge [sflag:s17], $0x400  }
0x131: {  	[sflag:s17] =	ssyncset.done $0x0  }
0x132: {  	[sflag:s17] =	ssyncadd.s32 $0xFFFFFC00  }
0x133: {  	_ =	swait.ge [sflag:s17], $0x400  }
0x134: {  	[sflag:s17] =	ssyncset.done $0x0  }
0x135: {  	[sflag:s17] =	ssyncadd.s32 $0xFFFFFC00  }
0x136: {  	_ =	swait.ge [sflag:s17], $0x400  }
0x137: {  	[sflag:s17] =	ssyncset.done $0x0  }
0x138: {  	[sflag:s17] =	ssyncadd.s32 $0xFFFFFC00  }
0x139: {  	_ =	swait.ge [sflag:s17], $0x400  }
0x13a: {  	[sflag:s17] =	ssyncset.done $0x0  }
0x13b: {  	[sflag:s17] =	ssyncadd.s32 $0xFFFFFC00  }
0x13c: {  	_ =	swait.ge [sflag:s17], $0x400  }
0x13d: {  	[sflag:s17] =	ssyncset.done $0x0  }
0x13e: {  	[sflag:s17] =	ssyncadd.s32 $0xFFFFFC00  }
0x13f: {  	_ =	swait.ge [sflag:s17], $0x400  }
0x140: {  	[sflag:s17] =	ssyncset.done $0x0  }
0x141: {  	[sflag:s17] =	ssyncadd.s32 $0xFFFFFC00  }
0x142: {  	_ =	swait.ge [sflag:s17], $0x400  }
0x143: {  	[sflag:s17] =	ssyncset.done $0x0  }
0x144: {  	[sflag:s17] =	ssyncadd.s32 $0xFFFFFC00  }
0x145: {  	_ =	swait.ge [sflag:s17], $0x400  }
0x146: {  	[sflag:s17] =	ssyncset.done $0x0  }
0x147: {  	[sflag:s17] =	ssyncadd.s32 $0xFFFFFC00  }
0x148: {  	_ =	swait.ge [sflag:s17], $0x400  }
0x149: {  	[sflag:s17] =	ssyncset.done $0x0  }
0x14a: {  	[sflag:s17] =	ssyncadd.s32 $0xFFFFFC00  }
0x14b: {  	_ =	swait.ge [sflag:s17], $0x400  }
0x14c: {  	[sflag:s17] =	ssyncset.done $0x0  }
0x14d: {  	[sflag:s17] =	ssyncadd.s32 $0xFFFFFC00  }
0x14e: {  	_ =	swait.ge [sflag:s17], $0x400  }
0x14f: {  	[sflag:s17] =	ssyncset.done $0x0  }
0x150: {  	[sflag:s17] =	ssyncadd.s32 $0xFFFFFC00  }
0x151: {  	_ =	swait.ge [sflag:s17], $0x400  }
0x152: {  	[sflag:s17] =	ssyncset.done $0x0  }
0x153: {  	[sflag:s17] =	ssyncadd.s32 $0xFFFFFC00  }
0x154: {  	_ =	swait.ge [sflag:s17], $0x400  }
0x155: {  	[sflag:s17] =	ssyncset.done $0x0  }
0x156: {  	[sflag:s17] =	ssyncadd.s32 $0xFFFFFC00  }
0x157: {  	_ =	swait.ge [sflag:s17], $0x400  }
0x158: {  	[sflag:s17] =	ssyncset.done $0x0  }
0x159: {  	[sflag:s17] =	ssyncadd.s32 $0xFFFFFC00  }
0x15a: {  	_ =	swait.ge [sflag:s17], $0x400  }
0x15b: {  	[sflag:s17] =	ssyncset.done $0x0  }
0x15c: {  	[sflag:s17] =	ssyncadd.s32 $0xFFFFFC00  }
0x15d: {  	_ =	swait.ge [sflag:s17], $0x400  }
0x15e: {  	[sflag:s17] =	ssyncset.done $0x0  }
0x15f: {  	[sflag:s17] =	ssyncadd.s32 $0xFFFFFC00  }
0x160: {  	_ =	swait.ge [sflag:s17], $0x400  }
0x161: {  	[sflag:s17] =	ssyncset.done $0x0  }
0x162: {  	[sflag:s17] =	ssyncadd.s32 $0xFFFFFC00  }
0x163: {  	_ =	swait.ge [sflag:s17], $0x400  }
0x164: {  	[sflag:s17] =	ssyncset.done $0x0  }
0x165: {  	[sflag:s17] =	ssyncadd.s32 $0xFFFFFC00  }
0x166: {  	_ =	swait.ge [sflag:s17], $0x400  }
0x167: {  	[sflag:s17] =	ssyncset.done $0x0  }
0x168: {  	[sflag:s17] =	ssyncadd.s32 $0xFFFFFC00  }
0x169: {  	_ =	swait.ge [sflag:s17], $0x400  }
0x16a: {  	[sflag:s17] =	ssyncset.done $0x0  }
0x16b: {  	[sflag:s17] =	ssyncadd.s32 $0xFFFFFC00  }
0x16c: {  	_ =	swait.ge [sflag:s17], $0x400  }
0x16d: {  	[sflag:s17] =	ssyncset.done $0x0  }
0x16e: {  	[sflag:s17] =	ssyncadd.s32 $0xFFFFFC00  }
0x16f: {  	_ =	swait.ge [sflag:s17], $0x400  }
0x170: {  	[sflag:s17] =	ssyncset.done $0x0  }
0x171: {  	[sflag:s17] =	ssyncadd.s32 $0xFFFFFC00  }
0x172: {  	_ =	swait.ge [sflag:s17], $0x400  }
0x173: {  	[sflag:s17] =	ssyncset.done $0x0  }
0x174: {  	[sflag:s17] =	ssyncadd.s32 $0xFFFFFC00  }
0x175: {  	_ =	swait.ge [sflag:s17], $0x400  }
0x176: {  	[sflag:s17] =	ssyncset.done $0x0  }
0x177: {  	[sflag:s17] =	ssyncadd.s32 $0xFFFFFC00  }
0x178: {  	_ =	swait.ge [sflag:s17], $0x400  }
0x179: {  	[sflag:s17] =	ssyncset.done $0x0  }
0x17a: {  	[sflag:s17] =	ssyncadd.s32 $0xFFFFFC00  }
0x17b: {  	_ =	swait.ge [sflag:s17], $0x400  }
0x17c: {  	[sflag:s17] =	ssyncset.done $0x0  }
0x17d: {  	[sflag:s17] =	ssyncadd.s32 $0xFFFFFC00  }
0x17e: {  	_ =	swait.ge [sflag:s17], $0x400  }
0x17f: {  	[sflag:s17] =	ssyncset.done $0x0  }
0x180: {  	[sflag:s17] =	ssyncadd.s32 $0xFFFFFC00  }
0x181: {  	_ =	swait.ge [sflag:s17], $0x400  }
0x182: {  	[sflag:s17] =	ssyncset.done $0x0  }
0x183: {  	[sflag:s17] =	ssyncadd.s32 $0xFFFFFC00  }
0x184: {  	_ =	swait.ge [sflag:s17], $0x400  }
0x185: {  	[sflag:s17] =	ssyncset.done $0x0  }
0x186: {  	[sflag:s17] =	ssyncadd.s32 $0xFFFFFC00  }
0x187: {  	_ =	swait.ge [sflag:s17], $0x400  }
0x188: {  	[sflag:s17] =	ssyncset.done $0x0  }
0x189: {  	[sflag:s17] =	ssyncadd.s32 $0xFFFFFC00  }
0x18a: {  	_ =	swait.ge [sflag:s17], $0x400  }
0x18b: {  	[sflag:s17] =	ssyncset.done $0x0  }
0x18c: {  	[sflag:s17] =	ssyncadd.s32 $0xFFFFFC00  }
0x18d: {  	_ =	swait.ge [sflag:s17], $0x400  }
0x18e: {  	[sflag:s17] =	ssyncset.done $0x0  }
0x18f: {  	[sflag:s17] =	ssyncadd.s32 $0xFFFFFC00  }
0x190: {  	_ =	swait.ge [sflag:s17], $0x400  }
0x191: {  	[sflag:s17] =	ssyncset.done $0x0  }
0x192: {  	[sflag:s17] =	ssyncadd.s32 $0xFFFFFC00  }
0x193: {  	_ =	swait.ge [sflag:s17], $0x400  }
0x194: {  	[sflag:s17] =	ssyncset.done $0x0  }
0x195: {  	[sflag:s17] =	ssyncadd.s32 $0xFFFFFC00  }
0x196: {  	_ =	swait.ge [sflag:s17], $0x400  }
0x197: {  	[sflag:s17] =	ssyncset.done $0x0  }
0x198: {  	[sflag:s17] =	ssyncadd.s32 $0xFFFFFC00  }
0x199: {  	_ =	swait.ge [sflag:s17], $0x400  }
0x19a: {  	[sflag:s17] =	ssyncset.done $0x0  }
0x19b: {  	[sflag:s17] =	ssyncadd.s32 $0xFFFFFC00  }
0x19c: {  	_ =	swait.ge [sflag:s17], $0x400  }
0x19d: {  	[sflag:s17] =	ssyncset.done $0x0  }
0x19e: {  	[sflag:s17] =	ssyncadd.s32 $0xFFFFFC00  }
0x19f: {  	_ =	swait.ge [sflag:s17], $0x400  }
0x1a0: {  	[sflag:s17] =	ssyncset.done $0x0  }
0x1a1: {  	[sflag:s17] =	ssyncadd.s32 $0xFFFFFC00  }
0x1a2: {  	_ =	swait.ge [sflag:s17], $0x400  }
0x1a3: {  	[sflag:s17] =	ssyncset.done $0x0  }
0x1a4: {  	[sflag:s17] =	ssyncadd.s32 $0xFFFFFC00  }
0x1a5: {  	_ =	swait.ge [sflag:s17], $0x400  }
0x1a6: {  	[sflag:s17] =	ssyncset.done $0x0  }
0x1a7: {  	[sflag:s17] =	ssyncadd.s32 $0xFFFFFC00  }
0x1a8: {  	_ =	swait.ge [sflag:s17], $0x400  }
0x1a9: {  	[sflag:s17] =	ssyncset.done $0x0  }
0x1aa: {  	[sflag:s17] =	ssyncadd.s32 $0xFFFFFC00  }
0x1ab: {  	_ =	swait.ge [sflag:s17], $0x400  }
0x1ac: {  	[sflag:s17] =	ssyncset.done $0x0  }
0x1ad: {  	[sflag:s17] =	ssyncadd.s32 $0xFFFFFC00  }
0x1ae: {  	_ =	swait.ge [sflag:s17], $0x400  }
0x1af: {  	[sflag:s17] =	ssyncset.done $0x0  }
0x1b0: {  	[sflag:s17] =	ssyncadd.s32 $0xFFFFFC00  }
0x1b1: {  	v50 =	vld [tilespmem:s21+$0x0]  }
0x1b2: {  	v51 =	vld [tilespmem:s21+$0x200];
	_ =	sdelay $0x3  }
0x1b3: {  	v33 =	vand.u32 $0x7F, v50  }
0x1b4: {  	v34 =	vand.u32 $0x7F, v51;
	v52 =	vor.u32 v0, v33  }
0x1b5: {  	v36 =	vor.u32 v0, v34  }
0x1b6: {  	v37 =	vor.u32 v1, v33  }
0x1b7: {  	v38 =	vor.u32 v1, v34  }
0x1b8: {  	v39 =	vor.u32 v2, v33  }
0x1b9: {  	v40 =	vor.u32 v2, v34;
	v35 =	vld.idx.msk [tilespmem:v52+s15+$0x0], $0xffff  }
0x1ba: {  	v41 =	vor.u32 v3, v33;
	v36 =	vld.idx.msk [tilespmem:v36+s16+$0x0], $0xffff  }
0x1bb: {  	v42 =	vor.u32 v3, v34;
	v37 =	vld.idx.msk [tilespmem:v37+s15+$0x0], $0xffff  }
0x1bc: {  	v43 =	vor.u32 v4, v33;
	v38 =	vld.idx.msk [tilespmem:v38+s16+$0x0], $0xffff  }
0x1bd: {  	v54 =	vor.u32 v4, v34;
	v39 =	vld.idx.msk [tilespmem:v39+s15+$0x0], $0xffff  }
0x1be: {  	v44 =	vor.u32 v5, v33;
	v53 =	vld.idx.msk [tilespmem:v40+s16+$0x0], $0xffff  }
0x1bf: {  	v56 =	vor.u32 v5, v34;
	v41 =	vld.idx.msk [tilespmem:v41+s15+$0x0], $0xffff  }
0x1c0: {  	v45 =	vor.u32 v6, v33;
	v55 =	vld.idx.msk [tilespmem:v42+s16+$0x0], $0xffff;
	v35 =	vmul.f32 v36, v35  }
0x1c1: {  	v58 =	vor.u32 v6, v34;
	v43 =	vld.idx.msk [tilespmem:v43+s15+$0x0], $0xffff  }
0x1c2: {  	v60 =	vor.u32 v7, v33;
	v57 =	vld.idx.msk [tilespmem:v54+s16+$0x0], $0xffff;
	v37 =	vmul.f32 v38, v37;
	v35 =	vmul.f32 v35, v16  }
0x1c3: {  	v62 =	vor.u32 v7, v34;
	v59 =	vld.idx.msk [tilespmem:v44+s15+$0x0], $0xffff  }
0x1c4: {  	v61 =	vld.idx.msk [tilespmem:v56+s16+$0x0], $0xffff;
	v36 =	vmul.f32 v53, v39;
	v37 =	vmul.f32 v37, v17;
	v35 =	vadd.f32 v35, v32  }
0x1c5: {  	v48 =	vor.u32 v8, v33;
	v49 =	vor.u32 v8, v34;
	v63 =	vld.idx.msk [tilespmem:v45+s15+$0x0], $0xffff  }
0x1c6: {  	v40 =	vld.idx.msk [tilespmem:v58+s16+$0x0], $0xffff;
	v38 =	vmul.f32 v55, v41;
	v36 =	vmul.f32 v36, v18;
	v35 =	vadd.f32 v37, v35  }
0x1c7: {  	v51 =	vld.idx.msk [tilespmem:v60+s15+$0x0], $0xffff;
	v52 =	vor.u32 v9, v33;
	v54 =	vor.u32 v9, v34  }
0x1c8: {  	v39 =	vmul.f32 v57, v43;
	v53 =	vld.idx.msk [tilespmem:v62+s16+$0x0], $0xffff;
	v38 =	vmul.f32 v38, v19;
	v35 =	vadd.f32 v36, v35  }
0x1c9: {  	v56 =	vor.u32 v10, v33;
	v58 =	vor.u32 v10, v34  }
0x1ca: {  	v55 =	vld.idx.msk [tilespmem:v48+s15+$0x0], $0xffff;
	v50 =	vmul.f32 v39, v20;
	v37 =	vmul.f32 v61, v59;
	v35 =	vadd.f32 v38, v35  }
0x1cb: {  	v46 =	vor.u32 v11, v33;
	v60 =	vor.u32 v11, v34;
	v57 =	vld.idx.msk [tilespmem:v49+s16+$0x0], $0xffff  }
0x1cc: {  	v59 =	vld.idx.msk [tilespmem:v52+s15+$0x0], $0xffff;
	v37 =	vmul.f32 v37, v21;
	v36 =	vmul.f32 v40, v63;
	v35 =	vadd.f32 v50, v35  }
0x1cd: {  	v62 =	vor.u32 v12, v33;
	v39 =	vmul.f32 v53, v51;
	v61 =	vld.idx.msk [tilespmem:v54+s16+$0x0], $0xffff  }
0x1ce: {  	v48 =	vor.u32 v12, v34;
	v49 =	vld.idx.msk [tilespmem:v58+s16+$0x0], $0xffff;
	v36 =	vmul.f32 v36, v22;
	v35 =	vadd.f32 v37, v35  }
0x1cf: {  	v47 =	vor.u32 v13, v34;
	v39 =	vmul.f32 v39, v23;
	v63 =	vld.idx.msk [tilespmem:v56+s15+$0x0], $0xffff  }
0x1d0: {  	v46 =	vld.idx.msk [tilespmem:v46+s15+$0x0], $0xffff;
	v38 =	vmul.f32 v57, v55;
	v50 =	vor.u32 v13, v33;
	v35 =	vadd.f32 v36, v35  }
0x1d1: {  	v51 =	vld.idx.msk [tilespmem:v60+s16+$0x0], $0xffff;
	v52 =	vor.u32 v14, v33;
	v54 =	vor.u32 v14, v34  }
0x1d2: {  	v53 =	vld.idx.msk [tilespmem:v62+s15+$0x0], $0xffff;
	v38 =	vmul.f32 v38, v24;
	v37 =	vmul.f32 v61, v59;
	v35 =	vadd.f32 v39, v35  }
0x1d3: {  	v34 =	vor.u32 v15, v34;
	v55 =	vld.idx.msk [tilespmem:v48+s16+$0x0], $0xffff;
	v33 =	vor.u32 v15, v33  }
0x1d4: {  	v57 =	vld.idx.msk [tilespmem:v47+s16+$0x0], $0xffff;
	v36 =	vmul.f32 v49, v63;
	v37 =	vmul.f32 v37, v25;
	v35 =	vadd.f32 v38, v35  }
0x1d5: {  	v56 =	vld.idx.msk [tilespmem:v50+s15+$0x0], $0xffff  }
0x1d6: {  	v58 =	vmul.f32 v51, v46;
	v42 =	vld.idx.msk [tilespmem:v54+s16+$0x0], $0xffff;
	v36 =	vmul.f32 v36, v26;
	v35 =	vadd.f32 v37, v35  }
0x1d7: {  	v59 =	vld.idx.msk [tilespmem:v52+s15+$0x0], $0xffff  }
0x1d8: {  	v34 =	vld.idx.msk [tilespmem:v34+s16+$0x0], $0xffff;
	v60 =	vmul.f32 v55, v53;
	v37 =	vmul.f32 v58, v27;
	v35 =	vadd.f32 v36, v35  }
0x1d9: {  	v33 =	vld.idx.msk [tilespmem:v33+s15+$0x0], $0xffff  }
0x1da: {  	v61 =	vmul.f32 v57, v56;
	v36 =	vmul.f32 v60, v28;
	v35 =	vadd.f32 v37, v35;
	_ =	sdelay $0x1  }
0x1db: {  	v62 =	vmul.f32 v42, v59;
	v37 =	vmul.f32 v61, v29;
	v35 =	vadd.f32 v36, v35;
	_ =	sdelay $0x1  }
0x1dc: {  	v33 =	vmul.f32 v34, v33;
	v36 =	vmul.f32 v62, v30;
	v35 =	vadd.f32 v37, v35;
	_ =	sdelay $0x1  }
0x1dd: {  	p0 =	sne.s32 s20, $0x7C0;
	v33 =	vmul.f32 v33, v31;
	v63 =	vadd.f32 v36, v35  }
.Ltmp0:
0x1de: {  	_ = 	snop;
	(pc) =	sbr.rel @p0 .LBB2_2-.Ltmp0, $3  }
0x1df: {  	v33 =	vadd.f32 v33, v63;
	_ =	sdelay $0x1  }
0x1e0: {  	v33 =	vmax.f32 v33, $0.0e+00  }
0x1e1: {  	s20 =	sadd.s32 $0x40, s20;
	[tilespmem:s21+$0x10400] =	vst v33  }
0x1e2: {  	s19 =	sadd.s32 $0x1, s19  }
0x1e3: {  	p0 =	sne.s32 s19, s11  }
.Ltmp1:
0x1e4: {  	_ = 	snop;
	(pc) =	sbr.rel @p0 .LBB2_1-.Ltmp1, $4  }
0x1e5: {  	[hbm4b:s10+s3] =	stream.linear.scatter [tilespmem:s18], [sflag:$0x2], $0x200, $0x38;
	[tilespmem:$0x11200] =	vst v63  }
0x1e6: {  	_ =	swait.ge [sflag:s12], $0x200  }
0x1e7: {  	[sflag:s12] =	ssyncset.done $0x0  }
0x1e8: {  	[sflag:s12] =	ssyncadd.s32 $0xFFFFFE00  }
0x1e9: {  	_ =	sfence.sel $0x180000  }
0x1ea: {  	[bflag:$0x0] =	sbarrier.arrive $0xFFFF  }
0x1eb: {  	p0 =	sne.s32 s5, $0x0;
	_ =	strace $0x90000047  }
0x1ec: {  	s0 =	sadd.s32 @!p0 $0x100000, s0;
	[bflag:$0x2] =	sbarrier.arrive $0xFFFF  }
0x1ed: {  	[sflag:s0] =	ssyncadd.tile.s32 @!p0 $0x1;
	_ =	shalt  }
.Lfunc_end2:
_tile_overlayer_lowered:
.L_overlay_start_2:
0x1ee: {  	(tag) =	ssettag $0x2  }
0x1ef: {  	s0 =	rddreg [dreg:$0x0];
	s2 =	stileid.u32  }
0x1f0: {  	s1 =	rddreg [dreg:$0x1];
	p0 =	sne.s32 s2, $0x0  }
0x1f1: {  	s3 =	rddreg [dreg:$0x2];
	[bflag:$0x3] =	sbarrier.arrive $0xFFFF;
	s2 =	simm.s32 @!p0 $0x1C02  }
0x1f2: {  	[timem:s3], [sflag:s2] =	dma.local @!p0 [hbm:s0], s1  }
0x1f3: {  	s0 =	simm.s32 @!p0 $0x2  }
0x1f4: {  	_ =	swait.ge @!p0 [sflag:s0], s1  }
0x1f5: {  	s1 =	ssub.s32 @!p0 $0x0, s1;
	[sflag:s0] =	ssyncset.done @!p0 $0x0  }
0x1f6: {  	[sflag:s0] =	ssyncadd.s32 @!p0 s1  }
0x1f7: {  	[bflag:$0x3] =	sbarrier.arrive $0xFFFF  }
0x1f8: {  	_ =	shalt  }

</sc_bundles>
